<compile_context>
chip_gen: v7x
topology: tpu7x:2x2x1
jax: 0.10.2.dev20260603
libtpu: 0.0.44.dev20260713+nightly
codegen_flags: <defaults>
</compile_context>

<pallas_src>
import jax
import jax.numpy as jnp
from jax import lax
from jax.experimental import pallas as pl
from jax.experimental.pallas import tpu as pltpu
from jax.experimental.pallas import tpu_sc as plsc

N = 100000
E = 1600000
RNN = 20
RNN_E = 8
HID = 64
LAT = 32

CH = 128
GK = 8
E_PAD = 1605632
NCH = E_PAD // CH
G_PAD = 3211264
DUMMY = N
N_ACC = 100096

_BE1 = 12800
_BE3 = 6400
_BN = 4352


def _leaky(v):
    return jnp.where(v >= 0, v, 0.01 * v)


def _dot(a, b):
    return jnp.dot(a, b, preferred_element_type=jnp.float32)


def _k1_body(ea_ref, hh_ref, hc_ref, wi_ref, wh_ref, b_ref,
             h2_ref, c2_ref, hp_ref):
    g = _dot(wi_ref[...], ea_ref[...]) + _dot(wh_ref[...], hh_ref[...]) \
        + b_ref[...]
    i = jax.nn.sigmoid(g[:RNN_E])
    f = jax.nn.sigmoid(g[RNN_E:2 * RNN_E])
    gg = jnp.tanh(g[2 * RNN_E:3 * RNN_E])
    o = jax.nn.sigmoid(g[3 * RNN_E:])
    c2 = f * hc_ref[...] + i * gg
    h2 = o * jnp.tanh(c2)
    h2_ref[...] = h2
    c2_ref[...] = c2
    h2t = jnp.transpose(h2)
    hp_ref[:, :16] = jnp.concatenate(
        [h2t, jnp.zeros((h2t.shape[0], 16 - RNN_E), jnp.float32)], axis=1)


def _k1(ea_t, heh_t, hec_t, wi, wh, b):
    return pl.pallas_call(
        _k1_body,
        grid=(E // _BE1,),
        in_specs=[
            pl.BlockSpec((4, _BE1), lambda i: (0, i)),
            pl.BlockSpec((RNN_E, _BE1), lambda i: (0, i)),
            pl.BlockSpec((RNN_E, _BE1), lambda i: (0, i)),
            pl.BlockSpec((4 * RNN_E, 4), lambda i: (0, 0)),
            pl.BlockSpec((4 * RNN_E, RNN_E), lambda i: (0, 0)),
            pl.BlockSpec((4 * RNN_E, 1), lambda i: (0, 0)),
        ],
        out_specs=[
            pl.BlockSpec((RNN_E, _BE1), lambda i: (0, i)),
            pl.BlockSpec((RNN_E, _BE1), lambda i: (0, i)),
            pl.BlockSpec((_BE1, 128), lambda i: (i, 0)),
        ],
        out_shape=[
            jax.ShapeDtypeStruct((RNN_E, E), jnp.float32),
            jax.ShapeDtypeStruct((RNN_E, E), jnp.float32),
            jax.ShapeDtypeStruct((E_PAD, 128), jnp.float32),
        ],
    )(ea_t, heh_t, hec_t, wi, wh, b)


def _s1_body(vals_hbm, idx_hbm, out_hbm, idxb, valb, acc, sem):
    del sem
    cid = lax.axis_index("c")
    sid = lax.axis_index("s")

    @pl.loop(0, GK * CH)
    def _zero(i):
        valb[i] = jnp.zeros((16,), jnp.float32)

    zb = sid * 6256
    for t in range(6):
        pltpu.sync_copy(valb, acc.at[pl.ds(zb + t * 1024, 1024)])
    pltpu.sync_copy(valb.at[pl.ds(0, 112)], acc.at[pl.ds(zb + 6144, 112)])
    plsc.subcore_barrier()

    base_chunk = cid * (NCH // 2) + sid * (NCH // 32)

    @pl.loop(0, NCH // 32 // GK)
    def _grp(g):
        cb = base_chunk + g * GK
        pltpu.sync_copy(idx_hbm.at[pl.ds(cb, GK)], idxb)
        pltpu.sync_copy(vals_hbm.at[pl.ds(cb * CH, GK * CH), pl.ds(0, 16)],
                        valb)
        for k in range(GK):
            pltpu.sync_copy(valb.at[pl.ds(k * CH, CH)],
                            acc.at[idxb.at[k]], add=True)

    plsc.subcore_barrier()
    pltpu.sync_copy(acc.at[pl.ds(sid * 6256, 6256)],
                    out_hbm.at[cid, pl.ds(sid * 6256, 6256)])


def _s1(vals, idx2):
    kfn = pl.kernel(
        _s1_body,
        out_type=jax.ShapeDtypeStruct((2, N_ACC, 16), jnp.float32),
        mesh=plsc.VectorSubcoreMesh(core_axis_name="c", subcore_axis_name="s"),
        scratch_types=[
            pltpu.VMEM((GK, CH), jnp.int32),
            pltpu.VMEM((GK * CH, 16), jnp.float32),
            pltpu.VMEM_SHARED((N_ACC, 16), jnp.float32),
            pltpu.SemaphoreType.DMA,
        ],
        compiler_params=pltpu.CompilerParams(use_tc_tiling_on_sc=False),
    )
    return kfn(vals, idx2)


def _k2_body(x_ref, hh_ref, hc_ref, p_ref,
             wii_ref, wif_ref, wig_ref, wio_ref,
             whi_ref, whf_ref, whg_ref, who_ref,
             bi_ref, bf_ref, bg_ref, bo_ref,
             h2_ref, c2_ref, xcp_ref):
    x5 = x_ref[...][:5]
    hh = hh_ref[...]
    i = jax.nn.sigmoid(_dot(wii_ref[...], x5) + _dot(whi_ref[...], hh)
                       + bi_ref[...])
    f = jax.nn.sigmoid(_dot(wif_ref[...], x5) + _dot(whf_ref[...], hh)
                       + bf_ref[...])
    gg = jnp.tanh(_dot(wig_ref[...], x5) + _dot(whg_ref[...], hh)
                  + bg_ref[...])
    o = jax.nn.sigmoid(_dot(wio_ref[...], x5) + _dot(who_ref[...], hh)
                       + bo_ref[...])
    c2 = f * hc_ref[...] + i * gg
    h2 = o * jnp.tanh(c2)
    h2_ref[...] = h2
    c2_ref[...] = c2
    en = p_ref[0] + p_ref[1]
    h2t = jnp.transpose(h2)
    xcp_ref[...] = jnp.concatenate(
        [h2t, en[:, :RNN_E], jnp.zeros((h2t.shape[0], 4), jnp.float32)],
        axis=1)


def _k2(x_t, hnh_t, hnc_t, p, wi4, wh4, b4):
    small = ([pl.BlockSpec((RNN, 5), lambda i: (0, 0))] * 4
             + [pl.BlockSpec((RNN, RNN), lambda i: (0, 0))] * 4
             + [pl.BlockSpec((RNN, 1), lambda i: (0, 0))] * 4)
    return pl.pallas_call(
        _k2_body,
        grid=(N_ACC // _BN,),
        in_specs=[
            pl.BlockSpec((10, _BN), lambda i: (0, i)),
            pl.BlockSpec((RNN, _BN), lambda i: (0, i)),
            pl.BlockSpec((RNN, _BN), lambda i: (0, i)),
            pl.BlockSpec((2, _BN, 16), lambda i: (0, i, 0)),
        ] + small,
        out_specs=[
            pl.BlockSpec((RNN, _BN), lambda i: (0, i)),
            pl.BlockSpec((RNN, _BN), lambda i: (0, i)),
            pl.BlockSpec((_BN, 32), lambda i: (i, 0)),
        ],
        out_shape=[
            jax.ShapeDtypeStruct((RNN, N_ACC), jnp.float32),
            jax.ShapeDtypeStruct((RNN, N_ACC), jnp.float32),
            jax.ShapeDtypeStruct((N_ACC, 32), jnp.float32),
        ],
    )(x_t, hnh_t, hnc_t, p, *wi4, *wh4, *b4)


def _sg_body(table_hbm, idx_hbm, out_hbm, idxb, rows, sem):
    wid = lax.axis_index("c") * 16 + lax.axis_index("s")
    base = wid * (G_PAD // 32)

    @pl.loop(0, G_PAD // 32 // (GK * CH))
    def _grp(g):
        b = base + g * GK * CH
        pltpu.sync_copy(idx_hbm.at[pl.ds(b, GK * CH)], idxb)
        cps = [pltpu.async_copy(table_hbm.at[idxb.at[pl.ds(k * CH, CH)]],
                                rows.at[pl.ds(k * CH, CH)], sem)
               for k in range(GK)]
        for cp in cps:
            cp.wait()
        pltpu.sync_copy(rows, out_hbm.at[pl.ds(b, GK * CH)])


def _sg(table, idxg):
    kfn = pl.kernel(
        _sg_body,
        out_type=jax.ShapeDtypeStruct((G_PAD, 32), jnp.float32),
        mesh=plsc.VectorSubcoreMesh(core_axis_name="c", subcore_axis_name="s"),
        scratch_types=[
            pltpu.VMEM((GK * CH,), jnp.int32),
            pltpu.VMEM((GK * CH, 32), jnp.float32),
            pltpu.SemaphoreType.DMA,
        ],
        compiler_params=pltpu.CompilerParams(use_tc_tiling_on_sc=False),
    )
    return kfn(table, idxg)


def _k3_body(gs_ref, gd_ref, ea_ref, w1a_ref, w1b_ref, w1c_ref, b1_ref,
             w2_ref, b2_ref, o_ref):
    pre = (_dot(gs_ref[...], w1a_ref[...])
           + _dot(gd_ref[...], w1b_ref[...])
           + _dot(ea_ref[...], w1c_ref[...])
           + b1_ref[...])
    eh = _leaky(pre)
    o_ref[...] = _dot(eh, w2_ref[...]) + b2_ref[...]


def _k3(g, eap, w1a, w1b, w1c, b1, w2, b2):
    nb = E // _BE3
    return pl.pallas_call(
        _k3_body,
        grid=(nb,),
        in_specs=[
            pl.BlockSpec((_BE3 // 4, 128), lambda i: (i, 0)),
            pl.BlockSpec((_BE3 // 4, 128), lambda i, _nb=nb: (i + _nb, 0)),
            pl.BlockSpec((_BE3 // 4, 16), lambda i: (i, 0)),
            pl.BlockSpec((128, 4 * HID), lambda i: (0, 0)),
            pl.BlockSpec((128, 4 * HID), lambda i: (0, 0)),
            pl.BlockSpec((16, 4 * HID), lambda i: (0, 0)),
            pl.BlockSpec((1, 4 * HID), lambda i: (0, 0)),
            pl.BlockSpec((4 * HID, 128), lambda i: (0, 0)),
            pl.BlockSpec((1, 128), lambda i: (0, 0)),
        ],
        out_specs=[pl.BlockSpec((_BE3 // 4, 128), lambda i: (i, 0))],
        out_shape=[jax.ShapeDtypeStruct((E_PAD // 4, 128), jnp.float32)],
    )(g, g, eap, w1a, w1b, w1c, b1, w2, b2)[0]


def _s2_body(vals_hbm, idx_hbm, out_hbm, idxb, valb, acc, sem):
    del sem
    cid = lax.axis_index("c")
    sid = lax.axis_index("s")

    @pl.loop(0, GK * CH)
    def _zero(i):
        valb[i] = jnp.zeros((16,), jnp.float32)

    zb = sid * 6256
    for t in range(6):
        pltpu.sync_copy(valb, acc.at[pl.ds(zb + t * 1024, 1024)])
    pltpu.sync_copy(valb.at[pl.ds(0, 112)], acc.at[pl.ds(zb + 6144, 112)])
    plsc.subcore_barrier()

    base_chunk = sid * (NCH // 16)

    @pl.loop(0, NCH // 16 // GK)
    def _grp(g):
        cb = base_chunk + g * GK
        pltpu.sync_copy(idx_hbm.at[pl.ds(cb, GK)], idxb)
        pltpu.sync_copy(vals_hbm.at[pl.ds(cb * CH, GK * CH),
                                    pl.ds(16 * cid, 16)], valb)
        for k in range(GK):
            pltpu.sync_copy(valb.at[pl.ds(k * CH, CH)],
                            acc.at[idxb.at[k]], add=True)

    plsc.subcore_barrier()
    pltpu.sync_copy(acc.at[pl.ds(sid * 6256, 6256)],
                    out_hbm.at[cid, pl.ds(sid * 6256, 6256)])


def _s2(vals, idx2):
    kfn = pl.kernel(
        _s2_body,
        out_type=jax.ShapeDtypeStruct((2, N_ACC, 16), jnp.float32),
        mesh=plsc.VectorSubcoreMesh(core_axis_name="c", subcore_axis_name="s"),
        scratch_types=[
            pltpu.VMEM((GK, CH), jnp.int32),
            pltpu.VMEM((GK * CH, 16), jnp.float32),
            pltpu.VMEM_SHARED((N_ACC, 16), jnp.float32),
            pltpu.SemaphoreType.DMA,
        ],
        compiler_params=pltpu.CompilerParams(use_tc_tiling_on_sc=False),
    )
    return kfn(vals, idx2)


def _k4_body(x_ref, xcp_ref, a_ref, w1a_ref, w1b_ref, w1c_ref, b1_ref,
             w2_ref, b2_ref, w3_ref, b3_ref, o_ref):
    h1 = _leaky(_dot(xcp_ref[...], w1a_ref[...])
                + _dot(a_ref[0], w1b_ref[...])
                + _dot(a_ref[1], w1c_ref[...])
                + b1_ref[...])
    h2 = _leaky(_dot(h1, w2_ref[...]) + b2_ref[...])
    no = _dot(h2, w3_ref[...]) + b3_ref[...]
    mask = jnp.any(x_ref[...][5:] != 0.0, axis=0, keepdims=True)
    o_ref[...] = jnp.where(mask, jnp.transpose(no), 0.0)


def _k4(x_t, xcp, agg, w1a, w1b, w1c, b1, w2, b2, w3, b3):
    return pl.pallas_call(
        _k4_body,
        grid=(N_ACC // _BN,),
        in_specs=[
            pl.BlockSpec((10, _BN), lambda i: (0, i)),
            pl.BlockSpec((_BN, 32), lambda i: (i, 0)),
            pl.BlockSpec((2, _BN, 16), lambda i: (0, i, 0)),
            pl.BlockSpec((32, HID), lambda i: (0, 0)),
            pl.BlockSpec((16, HID), lambda i: (0, 0)),
            pl.BlockSpec((16, HID), lambda i: (0, 0)),
            pl.BlockSpec((1, HID), lambda i: (0, 0)),
            pl.BlockSpec((HID, HID), lambda i: (0, 0)),
            pl.BlockSpec((1, HID), lambda i: (0, 0)),
            pl.BlockSpec((HID, 4), lambda i: (0, 0)),
            pl.BlockSpec((1, 4), lambda i: (0, 0)),
        ],
        out_specs=[pl.BlockSpec((4, _BN), lambda i: (0, i))],
        out_shape=[jax.ShapeDtypeStruct((4, N_ACC), jnp.float32)],
    )(x_t, xcp, agg, w1a, w1b, w1c, b1, w2, b2, w3, b3)[0]


def kernel(x, edge_index, edge_attr, h_node_h, h_node_c, h_edge_h, h_edge_c,
           Wih_n, Whh_n, bih_n, bhh_n, Wih_e, Whh_e, bih_e, bhh_e,
           We1, be1, We2, be2, Wc1, bc1, Wc2, bc2, Wc3, bc3):
    row = edge_index[0]
    col = edge_index[1]
    idx2 = jnp.pad(row, (0, E_PAD - E), constant_values=DUMMY).reshape(NCH, CH)
    idxg = jnp.pad(jnp.concatenate([row, col]), (0, G_PAD - 2 * E))

    ea_t = edge_attr.T
    b_e = (bih_e + bhh_e)[:, None]
    h_e2, c_e2, h2pad = _k1(ea_t, h_edge_h[0].T, h_edge_c[0].T,
                            Wih_e, Whh_e, b_e)

    p = _s1(h2pad, idx2)

    b_n = bih_n + bhh_n
    wi4 = [Wih_n[k * RNN:(k + 1) * RNN] for k in range(4)]
    wh4 = [Whh_n[k * RNN:(k + 1) * RNN] for k in range(4)]
    b4 = [b_n[k * RNN:(k + 1) * RNN][:, None] for k in range(4)]
    npad = ((0, 0), (0, N_ACC - N))
    x_t = jnp.pad(x.T, npad)
    h_n2, c_n2, xcp = _k2(x_t, jnp.pad(h_node_h[0].T, npad),
                          jnp.pad(h_node_c[0].T, npad), p, wi4, wh4, b4)

    g = _sg(xcp, idxg).reshape(G_PAD // 4, 128)

    eye4 = jnp.eye(4, dtype=jnp.float32)
    w1a = jnp.kron(eye4, jnp.pad(We1[:28], ((0, 4), (0, 0))))
    w1b = jnp.kron(eye4, jnp.pad(We1[28:56], ((0, 4), (0, 0))))
    w1c = jnp.kron(eye4, We1[56:60])
    w2 = jnp.kron(eye4, We2)
    eap = edge_attr.reshape(E // 4, 16)
    eo = _k3(g, eap, w1a, w1b, w1c, jnp.tile(be1, 4)[None, :],
             w2, jnp.tile(be2, 4)[None, :])

    agg = _s2(eo.reshape(E_PAD, 32), idx2)

    wc1a = jnp.pad(Wc1[:28], ((0, 4), (0, 0)))
    out_t = _k4(x_t, xcp, agg, wc1a, Wc1[28:44], Wc1[44:60], bc1[None, :],
                Wc2, bc2[None, :], Wc3, bc3[None, :])

    return (out_t[:, :N].T, h_n2[:, :N].T[None], c_n2[:, :N].T[None],
            h_e2.T[None], c_e2.T[None])

# --- scband reference (transcript-rebuilt; emitter-appended) ---
"""Pipeline reference for scband-rnn-mp-hetero-44495861187264 (READ-ONLY COPY).

The authoritative reference and input builder live on the scoring server;
editing this copy changes nothing except your own understanding.
"""

import jax, jax.numpy as jnp
import numpy as np

N = 100000
E = 1600000
NODE_F = 5
EDGE_F = 4
RNN = 20
RNN_E = 8
HID = 64
LAT = 32
OUT_F = 4
NODE_IN = RNN + RNN_E + LAT  # 60
EDGE_IN = 2 * (RNN + RNN_E) + EDGE_F  # 60


def _lstm_step(x, h, c, Wih, Whh, bih, bhh):
    g = x @ Wih.T + bih + h @ Whh.T + bhh
    H = h.shape[-1]
    i = jax.nn.sigmoid(g[:, :H])
    f = jax.nn.sigmoid(g[:, H:2 * H])
    gg = jnp.tanh(g[:, 2 * H:3 * H])
    o = jax.nn.sigmoid(g[:, 3 * H:])
    c2 = f * c + i * gg
    h2 = o * jnp.tanh(c2)
    return h2, c2


def setup_inputs(seed: int = 0) -> dict:
    key = jax.random.key(seed)
    ks = jax.random.split(key, 28)

    def p(k, shape, scale=0.1):
        return (jax.random.normal(k, shape, dtype=jnp.float32) * scale)

    inp = {}
    inp['x'] = jax.random.normal(ks[0], (N, NODE_F + 5), dtype=jnp.float32)
    inp['edge_index'] = jax.random.randint(ks[1], (2, E), 0, N, dtype=jnp.int32)
    inp['edge_attr'] = jax.random.normal(ks[2], (E, EDGE_F), dtype=jnp.float32)
    inp['h_node_h'] = jax.random.normal(ks[3], (1, N, RNN), dtype=jnp.float32)
    inp['h_node_c'] = jax.random.normal(ks[4], (1, N, RNN), dtype=jnp.float32)
    inp['h_edge_h'] = jax.random.normal(ks[5], (1, E, RNN_E), dtype=jnp.float32)
    inp['h_edge_c'] = jax.random.normal(ks[6], (1, E, RNN_E), dtype=jnp.float32)
    # node history LSTM params
    inp['Wih_n'] = p(ks[7], (4 * RNN, NODE_F))
    inp['Whh_n'] = p(ks[8], (4 * RNN, RNN))
    inp['bih_n'] = p(ks[9], (4 * RNN,))
    inp['bhh_n'] = p(ks[10], (4 * RNN,))
    # edge history LSTM params
    inp['Wih_e'] = p(ks[11], (4 * RNN_E, EDGE_F))
    inp['Whh_e'] = p(ks[12], (4 * RNN_E, RNN_E))
    inp['bih_e'] = p(ks[13], (4 * RNN_E,))
    inp['bhh_e'] = p(ks[14], (4 * RNN_E,))
    # edge_mlp_1 params (stored [in, out])
    inp['We1'] = p(ks[15], (EDGE_IN, HID))
    inp['be1'] = p(ks[16], (HID,))
    inp['We2'] = p(ks[17], (HID, LAT))
    inp['be2'] = p(ks[18], (LAT,))
    # node_car_module params (original forward uses the car module for all 3 types)
    inp['Wc1'] = p(ks[19], (NODE_IN, HID))
    inp['bc1'] = p(ks[20], (HID,))
    inp['Wc2'] = p(ks[21], (HID, HID))
    inp['bc2'] = p(ks[22], (HID,))
    inp['Wc3'] = p(ks[23], (HID, OUT_F))
    inp['bc3'] = p(ks[24], (OUT_F,))
    return inp


def reference(x, edge_index, edge_attr, h_node_h, h_node_c, h_edge_h, h_edge_c,
              Wih_n, Whh_n, bih_n, bhh_n, Wih_e, Whh_e, bih_e, bhh_e,
              We1, be1, We2, be2, Wc1, bc1, Wc2, bc2, Wc3, bc3):
    types = x[:, -5:].astype(bool)
    xf = x[:, :-5]
    row = edge_index[0]
    col = edge_index[1]
    n = x.shape[0]
    # edge history encoder: per-edge LSTM step, then scatter-add onto dst node (row)
    h_e2, c_e2 = _lstm_step(edge_attr, h_edge_h[0], h_edge_c[0], Wih_e, Whh_e, bih_e, bhh_e)
    edge_node = jnp.zeros((n, RNN_E), dtype=x.dtype).at[row].add(h_e2)
    # node history encoder: per-node LSTM step
    h_n2, c_n2 = _lstm_step(xf, h_node_h[0], h_node_c[0], Wih_n, Whh_n, bih_n, bhh_n)
    x_concat = jnp.concatenate([h_n2, edge_node], axis=-1)  # [N, 28]
    # GraphNetworkBlock edge model: MLP over [x_src, x_dst, edge_attr]
    e_in = jnp.concatenate([x_concat[row], x_concat[col], edge_attr], axis=-1)  # [E, 60]
    e_h = jax.nn.leaky_relu(e_in @ We1 + be1, 0.01)
    e_out = e_h @ We2 + be2  # [E, 32]
    agg = jnp.zeros((n, LAT), dtype=x.dtype).at[row].add(e_out)
    x_agg = jnp.concatenate([x_concat, agg], axis=-1)  # [N, 60]
    # per-type heads (original code calls node_car_module for all three types)
    h1 = jax.nn.leaky_relu(x_agg @ Wc1 + bc1, 0.01)
    h2 = jax.nn.leaky_relu(h1 @ Wc2 + bc2, 0.01)
    node_out = h2 @ Wc3 + bc3  # [N, 4]
    car = types[:, 1] | types[:, 0] | types[:, 4]
    ped = types[:, 2]
    bike = types[:, 3]
    out = jnp.where(car[:, None], node_out, 0.0)
    out = jnp.where(ped[:, None], node_out, out)
    out = jnp.where(bike[:, None], node_out, out)
    return (out, h_n2[None], c_n2[None], h_e2[None], c_e2[None])

if __name__ == "__main__":
    import jax
    _d = setup_inputs()
    print(jax.jit(kernel)(*tuple(_d.values())))

</pallas_src>

<mosaic_0001>
#map = affine_map<(d0, d1) -> (0, 0)>
#map1 = affine_map<(d0, d1) -> (0)>
module attributes {stable_mosaic.version = 14 : i64} {
  func.func @_sg_body(%arg0: i32, %arg1: i32, %arg2: memref<100096x32xf32, #tpu.memory_space<hbm>>, %arg3: memref<3211264xi32, #tpu.memory_space<hbm>>, %arg4: memref<3211264x32xf32, #tpu.memory_space<hbm>>, %arg5: memref<1024xi32, #tpu.memory_space<vmem>>, %arg6: memref<1024x32xf32, #tpu.memory_space<vmem>>, %arg7: memref<!tpu.dma_semaphore, #tpu.memory_space<semaphore_mem>>) attributes {dimension_semantics = [#tpu.dimension_semantics<core_parallel>, #tpu.dimension_semantics<subcore_parallel>], iteration_bounds = array<i64: 2, 16>, scalar_prefetch = 0 : i64, scratch_operands = 3 : i64, tpu.core_type = #tpu.core_type<sc_vector_subcore>, window_params = [{transform_indices = #map}, {transform_indices = #map1}, {transform_indices = #map}]} {
    %mul3A = arith.constant 16 : i32
    %mul3A_0 = arith.muli %arg0, %mul3A : i32
    %add3A = arith.addi %mul3A_0, %arg1 : i32
    %mul3A_1 = arith.constant 100352 : i32
    %mul3A_2 = arith.muli %add3A, %mul3A_1 : i32
    %scan3A = arith.constant 0 : i32
    %scan3A_3 = arith.constant 98 : i32
    %scan3A_4 = arith.addi %scan3A, %scan3A_3 : i32
    %scan3A_5 = arith.constant 1 : i32
    scf.for %scan3A_7 = %scan3A to %scan3A_4 step %scan3A_5  : i32 {
      %mul3A_8 = arith.constant 1 : i32
      %mul3A_9 = arith.muli %scan3A_7, %mul3A_8 : i32
      %add3A_10 = arith.constant 0 : i32
      %add3A_11 = arith.addi %add3A_10, %mul3A_9 : i32
      %mul3A_12 = arith.constant 8 : i32
      %mul3A_13 = arith.muli %add3A_11, %mul3A_12 : i32
      %mul3A_14 = arith.constant 128 : i32
      %mul3A_15 = arith.muli %mul3A_13, %mul3A_14 : i32
      %add3A_16 = arith.addi %mul3A_2, %mul3A_15 : i32
      "tpu.region"() ({
        %run_scoped3A = tpu.sem_alloc : memref<!tpu.dma_semaphore, #tpu.memory_space<semaphore_mem>>
        %dma_start3A_143 = tpu.memref_slice %arg3[%add3A_16] : memref<3211264xi32, #tpu.memory_space<hbm>> -> memref<1024xi32, #tpu.memory_space<hbm>>
        %dma_start3A_144 = tpu.memref_slice %arg3[%add3A_16] : memref<3211264xi32, #tpu.memory_space<hbm>> -> memref<1024xi32, #tpu.memory_space<hbm>>
        tpu.enqueue_dma source(%dma_start3A_144 : memref<1024xi32, #tpu.memory_space<hbm>>) target(%arg5 : memref<1024xi32, #tpu.memory_space<vmem>>) target_semaphore(%run_scoped3A : memref<!tpu.dma_semaphore, #tpu.memory_space<semaphore_mem>>)
        %dma_wait3A_145 = tpu.memref_slice %arg3[%add3A_16] : memref<3211264xi32, #tpu.memory_space<hbm>> -> memref<1024xi32, #tpu.memory_space<hbm>>
        %dma_wait3A_146 = tpu.memref_slice %arg3[%add3A_16] : memref<3211264xi32, #tpu.memory_space<hbm>> -> memref<1024xi32, #tpu.memory_space<hbm>>
        tpu.wait_dma2 semaphore(%run_scoped3A : memref<!tpu.dma_semaphore, #tpu.memory_space<semaphore_mem>>) src(%dma_wait3A_146 : memref<1024xi32, #tpu.memory_space<hbm>>) dst(%arg5 : memref<1024xi32, #tpu.memory_space<vmem>>)
        tpu.yield
      }) : () -> ()
      %dma_start3A = arith.constant 0 : i32
      %dma_start3A_17 = arith.constant 0 : i32
      %dma_start3A_18 = tpu.memref_slice %arg6[%dma_start3A, %dma_start3A_17] : memref<1024x32xf32, #tpu.memory_space<vmem>> -> memref<128x32xf32, #tpu.memory_space<vmem>>
      %dma_start3A_19 = arith.constant 0 : i32
      %dma_start3A_20 = tpu.memref_slice %arg5[%dma_start3A_19] : memref<1024xi32, #tpu.memory_space<vmem>> -> memref<128xi32, #tpu.memory_space<vmem>>
      %dma_start3A_21 = arith.constant 0 : i32
      %dma_start3A_22 = arith.constant 0 : i32
      %dma_start3A_23 = tpu.memref_slice %arg2[%dma_start3A_21, %dma_start3A_22] : memref<100096x32xf32, #tpu.memory_space<hbm>> -> memref<100096x32xf32, #tpu.memory_space<hbm>>
      tpu.enqueue_indirect_dma source(%dma_start3A_23 : memref<100096x32xf32, #tpu.memory_space<hbm>>) target(%dma_start3A_18 : memref<128x32xf32, #tpu.memory_space<vmem>>) offsets(%dma_start3A_20 : memref<128xi32, #tpu.memory_space<vmem>>) semaphore(%arg7 : memref<!tpu.dma_semaphore, #tpu.memory_space<semaphore_mem>>)
      %dma_start3A_24 = arith.constant 128 : i32
      %dma_start3A_25 = arith.constant 0 : i32
      %dma_start3A_26 = tpu.memref_slice %arg6[%dma_start3A_24, %dma_start3A_25] : memref<1024x32xf32, #tpu.memory_space<vmem>> -> memref<128x32xf32, #tpu.memory_space<vmem>>
      %dma_start3A_27 = arith.constant 128 : i32
      %dma_start3A_28 = tpu.memref_slice %arg5[%dma_start3A_27] : memref<1024xi32, #tpu.memory_space<vmem>> -> memref<128xi32, #tpu.memory_space<vmem>>
      %dma_start3A_29 = arith.constant 0 : i32
      %dma_start3A_30 = arith.constant 0 : i32
      %dma_start3A_31 = tpu.memref_slice %arg2[%dma_start3A_29, %dma_start3A_30] : memref<100096x32xf32, #tpu.memory_space<hbm>> -> memref<100096x32xf32, #tpu.memory_space<hbm>>
      tpu.enqueue_indirect_dma source(%dma_start3A_31 : memref<100096x32xf32, #tpu.memory_space<hbm>>) target(%dma_start3A_26 : memref<128x32xf32, #tpu.memory_space<vmem>>) offsets(%dma_start3A_28 : memref<128xi32, #tpu.memory_space<vmem>>) semaphore(%arg7 : memref<!tpu.dma_semaphore, #tpu.memory_space<semaphore_mem>>)
      %dma_start3A_32 = arith.constant 256 : i32
      %dma_start3A_33 = arith.constant 0 : i32
      %dma_start3A_34 = tpu.memref_slice %arg6[%dma_start3A_32, %dma_start3A_33] : memref<1024x32xf32, #tpu.memory_space<vmem>> -> memref<128x32xf32, #tpu.memory_space<vmem>>
      %dma_start3A_35 = arith.constant 256 : i32
      %dma_start3A_36 = tpu.memref_slice %arg5[%dma_start3A_35] : memref<1024xi32, #tpu.memory_space<vmem>> -> memref<128xi32, #tpu.memory_space<vmem>>
      %dma_start3A_37 = arith.constant 0 : i32
      %dma_start3A_38 = arith.constant 0 : i32
      %dma_start3A_39 = tpu.memref_slice %arg2[%dma_start3A_37, %dma_start3A_38] : memref<100096x32xf32, #tpu.memory_space<hbm>> -> memref<100096x32xf32, #tpu.memory_space<hbm>>
      tpu.enqueue_indirect_dma source(%dma_start3A_39 : memref<100096x32xf32, #tpu.memory_space<hbm>>) target(%dma_start3A_34 : memref<128x32xf32, #tpu.memory_space<vmem>>) offsets(%dma_start3A_36 : memref<128xi32, #tpu.memory_space<vmem>>) semaphore(%arg7 : memref<!tpu.dma_semaphore, #tpu.memory_space<semaphore_mem>>)
      %dma_start3A_40 = arith.constant 384 : i32
      %dma_start3A_41 = arith.constant 0 : i32
      %dma_start3A_42 = tpu.memref_slice %arg6[%dma_start3A_40, %dma_start3A_41] : memref<1024x32xf32, #tpu.memory_space<vmem>> -> memref<128x32xf32, #tpu.memory_space<vmem>>
      %dma_start3A_43 = arith.constant 384 : i32
      %dma_start3A_44 = tpu.memref_slice %arg5[%dma_start3A_43] : memref<1024xi32, #tpu.memory_space<vmem>> -> memref<128xi32, #tpu.memory_space<vmem>>
      %dma_start3A_45 = arith.constant 0 : i32
      %dma_start3A_46 = arith.constant 0 : i32
      %dma_start3A_47 = tpu.memref_slice %arg2[%dma_start3A_45, %dma_start3A_46] : memref<100096x32xf32, #tpu.memory_space<hbm>> -> memref<100096x32xf32, #tpu.memory_space<hbm>>
      tpu.enqueue_indirect_dma source(%dma_start3A_47 : memref<100096x32xf32, #tpu.memory_space<hbm>>) target(%dma_start3A_42 : memref<128x32xf32, #tpu.memory_space<vmem>>) offsets(%dma_start3A_44 : memref<128xi32, #tpu.memory_space<vmem>>) semaphore(%arg7 : memref<!tpu.dma_semaphore, #tpu.memory_space<semaphore_mem>>)
      %dma_start3A_48 = arith.constant 512 : i32
      %dma_start3A_49 = arith.constant 0 : i32
      %dma_start3A_50 = tpu.memref_slice %arg6[%dma_start3A_48, %dma_start3A_49] : memref<1024x32xf32, #tpu.memory_space<vmem>> -> memref<128x32xf32, #tpu.memory_space<vmem>>
      %dma_start3A_51 = arith.constant 512 : i32
      %dma_start3A_52 = tpu.memref_slice %arg5[%dma_start3A_51] : memref<1024xi32, #tpu.memory_space<vmem>> -> memref<128xi32, #tpu.memory_space<vmem>>
      %dma_start3A_53 = arith.constant 0 : i32
      %dma_start3A_54 = arith.constant 0 : i32
      %dma_start3A_55 = tpu.memref_slice %arg2[%dma_start3A_53, %dma_start3A_54] : memref<100096x32xf32, #tpu.memory_space<hbm>> -> memref<100096x32xf32, #tpu.memory_space<hbm>>
      tpu.enqueue_indirect_dma source(%dma_start3A_55 : memref<100096x32xf32, #tpu.memory_space<hbm>>) target(%dma_start3A_50 : memref<128x32xf32, #tpu.memory_space<vmem>>) offsets(%dma_start3A_52 : memref<128xi32, #tpu.memory_space<vmem>>) semaphore(%arg7 : memref<!tpu.dma_semaphore, #tpu.memory_space<semaphore_mem>>)
      %dma_start3A_56 = arith.constant 640 : i32
      %dma_start3A_57 = arith.constant 0 : i32
      %dma_start3A_58 = tpu.memref_slice %arg6[%dma_start3A_56, %dma_start3A_57] : memref<1024x32xf32, #tpu.memory_space<vmem>> -> memref<128x32xf32, #tpu.memory_space<vmem>>
      %dma_start3A_59 = arith.constant 640 : i32
      %dma_start3A_60 = tpu.memref_slice %arg5[%dma_start3A_59] : memref<1024xi32, #tpu.memory_space<vmem>> -> memref<128xi32, #tpu.memory_space<vmem>>
      %dma_start3A_61 = arith.constant 0 : i32
      %dma_start3A_62 = arith.constant 0 : i32
      %dma_start3A_63 = tpu.memref_slice %arg2[%dma_start3A_61, %dma_start3A_62] : memref<100096x32xf32, #tpu.memory_space<hbm>> -> memref<100096x32xf32, #tpu.memory_space<hbm>>
      tpu.enqueue_indirect_dma source(%dma_start3A_63 : memref<100096x32xf32, #tpu.memory_space<hbm>>) target(%dma_start3A_58 : memref<128x32xf32, #tpu.memory_space<vmem>>) offsets(%dma_start3A_60 : memref<128xi32, #tpu.memory_space<vmem>>) semaphore(%arg7 : memref<!tpu.dma_semaphore, #tpu.memory_space<semaphore_mem>>)
      %dma_start3A_64 = arith.constant 768 : i32
      %dma_start3A_65 = arith.constant 0 : i32
      %dma_start3A_66 = tpu.memref_slice %arg6[%dma_start3A_64, %dma_start3A_65] : memref<1024x32xf32, #tpu.memory_space<vmem>> -> memref<128x32xf32, #tpu.memory_space<vmem>>
      %dma_start3A_67 = arith.constant 768 : i32
      %dma_start3A_68 = tpu.memref_slice %arg5[%dma_start3A_67] : memref<1024xi32, #tpu.memory_space<vmem>> -> memref<128xi32, #tpu.memory_space<vmem>>
      %dma_start3A_69 = arith.constant 0 : i32
      %dma_start3A_70 = arith.constant 0 : i32
      %dma_start3A_71 = tpu.memref_slice %arg2[%dma_start3A_69, %dma_start3A_70] : memref<100096x32xf32, #tpu.memory_space<hbm>> -> memref<100096x32xf32, #tpu.memory_space<hbm>>
      tpu.enqueue_indirect_dma source(%dma_start3A_71 : memref<100096x32xf32, #tpu.memory_space<hbm>>) target(%dma_start3A_66 : memref<128x32xf32, #tpu.memory_space<vmem>>) offsets(%dma_start3A_68 : memref<128xi32, #tpu.memory_space<vmem>>) semaphore(%arg7 : memref<!tpu.dma_semaphore, #tpu.memory_space<semaphore_mem>>)
      %dma_start3A_72 = arith.constant 896 : i32
      %dma_start3A_73 = arith.constant 0 : i32
      %dma_start3A_74 = tpu.memref_slice %arg6[%dma_start3A_72, %dma_start3A_73] : memref<1024x32xf32, #tpu.memory_space<vmem>> -> memref<128x32xf32, #tpu.memory_space<vmem>>
      %dma_start3A_75 = arith.constant 896 : i32
      %dma_start3A_76 = tpu.memref_slice %arg5[%dma_start3A_75] : memref<1024xi32, #tpu.memory_space<vmem>> -> memref<128xi32, #tpu.memory_space<vmem>>
      %dma_start3A_77 = arith.constant 0 : i32
      %dma_start3A_78 = arith.constant 0 : i32
      %dma_start3A_79 = tpu.memref_slice %arg2[%dma_start3A_77, %dma_start3A_78] : memref<100096x32xf32, #tpu.memory_space<hbm>> -> memref<100096x32xf32, #tpu.memory_space<hbm>>
      tpu.enqueue_indirect_dma source(%dma_start3A_79 : memref<100096x32xf32, #tpu.memory_space<hbm>>) target(%dma_start3A_74 : memref<128x32xf32, #tpu.memory_space<vmem>>) offsets(%dma_start3A_76 : memref<128xi32, #tpu.memory_space<vmem>>) semaphore(%arg7 : memref<!tpu.dma_semaphore, #tpu.memory_space<semaphore_mem>>)
      %dma_wait3A = arith.constant 0 : i32
      %dma_wait3A_80 = arith.constant 0 : i32
      %dma_wait3A_81 = tpu.memref_slice %arg6[%dma_wait3A, %dma_wait3A_80] : memref<1024x32xf32, #tpu.memory_space<vmem>> -> memref<128x32xf32, #tpu.memory_space<vmem>>
      %dma_wait3A_82 = arith.constant 0 : i32
      %dma_wait3A_83 = tpu.memref_slice %arg5[%dma_wait3A_82] : memref<1024xi32, #tpu.memory_space<vmem>> -> memref<128xi32, #tpu.memory_space<vmem>>
      %dma_wait3A_84 = arith.constant 0 : i32
      %dma_wait3A_85 = arith.constant 0 : i32
      %dma_wait3A_86 = tpu.memref_slice %arg2[%dma_wait3A_84, %dma_wait3A_85] : memref<100096x32xf32, #tpu.memory_space<hbm>> -> memref<100096x32xf32, #tpu.memory_space<hbm>>
      tpu.wait_indirect_dma semaphore(%arg7 : memref<!tpu.dma_semaphore, #tpu.memory_space<semaphore_mem>>) src(%dma_wait3A_86 : memref<100096x32xf32, #tpu.memory_space<hbm>>) dst(%dma_wait3A_81 : memref<128x32xf32, #tpu.memory_space<vmem>>)
      %dma_wait3A_87 = arith.constant 128 : i32
      %dma_wait3A_88 = arith.constant 0 : i32
      %dma_wait3A_89 = tpu.memref_slice %arg6[%dma_wait3A_87, %dma_wait3A_88] : memref<1024x32xf32, #tpu.memory_space<vmem>> -> memref<128x32xf32, #tpu.memory_space<vmem>>
      %dma_wait3A_90 = arith.constant 128 : i32
      %dma_wait3A_91 = tpu.memref_slice %arg5[%dma_wait3A_90] : memref<1024xi32, #tpu.memory_space<vmem>> -> memref<128xi32, #tpu.memory_space<vmem>>
      %dma_wait3A_92 = arith.constant 0 : i32
      %dma_wait3A_93 = arith.constant 0 : i32
      %dma_wait3A_94 = tpu.memref_slice %arg2[%dma_wait3A_92, %dma_wait3A_93] : memref<100096x32xf32, #tpu.memory_space<hbm>> -> memref<100096x32xf32, #tpu.memory_space<hbm>>
      tpu.wait_indirect_dma semaphore(%arg7 : memref<!tpu.dma_semaphore, #tpu.memory_space<semaphore_mem>>) src(%dma_wait3A_94 : memref<100096x32xf32, #tpu.memory_space<hbm>>) dst(%dma_wait3A_89 : memref<128x32xf32, #tpu.memory_space<vmem>>)
      %dma_wait3A_95 = arith.constant 256 : i32
      %dma_wait3A_96 = arith.constant 0 : i32
      %dma_wait3A_97 = tpu.memref_slice %arg6[%dma_wait3A_95, %dma_wait3A_96] : memref<1024x32xf32, #tpu.memory_space<vmem>> -> memref<128x32xf32, #tpu.memory_space<vmem>>
      %dma_wait3A_98 = arith.constant 256 : i32
      %dma_wait3A_99 = tpu.memref_slice %arg5[%dma_wait3A_98] : memref<1024xi32, #tpu.memory_space<vmem>> -> memref<128xi32, #tpu.memory_space<vmem>>
      %dma_wait3A_100 = arith.constant 0 : i32
      %dma_wait3A_101 = arith.constant 0 : i32
      %dma_wait3A_102 = tpu.memref_slice %arg2[%dma_wait3A_100, %dma_wait3A_101] : memref<100096x32xf32, #tpu.memory_space<hbm>> -> memref<100096x32xf32, #tpu.memory_space<hbm>>
      tpu.wait_indirect_dma semaphore(%arg7 : memref<!tpu.dma_semaphore, #tpu.memory_space<semaphore_mem>>) src(%dma_wait3A_102 : memref<100096x32xf32, #tpu.memory_space<hbm>>) dst(%dma_wait3A_97 : memref<128x32xf32, #tpu.memory_space<vmem>>)
      %dma_wait3A_103 = arith.constant 384 : i32
      %dma_wait3A_104 = arith.constant 0 : i32
      %dma_wait3A_105 = tpu.memref_slice %arg6[%dma_wait3A_103, %dma_wait3A_104] : memref<1024x32xf32, #tpu.memory_space<vmem>> -> memref<128x32xf32, #tpu.memory_space<vmem>>
      %dma_wait3A_106 = arith.constant 384 : i32
      %dma_wait3A_107 = tpu.memref_slice %arg5[%dma_wait3A_106] : memref<1024xi32, #tpu.memory_space<vmem>> -> memref<128xi32, #tpu.memory_space<vmem>>
      %dma_wait3A_108 = arith.constant 0 : i32
      %dma_wait3A_109 = arith.constant 0 : i32
      %dma_wait3A_110 = tpu.memref_slice %arg2[%dma_wait3A_108, %dma_wait3A_109] : memref<100096x32xf32, #tpu.memory_space<hbm>> -> memref<100096x32xf32, #tpu.memory_space<hbm>>
      tpu.wait_indirect_dma semaphore(%arg7 : memref<!tpu.dma_semaphore, #tpu.memory_space<semaphore_mem>>) src(%dma_wait3A_110 : memref<100096x32xf32, #tpu.memory_space<hbm>>) dst(%dma_wait3A_105 : memref<128x32xf32, #tpu.memory_space<vmem>>)
      %dma_wait3A_111 = arith.constant 512 : i32
      %dma_wait3A_112 = arith.constant 0 : i32
      %dma_wait3A_113 = tpu.memref_slice %arg6[%dma_wait3A_111, %dma_wait3A_112] : memref<1024x32xf32, #tpu.memory_space<vmem>> -> memref<128x32xf32, #tpu.memory_space<vmem>>
      %dma_wait3A_114 = arith.constant 512 : i32
      %dma_wait3A_115 = tpu.memref_slice %arg5[%dma_wait3A_114] : memref<1024xi32, #tpu.memory_space<vmem>> -> memref<128xi32, #tpu.memory_space<vmem>>
      %dma_wait3A_116 = arith.constant 0 : i32
      %dma_wait3A_117 = arith.constant 0 : i32
      %dma_wait3A_118 = tpu.memref_slice %arg2[%dma_wait3A_116, %dma_wait3A_117] : memref<100096x32xf32, #tpu.memory_space<hbm>> -> memref<100096x32xf32, #tpu.memory_space<hbm>>
      tpu.wait_indirect_dma semaphore(%arg7 : memref<!tpu.dma_semaphore, #tpu.memory_space<semaphore_mem>>) src(%dma_wait3A_118 : memref<100096x32xf32, #tpu.memory_space<hbm>>) dst(%dma_wait3A_113 : memref<128x32xf32, #tpu.memory_space<vmem>>)
      %dma_wait3A_119 = arith.constant 640 : i32
      %dma_wait3A_120 = arith.constant 0 : i32
      %dma_wait3A_121 = tpu.memref_slice %arg6[%dma_wait3A_119, %dma_wait3A_120] : memref<1024x32xf32, #tpu.memory_space<vmem>> -> memref<128x32xf32, #tpu.memory_space<vmem>>
      %dma_wait3A_122 = arith.constant 640 : i32
      %dma_wait3A_123 = tpu.memref_slice %arg5[%dma_wait3A_122] : memref<1024xi32, #tpu.memory_space<vmem>> -> memref<128xi32, #tpu.memory_space<vmem>>
      %dma_wait3A_124 = arith.constant 0 : i32
      %dma_wait3A_125 = arith.constant 0 : i32
      %dma_wait3A_126 = tpu.memref_slice %arg2[%dma_wait3A_124, %dma_wait3A_125] : memref<100096x32xf32, #tpu.memory_space<hbm>> -> memref<100096x32xf32, #tpu.memory_space<hbm>>
      tpu.wait_indirect_dma semaphore(%arg7 : memref<!tpu.dma_semaphore, #tpu.memory_space<semaphore_mem>>) src(%dma_wait3A_126 : memref<100096x32xf32, #tpu.memory_space<hbm>>) dst(%dma_wait3A_121 : memref<128x32xf32, #tpu.memory_space<vmem>>)
      %dma_wait3A_127 = arith.constant 768 : i32
      %dma_wait3A_128 = arith.constant 0 : i32
      %dma_wait3A_129 = tpu.memref_slice %arg6[%dma_wait3A_127, %dma_wait3A_128] : memref<1024x32xf32, #tpu.memory_space<vmem>> -> memref<128x32xf32, #tpu.memory_space<vmem>>
      %dma_wait3A_130 = arith.constant 768 : i32
      %dma_wait3A_131 = tpu.memref_slice %arg5[%dma_wait3A_130] : memref<1024xi32, #tpu.memory_space<vmem>> -> memref<128xi32, #tpu.memory_space<vmem>>
      %dma_wait3A_132 = arith.constant 0 : i32
      %dma_wait3A_133 = arith.constant 0 : i32
      %dma_wait3A_134 = tpu.memref_slice %arg2[%dma_wait3A_132, %dma_wait3A_133] : memref<100096x32xf32, #tpu.memory_space<hbm>> -> memref<100096x32xf32, #tpu.memory_space<hbm>>
      tpu.wait_indirect_dma semaphore(%arg7 : memref<!tpu.dma_semaphore, #tpu.memory_space<semaphore_mem>>) src(%dma_wait3A_134 : memref<100096x32xf32, #tpu.memory_space<hbm>>) dst(%dma_wait3A_129 : memref<128x32xf32, #tpu.memory_space<vmem>>)
      %dma_wait3A_135 = arith.constant 896 : i32
      %dma_wait3A_136 = arith.constant 0 : i32
      %dma_wait3A_137 = tpu.memref_slice %arg6[%dma_wait3A_135, %dma_wait3A_136] : memref<1024x32xf32, #tpu.memory_space<vmem>> -> memref<128x32xf32, #tpu.memory_space<vmem>>
      %dma_wait3A_138 = arith.constant 896 : i32
      %dma_wait3A_139 = tpu.memref_slice %arg5[%dma_wait3A_138] : memref<1024xi32, #tpu.memory_space<vmem>> -> memref<128xi32, #tpu.memory_space<vmem>>
      %dma_wait3A_140 = arith.constant 0 : i32
      %dma_wait3A_141 = arith.constant 0 : i32
      %dma_wait3A_142 = tpu.memref_slice %arg2[%dma_wait3A_140, %dma_wait3A_141] : memref<100096x32xf32, #tpu.memory_space<hbm>> -> memref<100096x32xf32, #tpu.memory_space<hbm>>
      tpu.wait_indirect_dma semaphore(%arg7 : memref<!tpu.dma_semaphore, #tpu.memory_space<semaphore_mem>>) src(%dma_wait3A_142 : memref<100096x32xf32, #tpu.memory_space<hbm>>) dst(%dma_wait3A_137 : memref<128x32xf32, #tpu.memory_space<vmem>>)
      "tpu.region"() ({
        %run_scoped3A = tpu.sem_alloc : memref<!tpu.dma_semaphore, #tpu.memory_space<semaphore_mem>>
        %dma_start3A_143 = arith.constant 0 : i32
        %dma_start3A_144 = tpu.memref_slice %arg4[%add3A_16, %dma_start3A_143] : memref<3211264x32xf32, #tpu.memory_space<hbm>> -> memref<1024x32xf32, #tpu.memory_space<hbm>>
        %dma_start3A_145 = arith.constant 0 : i32
        %dma_start3A_146 = tpu.memref_slice %arg4[%add3A_16, %dma_start3A_145] : memref<3211264x32xf32, #tpu.memory_space<hbm>> -> memref<1024x32xf32, #tpu.memory_space<hbm>>
        tpu.enqueue_dma source(%arg6 : memref<1024x32xf32, #tpu.memory_space<vmem>>) target(%dma_start3A_146 : memref<1024x32xf32, #tpu.memory_space<hbm>>) target_semaphore(%run_scoped3A : memref<!tpu.dma_semaphore, #tpu.memory_space<semaphore_mem>>)
        %dma_wait3A_147 = arith.constant 0 : i32
        %dma_wait3A_148 = tpu.memref_slice %arg4[%add3A_16, %dma_wait3A_147] : memref<3211264x32xf32, #tpu.memory_space<hbm>> -> memref<1024x32xf32, #tpu.memory_space<hbm>>
        %dma_wait3A_149 = arith.constant 0 : i32
        %dma_wait3A_150 = tpu.memref_slice %arg4[%add3A_16, %dma_wait3A_149] : memref<3211264x32xf32, #tpu.memory_space<hbm>> -> memref<1024x32xf32, #tpu.memory_space<hbm>>
        tpu.wait_dma2 semaphore(%run_scoped3A : memref<!tpu.dma_semaphore, #tpu.memory_space<semaphore_mem>>) src(%arg6 : memref<1024x32xf32, #tpu.memory_space<vmem>>) dst(%dma_wait3A_150 : memref<1024x32xf32, #tpu.memory_space<hbm>>)
        tpu.yield
      }) : () -> ()
    }
    %scan3A_6 = arith.constant 98 : i32
    return
  }
}

#map = affine_map<(d0, d1) -> (0, 0)>
#map1 = affine_map<(d0, d1) -> (0, 0, 0)>
module attributes {stable_mosaic.version = 14 : i64} {
  func.func @_s2_body(%arg0: i32, %arg1: i32, %arg2: memref<1605632x32xf32, #tpu.memory_space<hbm>>, %arg3: memref<12544x128xi32, #tpu.memory_space<hbm>>, %arg4: memref<2x100096x16xf32, #tpu.memory_space<hbm>>, %arg5: memref<8x128xi32, #tpu.memory_space<vmem>>, %arg6: memref<1024x16xf32, #tpu.memory_space<vmem>>, %arg7: memref<100096x16xf32, #tpu.memory_space<vmem_shared>>, %arg8: memref<!tpu.dma_semaphore, #tpu.memory_space<semaphore_mem>>) attributes {dimension_semantics = [#tpu.dimension_semantics<core_parallel>, #tpu.dimension_semantics<subcore_parallel>], iteration_bounds = array<i64: 2, 16>, scalar_prefetch = 0 : i64, scratch_operands = 4 : i64, tpu.core_type = #tpu.core_type<sc_vector_subcore>, window_params = [{transform_indices = #map}, {transform_indices = #map}, {transform_indices = #map1}]} {
    %scan3A = arith.constant 0 : i32
    %scan3A_0 = arith.constant 1024 : i32
    %scan3A_1 = arith.addi %scan3A, %scan3A_0 : i32
    %scan3A_2 = arith.constant 1 : i32
    scf.for %scan3A_30 = %scan3A to %scan3A_1 step %scan3A_2  : i32 {
      %mul3A_31 = arith.constant 1 : i32
      %mul3A_32 = arith.muli %scan3A_30, %mul3A_31 : i32
      %add3A_33 = arith.constant 0 : i32
      %add3A_34 = arith.addi %add3A_33, %mul3A_32 : i32
      %broadcast_in_dim3A = arith.constant 0.000000e+00 : f32
      %broadcast_in_dim3A_35 = vector.broadcast %broadcast_in_dim3A : f32 to vector<16xf32>
      %swap3A = arith.index_cast %add3A_34 : i32 to index
      %swap3A_36 = arith.constant 0 : index
      %swap3A_37 = tpu.vector_load %arg6[%swap3A, %swap3A_36] {strides = array<i32>} : memref<1024x16xf32, #tpu.memory_space<vmem>>, vector<1x16xf32>,
      %swap3A_38 = vector.shape_cast %swap3A_37 : vector<1x16xf32> to vector<16xf32>
      %swap3A_39 = vector.shape_cast %broadcast_in_dim3A_35 : vector<16xf32> to vector<1x16xf32>
      tpu.vector_store %arg6[%swap3A, %swap3A_36], %swap3A_39 {strides = array<i32>} : memref<1024x16xf32, #tpu.memory_space<vmem>>, vector<1x16xf32>,
    }
    %scan3A_3 = arith.constant 1024 : i32
    %mul3A = arith.constant 6256 : i32
    %mul3A_4 = arith.muli %arg1, %mul3A : i32
    %add3A = arith.constant 0 : i32
    %add3A_5 = arith.addi %mul3A_4, %add3A : i32
    "tpu.region"() ({
      %run_scoped3A = tpu.sem_alloc : memref<!tpu.dma_semaphore, #tpu.memory_space<semaphore_mem>>
      %dma_start3A = arith.constant 0 : i32
      %dma_start3A_30 = tpu.memref_slice %arg7[%add3A_5, %dma_start3A] : memref<100096x16xf32, #tpu.memory_space<vmem_shared>> -> memref<1024x16xf32, #tpu.memory_space<vmem_shared>>
      %dma_start3A_31 = arith.constant 0 : i32
      %dma_start3A_32 = tpu.memref_slice %arg7[%add3A_5, %dma_start3A_31] : memref<100096x16xf32, #tpu.memory_space<vmem_shared>> -> memref<1024x16xf32, #tpu.memory_space<vmem_shared>>
      tpu.enqueue_dma source(%arg6 : memref<1024x16xf32, #tpu.memory_space<vmem>>) target(%dma_start3A_32 : memref<1024x16xf32, #tpu.memory_space<vmem_shared>>) target_semaphore(%run_scoped3A : memref<!tpu.dma_semaphore, #tpu.memory_space<semaphore_mem>>)
      %dma_wait3A = arith.constant 0 : i32
      %dma_wait3A_33 = tpu.memref_slice %arg7[%add3A_5, %dma_wait3A] : memref<100096x16xf32, #tpu.memory_space<vmem_shared>> -> memref<1024x16xf32, #tpu.memory_space<vmem_shared>>
      %dma_wait3A_34 = arith.constant 0 : i32
      %dma_wait3A_35 = tpu.memref_slice %arg7[%add3A_5, %dma_wait3A_34] : memref<100096x16xf32, #tpu.memory_space<vmem_shared>> -> memref<1024x16xf32, #tpu.memory_space<vmem_shared>>
      tpu.wait_dma2 semaphore(%run_scoped3A : memref<!tpu.dma_semaphore, #tpu.memory_space<semaphore_mem>>) src(%arg6 : memref<1024x16xf32, #tpu.memory_space<vmem>>) dst(%dma_wait3A_35 : memref<1024x16xf32, #tpu.memory_space<vmem_shared>>)
      tpu.yield
    }) : () -> ()
    %add3A_6 = arith.constant 1024 : i32
    %add3A_7 = arith.addi %mul3A_4, %add3A_6 : i32
    "tpu.region"() ({
      %run_scoped3A = tpu.sem_alloc : memref<!tpu.dma_semaphore, #tpu.memory_space<semaphore_mem>>
      %dma_start3A = arith.constant 0 : i32
      %dma_start3A_30 = tpu.memref_slice %arg7[%add3A_7, %dma_start3A] : memref<100096x16xf32, #tpu.memory_space<vmem_shared>> -> memref<1024x16xf32, #tpu.memory_space<vmem_shared>>
      %dma_start3A_31 = arith.constant 0 : i32
      %dma_start3A_32 = tpu.memref_slice %arg7[%add3A_7, %dma_start3A_31] : memref<100096x16xf32, #tpu.memory_space<vmem_shared>> -> memref<1024x16xf32, #tpu.memory_space<vmem_shared>>
      tpu.enqueue_dma source(%arg6 : memref<1024x16xf32, #tpu.memory_space<vmem>>) target(%dma_start3A_32 : memref<1024x16xf32, #tpu.memory_space<vmem_shared>>) target_semaphore(%run_scoped3A : memref<!tpu.dma_semaphore, #tpu.memory_space<semaphore_mem>>)
      %dma_wait3A = arith.constant 0 : i32
      %dma_wait3A_33 = tpu.memref_slice %arg7[%add3A_7, %dma_wait3A] : memref<100096x16xf32, #tpu.memory_space<vmem_shared>> -> memref<1024x16xf32, #tpu.memory_space<vmem_shared>>
      %dma_wait3A_34 = arith.constant 0 : i32
      %dma_wait3A_35 = tpu.memref_slice %arg7[%add3A_7, %dma_wait3A_34] : memref<100096x16xf32, #tpu.memory_space<vmem_shared>> -> memref<1024x16xf32, #tpu.memory_space<vmem_shared>>
      tpu.wait_dma2 semaphore(%run_scoped3A : memref<!tpu.dma_semaphore, #tpu.memory_space<semaphore_mem>>) src(%arg6 : memref<1024x16xf32, #tpu.memory_space<vmem>>) dst(%dma_wait3A_35 : memref<1024x16xf32, #tpu.memory_space<vmem_shared>>)
      tpu.yield
    }) : () -> ()
    %add3A_8 = arith.constant 2048 : i32
    %add3A_9 = arith.addi %mul3A_4, %add3A_8 : i32
    "tpu.region"() ({
      %run_scoped3A = tpu.sem_alloc : memref<!tpu.dma_semaphore, #tpu.memory_space<semaphore_mem>>
      %dma_start3A = arith.constant 0 : i32
      %dma_start3A_30 = tpu.memref_slice %arg7[%add3A_9, %dma_start3A] : memref<100096x16xf32, #tpu.memory_space<vmem_shared>> -> memref<1024x16xf32, #tpu.memory_space<vmem_shared>>
      %dma_start3A_31 = arith.constant 0 : i32
      %dma_start3A_32 = tpu.memref_slice %arg7[%add3A_9, %dma_start3A_31] : memref<100096x16xf32, #tpu.memory_space<vmem_shared>> -> memref<1024x16xf32, #tpu.memory_space<vmem_shared>>
      tpu.enqueue_dma source(%arg6 : memref<1024x16xf32, #tpu.memory_space<vmem>>) target(%dma_start3A_32 : memref<1024x16xf32, #tpu.memory_space<vmem_shared>>) target_semaphore(%run_scoped3A : memref<!tpu.dma_semaphore, #tpu.memory_space<semaphore_mem>>)
      %dma_wait3A = arith.constant 0 : i32
      %dma_wait3A_33 = tpu.memref_slice %arg7[%add3A_9, %dma_wait3A] : memref<100096x16xf32, #tpu.memory_space<vmem_shared>> -> memref<1024x16xf32, #tpu.memory_space<vmem_shared>>
      %dma_wait3A_34 = arith.constant 0 : i32
      %dma_wait3A_35 = tpu.memref_slice %arg7[%add3A_9, %dma_wait3A_34] : memref<100096x16xf32, #tpu.memory_space<vmem_shared>> -> memref<1024x16xf32, #tpu.memory_space<vmem_shared>>
      tpu.wait_dma2 semaphore(%run_scoped3A : memref<!tpu.dma_semaphore, #tpu.memory_space<semaphore_mem>>) src(%arg6 : memref<1024x16xf32, #tpu.memory_space<vmem>>) dst(%dma_wait3A_35 : memref<1024x16xf32, #tpu.memory_space<vmem_shared>>)
      tpu.yield
    }) : () -> ()
    %add3A_10 = arith.constant 3072 : i32
    %add3A_11 = arith.addi %mul3A_4, %add3A_10 : i32
    "tpu.region"() ({
      %run_scoped3A = tpu.sem_alloc : memref<!tpu.dma_semaphore, #tpu.memory_space<semaphore_mem>>
      %dma_start3A = arith.constant 0 : i32
      %dma_start3A_30 = tpu.memref_slice %arg7[%add3A_11, %dma_start3A] : memref<100096x16xf32, #tpu.memory_space<vmem_shared>> -> memref<1024x16xf32, #tpu.memory_space<vmem_shared>>
      %dma_start3A_31 = arith.constant 0 : i32
      %dma_start3A_32 = tpu.memref_slice %arg7[%add3A_11, %dma_start3A_31] : memref<100096x16xf32, #tpu.memory_space<vmem_shared>> -> memref<1024x16xf32, #tpu.memory_space<vmem_shared>>
      tpu.enqueue_dma source(%arg6 : memref<1024x16xf32, #tpu.memory_space<vmem>>) target(%dma_start3A_32 : memref<1024x16xf32, #tpu.memory_space<vmem_shared>>) target_semaphore(%run_scoped3A : memref<!tpu.dma_semaphore, #tpu.memory_space<semaphore_mem>>)
      %dma_wait3A = arith.constant 0 : i32
      %dma_wait3A_33 = tpu.memref_slice %arg7[%add3A_11, %dma_wait3A] : memref<100096x16xf32, #tpu.memory_space<vmem_shared>> -> memref<1024x16xf32, #tpu.memory_space<vmem_shared>>
      %dma_wait3A_34 = arith.constant 0 : i32
      %dma_wait3A_35 = tpu.memref_slice %arg7[%add3A_11, %dma_wait3A_34] : memref<100096x16xf32, #tpu.memory_space<vmem_shared>> -> memref<1024x16xf32, #tpu.memory_space<vmem_shared>>
      tpu.wait_dma2 semaphore(%run_scoped3A : memref<!tpu.dma_semaphore, #tpu.memory_space<semaphore_mem>>) src(%arg6 : memref<1024x16xf32, #tpu.memory_space<vmem>>) dst(%dma_wait3A_35 : memref<1024x16xf32, #tpu.memory_space<vmem_shared>>)
      tpu.yield
    }) : () -> ()
    %add3A_12 = arith.constant 4096 : i32
    %add3A_13 = arith.addi %mul3A_4, %add3A_12 : i32
    "tpu.region"() ({
      %run_scoped3A = tpu.sem_alloc : memref<!tpu.dma_semaphore, #tpu.memory_space<semaphore_mem>>
      %dma_start3A = arith.constant 0 : i32
      %dma_start3A_30 = tpu.memref_slice %arg7[%add3A_13, %dma_start3A] : memref<100096x16xf32, #tpu.memory_space<vmem_shared>> -> memref<1024x16xf32, #tpu.memory_space<vmem_shared>>
      %dma_start3A_31 = arith.constant 0 : i32
      %dma_start3A_32 = tpu.memref_slice %arg7[%add3A_13, %dma_start3A_31] : memref<100096x16xf32, #tpu.memory_space<vmem_shared>> -> memref<1024x16xf32, #tpu.memory_space<vmem_shared>>
      tpu.enqueue_dma source(%arg6 : memref<1024x16xf32, #tpu.memory_space<vmem>>) target(%dma_start3A_32 : memref<1024x16xf32, #tpu.memory_space<vmem_shared>>) target_semaphore(%run_scoped3A : memref<!tpu.dma_semaphore, #tpu.memory_space<semaphore_mem>>)
      %dma_wait3A = arith.constant 0 : i32
      %dma_wait3A_33 = tpu.memref_slice %arg7[%add3A_13, %dma_wait3A] : memref<100096x16xf32, #tpu.memory_space<vmem_shared>> -> memref<1024x16xf32, #tpu.memory_space<vmem_shared>>
      %dma_wait3A_34 = arith.constant 0 : i32
      %dma_wait3A_35 = tpu.memref_slice %arg7[%add3A_13, %dma_wait3A_34] : memref<100096x16xf32, #tpu.memory_space<vmem_shared>> -> memref<1024x16xf32, #tpu.memory_space<vmem_shared>>
      tpu.wait_dma2 semaphore(%run_scoped3A : memref<!tpu.dma_semaphore, #tpu.memory_space<semaphore_mem>>) src(%arg6 : memref<1024x16xf32, #tpu.memory_space<vmem>>) dst(%dma_wait3A_35 : memref<1024x16xf32, #tpu.memory_space<vmem_shared>>)
      tpu.yield
    }) : () -> ()
    %add3A_14 = arith.constant 5120 : i32
    %add3A_15 = arith.addi %mul3A_4, %add3A_14 : i32
    "tpu.region"() ({
      %run_scoped3A = tpu.sem_alloc : memref<!tpu.dma_semaphore, #tpu.memory_space<semaphore_mem>>
      %dma_start3A = arith.constant 0 : i32
      %dma_start3A_30 = tpu.memref_slice %arg7[%add3A_15, %dma_start3A] : memref<100096x16xf32, #tpu.memory_space<vmem_shared>> -> memref<1024x16xf32, #tpu.memory_space<vmem_shared>>
      %dma_start3A_31 = arith.constant 0 : i32
      %dma_start3A_32 = tpu.memref_slice %arg7[%add3A_15, %dma_start3A_31] : memref<100096x16xf32, #tpu.memory_space<vmem_shared>> -> memref<1024x16xf32, #tpu.memory_space<vmem_shared>>
      tpu.enqueue_dma source(%arg6 : memref<1024x16xf32, #tpu.memory_space<vmem>>) target(%dma_start3A_32 : memref<1024x16xf32, #tpu.memory_space<vmem_shared>>) target_semaphore(%run_scoped3A : memref<!tpu.dma_semaphore, #tpu.memory_space<semaphore_mem>>)
      %dma_wait3A = arith.constant 0 : i32
      %dma_wait3A_33 = tpu.memref_slice %arg7[%add3A_15, %dma_wait3A] : memref<100096x16xf32, #tpu.memory_space<vmem_shared>> -> memref<1024x16xf32, #tpu.memory_space<vmem_shared>>
      %dma_wait3A_34 = arith.constant 0 : i32
      %dma_wait3A_35 = tpu.memref_slice %arg7[%add3A_15, %dma_wait3A_34] : memref<100096x16xf32, #tpu.memory_space<vmem_shared>> -> memref<1024x16xf32, #tpu.memory_space<vmem_shared>>
      tpu.wait_dma2 semaphore(%run_scoped3A : memref<!tpu.dma_semaphore, #tpu.memory_space<semaphore_mem>>) src(%arg6 : memref<1024x16xf32, #tpu.memory_space<vmem>>) dst(%dma_wait3A_35 : memref<1024x16xf32, #tpu.memory_space<vmem_shared>>)
      tpu.yield
    }) : () -> ()
    %add3A_16 = arith.constant 6144 : i32
    %add3A_17 = arith.addi %mul3A_4, %add3A_16 : i32
    "tpu.region"() ({
      %run_scoped3A = tpu.sem_alloc : memref<!tpu.dma_semaphore, #tpu.memory_space<semaphore_mem>>
      %dma_start3A = arith.constant 0 : i32
      %dma_start3A_30 = arith.constant 0 : i32
      %dma_start3A_31 = tpu.memref_slice %arg6[%dma_start3A, %dma_start3A_30] : memref<1024x16xf32, #tpu.memory_space<vmem>> -> memref<112x16xf32, #tpu.memory_space<vmem>>
      %dma_start3A_32 = arith.constant 0 : i32
      %dma_start3A_33 = tpu.memref_slice %arg7[%add3A_17, %dma_start3A_32] : memref<100096x16xf32, #tpu.memory_space<vmem_shared>> -> memref<112x16xf32, #tpu.memory_space<vmem_shared>>
      %dma_start3A_34 = arith.constant 0 : i32
      %dma_start3A_35 = tpu.memref_slice %arg7[%add3A_17, %dma_start3A_34] : memref<100096x16xf32, #tpu.memory_space<vmem_shared>> -> memref<112x16xf32, #tpu.memory_space<vmem_shared>>
      %dma_start3A_36 = arith.constant 0 : i32
      %dma_start3A_37 = arith.constant 0 : i32
      %dma_start3A_38 = tpu.memref_slice %arg6[%dma_start3A_36, %dma_start3A_37] : memref<1024x16xf32, #tpu.memory_space<vmem>> -> memref<112x16xf32, #tpu.memory_space<vmem>>
      tpu.enqueue_dma source(%dma_start3A_38 : memref<112x16xf32, #tpu.memory_space<vmem>>) target(%dma_start3A_35 : memref<112x16xf32, #tpu.memory_space<vmem_shared>>) target_semaphore(%run_scoped3A : memref<!tpu.dma_semaphore, #tpu.memory_space<semaphore_mem>>)
      %dma_wait3A = arith.constant 0 : i32
      %dma_wait3A_39 = arith.constant 0 : i32
      %dma_wait3A_40 = tpu.memref_slice %arg6[%dma_wait3A, %dma_wait3A_39] : memref<1024x16xf32, #tpu.memory_space<vmem>> -> memref<112x16xf32, #tpu.memory_space<vmem>>
      %dma_wait3A_41 = arith.constant 0 : i32
      %dma_wait3A_42 = tpu.memref_slice %arg7[%add3A_17, %dma_wait3A_41] : memref<100096x16xf32, #tpu.memory_space<vmem_shared>> -> memref<112x16xf32, #tpu.memory_space<vmem_shared>>
      %dma_wait3A_43 = arith.constant 0 : i32
      %dma_wait3A_44 = tpu.memref_slice %arg7[%add3A_17, %dma_wait3A_43] : memref<100096x16xf32, #tpu.memory_space<vmem_shared>> -> memref<112x16xf32, #tpu.memory_space<vmem_shared>>
      %dma_wait3A_45 = arith.constant 0 : i32
      %dma_wait3A_46 = arith.constant 0 : i32
      %dma_wait3A_47 = tpu.memref_slice %arg6[%dma_wait3A_45, %dma_wait3A_46] : memref<1024x16xf32, #tpu.memory_space<vmem>> -> memref<112x16xf32, #tpu.memory_space<vmem>>
      tpu.wait_dma2 semaphore(%run_scoped3A : memref<!tpu.dma_semaphore, #tpu.memory_space<semaphore_mem>>) src(%dma_wait3A_47 : memref<112x16xf32, #tpu.memory_space<vmem>>) dst(%dma_wait3A_44 : memref<112x16xf32, #tpu.memory_space<vmem_shared>>)
      tpu.yield
    }) : () -> ()
    %barrier3A = arith.constant 0 : index
    tpu.barrier barrier_id(%barrier3A)
    %mul3A_18 = arith.constant 784 : i32
    %mul3A_19 = arith.muli %arg1, %mul3A_18 : i32
    %scan3A_20 = arith.constant 0 : i32
    %scan3A_21 = arith.constant 98 : i32
    %scan3A_22 = arith.addi %scan3A_20, %scan3A_21 : i32
    %scan3A_23 = arith.constant 1 : i32
    scf.for %scan3A_30 = %scan3A_20 to %scan3A_22 step %scan3A_23  : i32 {
      %mul3A_31 = arith.constant 1 : i32
      %mul3A_32 = arith.muli %scan3A_30, %mul3A_31 : i32
      %add3A_33 = arith.constant 0 : i32
      %add3A_34 = arith.addi %add3A_33, %mul3A_32 : i32
      %mul3A_35 = arith.constant 8 : i32
      %mul3A_36 = arith.muli %add3A_34, %mul3A_35 : i32
      %add3A_37 = arith.addi %mul3A_19, %mul3A_36 : i32
      "tpu.region"() ({
        %run_scoped3A_49 = tpu.sem_alloc : memref<!tpu.dma_semaphore, #tpu.memory_space<semaphore_mem>>
        %dma_start3A = arith.constant 0 : i32
        %dma_start3A_50 = tpu.memref_slice %arg3[%add3A_37, %dma_start3A] : memref<12544x128xi32, #tpu.memory_space<hbm>> -> memref<8x128xi32, #tpu.memory_space<hbm>>
        %dma_start3A_51 = arith.constant 0 : i32
        %dma_start3A_52 = tpu.memref_slice %arg3[%add3A_37, %dma_start3A_51] : memref<12544x128xi32, #tpu.memory_space<hbm>> -> memref<8x128xi32, #tpu.memory_space<hbm>>
        tpu.enqueue_dma source(%dma_start3A_52 : memref<8x128xi32, #tpu.memory_space<hbm>>) target(%arg5 : memref<8x128xi32, #tpu.memory_space<vmem>>) target_semaphore(%run_scoped3A_49 : memref<!tpu.dma_semaphore, #tpu.memory_space<semaphore_mem>>)
        %dma_wait3A = arith.constant 0 : i32
        %dma_wait3A_53 = tpu.memref_slice %arg3[%add3A_37, %dma_wait3A] : memref<12544x128xi32, #tpu.memory_space<hbm>> -> memref<8x128xi32, #tpu.memory_space<hbm>>
        %dma_wait3A_54 = arith.constant 0 : i32
        %dma_wait3A_55 = tpu.memref_slice %arg3[%add3A_37, %dma_wait3A_54] : memref<12544x128xi32, #tpu.memory_space<hbm>> -> memref<8x128xi32, #tpu.memory_space<hbm>>
        tpu.wait_dma2 semaphore(%run_scoped3A_49 : memref<!tpu.dma_semaphore, #tpu.memory_space<semaphore_mem>>) src(%dma_wait3A_55 : memref<8x128xi32, #tpu.memory_space<hbm>>) dst(%arg5 : memref<8x128xi32, #tpu.memory_space<vmem>>)
        tpu.yield
      }) : () -> ()
      %mul3A_38 = arith.constant 128 : i32
      %mul3A_39 = arith.muli %add3A_37, %mul3A_38 : i32
      %mul3A_40 = arith.constant 16 : i32
      %mul3A_41 = arith.muli %mul3A_40, %arg0 : i32
      "tpu.region"() ({
        %run_scoped3A_49 = tpu.sem_alloc : memref<!tpu.dma_semaphore, #tpu.memory_space<semaphore_mem>>
        %dma_start3A = tpu.memref_slice %arg2[%mul3A_39, %mul3A_41] : memref<1605632x32xf32, #tpu.memory_space<hbm>> -> memref<1024x16xf32, #tpu.memory_space<hbm>>
        %dma_start3A_50 = tpu.memref_slice %arg2[%mul3A_39, %mul3A_41] : memref<1605632x32xf32, #tpu.memory_space<hbm>> -> memref<1024x16xf32, #tpu.memory_space<hbm>>
        tpu.enqueue_dma source(%dma_start3A_50 : memref<1024x16xf32, #tpu.memory_space<hbm>>) target(%arg6 : memref<1024x16xf32, #tpu.memory_space<vmem>>) target_semaphore(%run_scoped3A_49 : memref<!tpu.dma_semaphore, #tpu.memory_space<semaphore_mem>>)
        %dma_wait3A = tpu.memref_slice %arg2[%mul3A_39, %mul3A_41] : memref<1605632x32xf32, #tpu.memory_space<hbm>> -> memref<1024x16xf32, #tpu.memory_space<hbm>>
        %dma_wait3A_51 = tpu.memref_slice %arg2[%mul3A_39, %mul3A_41] : memref<1605632x32xf32, #tpu.memory_space<hbm>> -> memref<1024x16xf32, #tpu.memory_space<hbm>>
        tpu.wait_dma2 semaphore(%run_scoped3A_49 : memref<!tpu.dma_semaphore, #tpu.memory_space<semaphore_mem>>) src(%dma_wait3A_51 : memref<1024x16xf32, #tpu.memory_space<hbm>>) dst(%arg6 : memref<1024x16xf32, #tpu.memory_space<vmem>>)
        tpu.yield
      }) : () -> ()
      %run_scoped3A = arith.constant 0 : i32
      "tpu.region"() ({
        %run_scoped3A_49 = tpu.sem_alloc : memref<!tpu.dma_semaphore, #tpu.memory_space<semaphore_mem>>
        %dma_start3A = arith.constant 0 : i32
        %dma_start3A_50 = arith.constant 0 : i32
        %dma_start3A_51 = tpu.memref_slice %arg6[%dma_start3A, %dma_start3A_50] : memref<1024x16xf32, #tpu.memory_space<vmem>> -> memref<128x16xf32, #tpu.memory_space<vmem>>
        %dma_start3A_52 = arith.constant 0 : i32
        %dma_start3A_53 = tpu.memref_slice %arg5[%run_scoped3A, %dma_start3A_52] : memref<8x128xi32, #tpu.memory_space<vmem>> -> memref<1x128xi32, #tpu.memory_space<vmem>>
        %dma_start3A_54 = tpu.memref_squeeze %dma_start3A_53 : memref<1x128xi32, #tpu.memory_space<vmem>> -> memref<128xi32, #tpu.memory_space<vmem>>
        %dma_start3A_55 = arith.constant 0 : i32
        %dma_start3A_56 = arith.constant 0 : i32
        %dma_start3A_57 = tpu.memref_slice %arg7[%dma_start3A_55, %dma_start3A_56] : memref<100096x16xf32, #tpu.memory_space<vmem_shared>> -> memref<100096x16xf32, #tpu.memory_space<vmem_shared>>
        tpu.enqueue_indirect_dma source(%dma_start3A_51 : memref<128x16xf32, #tpu.memory_space<vmem>>) target(%dma_start3A_57 : memref<100096x16xf32, #tpu.memory_space<vmem_shared>>) offsets(%dma_start3A_54 : memref<128xi32, #tpu.memory_space<vmem>>) semaphore(%run_scoped3A_49 : memref<!tpu.dma_semaphore, #tpu.memory_space<semaphore_mem>>) {add = true}
        %dma_wait3A = arith.constant 0 : i32
        %dma_wait3A_58 = arith.constant 0 : i32
        %dma_wait3A_59 = tpu.memref_slice %arg6[%dma_wait3A, %dma_wait3A_58] : memref<1024x16xf32, #tpu.memory_space<vmem>> -> memref<128x16xf32, #tpu.memory_space<vmem>>
        %dma_wait3A_60 = arith.constant 0 : i32
        %dma_wait3A_61 = tpu.memref_slice %arg5[%run_scoped3A, %dma_wait3A_60] : memref<8x128xi32, #tpu.memory_space<vmem>> -> memref<1x128xi32, #tpu.memory_space<vmem>>
        %dma_wait3A_62 = tpu.memref_squeeze %dma_wait3A_61 : memref<1x128xi32, #tpu.memory_space<vmem>> -> memref<128xi32, #tpu.memory_space<vmem>>
        %dma_wait3A_63 = arith.constant 0 : i32
        %dma_wait3A_64 = arith.constant 0 : i32
        %dma_wait3A_65 = tpu.memref_slice %arg7[%dma_wait3A_63, %dma_wait3A_64] : memref<100096x16xf32, #tpu.memory_space<vmem_shared>> -> memref<100096x16xf32, #tpu.memory_space<vmem_shared>>
        tpu.wait_indirect_dma semaphore(%run_scoped3A_49 : memref<!tpu.dma_semaphore, #tpu.memory_space<semaphore_mem>>) src(%dma_wait3A_59 : memref<128x16xf32, #tpu.memory_space<vmem>>) dst(%dma_wait3A_65 : memref<100096x16xf32, #tpu.memory_space<vmem_shared>>)
        tpu.yield
      }) : () -> ()
      %run_scoped3A_42 = arith.constant 1 : i32
      "tpu.region"() ({
        %run_scoped3A_49 = tpu.sem_alloc : memref<!tpu.dma_semaphore, #tpu.memory_space<semaphore_mem>>
        %dma_start3A = arith.constant 128 : i32
        %dma_start3A_50 = arith.constant 0 : i32
        %dma_start3A_51 = tpu.memref_slice %arg6[%dma_start3A, %dma_start3A_50] : memref<1024x16xf32, #tpu.memory_space<vmem>> -> memref<128x16xf32, #tpu.memory_space<vmem>>
        %dma_start3A_52 = arith.constant 0 : i32
        %dma_start3A_53 = tpu.memref_slice %arg5[%run_scoped3A_42, %dma_start3A_52] : memref<8x128xi32, #tpu.memory_space<vmem>> -> memref<1x128xi32, #tpu.memory_space<vmem>>
        %dma_start3A_54 = tpu.memref_squeeze %dma_start3A_53 : memref<1x128xi32, #tpu.memory_space<vmem>> -> memref<128xi32, #tpu.memory_space<vmem>>
        %dma_start3A_55 = arith.constant 0 : i32
        %dma_start3A_56 = arith.constant 0 : i32
        %dma_start3A_57 = tpu.memref_slice %arg7[%dma_start3A_55, %dma_start3A_56] : memref<100096x16xf32, #tpu.memory_space<vmem_shared>> -> memref<100096x16xf32, #tpu.memory_space<vmem_shared>>
        tpu.enqueue_indirect_dma source(%dma_start3A_51 : memref<128x16xf32, #tpu.memory_space<vmem>>) target(%dma_start3A_57 : memref<100096x16xf32, #tpu.memory_space<vmem_shared>>) offsets(%dma_start3A_54 : memref<128xi32, #tpu.memory_space<vmem>>) semaphore(%run_scoped3A_49 : memref<!tpu.dma_semaphore, #tpu.memory_space<semaphore_mem>>) {add = true}
        %dma_wait3A = arith.constant 128 : i32
        %dma_wait3A_58 = arith.constant 0 : i32
        %dma_wait3A_59 = tpu.memref_slice %arg6[%dma_wait3A, %dma_wait3A_58] : memref<1024x16xf32, #tpu.memory_space<vmem>> -> memref<128x16xf32, #tpu.memory_space<vmem>>
        %dma_wait3A_60 = arith.constant 0 : i32
        %dma_wait3A_61 = tpu.memref_slice %arg5[%run_scoped3A_42, %dma_wait3A_60] : memref<8x128xi32, #tpu.memory_space<vmem>> -> memref<1x128xi32, #tpu.memory_space<vmem>>
        %dma_wait3A_62 = tpu.memref_squeeze %dma_wait3A_61 : memref<1x128xi32, #tpu.memory_space<vmem>> -> memref<128xi32, #tpu.memory_space<vmem>>
        %dma_wait3A_63 = arith.constant 0 : i32
        %dma_wait3A_64 = arith.constant 0 : i32
        %dma_wait3A_65 = tpu.memref_slice %arg7[%dma_wait3A_63, %dma_wait3A_64] : memref<100096x16xf32, #tpu.memory_space<vmem_shared>> -> memref<100096x16xf32, #tpu.memory_space<vmem_shared>>
        tpu.wait_indirect_dma semaphore(%run_scoped3A_49 : memref<!tpu.dma_semaphore, #tpu.memory_space<semaphore_mem>>) src(%dma_wait3A_59 : memref<128x16xf32, #tpu.memory_space<vmem>>) dst(%dma_wait3A_65 : memref<100096x16xf32, #tpu.memory_space<vmem_shared>>)
        tpu.yield
      }) : () -> ()
      %run_scoped3A_43 = arith.constant 2 : i32
      "tpu.region"() ({
        %run_scoped3A_49 = tpu.sem_alloc : memref<!tpu.dma_semaphore, #tpu.memory_space<semaphore_mem>>
        %dma_start3A = arith.constant 256 : i32
        %dma_start3A_50 = arith.constant 0 : i32
        %dma_start3A_51 = tpu.memref_slice %arg6[%dma_start3A, %dma_start3A_50] : memref<1024x16xf32, #tpu.memory_space<vmem>> -> memref<128x16xf32, #tpu.memory_space<vmem>>
        %dma_start3A_52 = arith.constant 0 : i32
        %dma_start3A_53 = tpu.memref_slice %arg5[%run_scoped3A_43, %dma_start3A_52] : memref<8x128xi32, #tpu.memory_space<vmem>> -> memref<1x128xi32, #tpu.memory_space<vmem>>
        %dma_start3A_54 = tpu.memref_squeeze %dma_start3A_53 : memref<1x128xi32, #tpu.memory_space<vmem>> -> memref<128xi32, #tpu.memory_space<vmem>>
        %dma_start3A_55 = arith.constant 0 : i32
        %dma_start3A_56 = arith.constant 0 : i32
        %dma_start3A_57 = tpu.memref_slice %arg7[%dma_start3A_55, %dma_start3A_56] : memref<100096x16xf32, #tpu.memory_space<vmem_shared>> -> memref<100096x16xf32, #tpu.memory_space<vmem_shared>>
        tpu.enqueue_indirect_dma source(%dma_start3A_51 : memref<128x16xf32, #tpu.memory_space<vmem>>) target(%dma_start3A_57 : memref<100096x16xf32, #tpu.memory_space<vmem_shared>>) offsets(%dma_start3A_54 : memref<128xi32, #tpu.memory_space<vmem>>) semaphore(%run_scoped3A_49 : memref<!tpu.dma_semaphore, #tpu.memory_space<semaphore_mem>>) {add = true}
        %dma_wait3A = arith.constant 256 : i32
        %dma_wait3A_58 = arith.constant 0 : i32
        %dma_wait3A_59 = tpu.memref_slice %arg6[%dma_wait3A, %dma_wait3A_58] : memref<1024x16xf32, #tpu.memory_space<vmem>> -> memref<128x16xf32, #tpu.memory_space<vmem>>
        %dma_wait3A_60 = arith.constant 0 : i32
        %dma_wait3A_61 = tpu.memref_slice %arg5[%run_scoped3A_43, %dma_wait3A_60] : memref<8x128xi32, #tpu.memory_space<vmem>> -> memref<1x128xi32, #tpu.memory_space<vmem>>
        %dma_wait3A_62 = tpu.memref_squeeze %dma_wait3A_61 : memref<1x128xi32, #tpu.memory_space<vmem>> -> memref<128xi32, #tpu.memory_space<vmem>>
        %dma_wait3A_63 = arith.constant 0 : i32
        %dma_wait3A_64 = arith.constant 0 : i32
        %dma_wait3A_65 = tpu.memref_slice %arg7[%dma_wait3A_63, %dma_wait3A_64] : memref<100096x16xf32, #tpu.memory_space<vmem_shared>> -> memref<100096x16xf32, #tpu.memory_space<vmem_shared>>
        tpu.wait_indirect_dma semaphore(%run_scoped3A_49 : memref<!tpu.dma_semaphore, #tpu.memory_space<semaphore_mem>>) src(%dma_wait3A_59 : memref<128x16xf32, #tpu.memory_space<vmem>>) dst(%dma_wait3A_65 : memref<100096x16xf32, #tpu.memory_space<vmem_shared>>)
        tpu.yield
      }) : () -> ()
      %run_scoped3A_44 = arith.constant 3 : i32
      "tpu.region"() ({
        %run_scoped3A_49 = tpu.sem_alloc : memref<!tpu.dma_semaphore, #tpu.memory_space<semaphore_mem>>
        %dma_start3A = arith.constant 384 : i32
        %dma_start3A_50 = arith.constant 0 : i32
        %dma_start3A_51 = tpu.memref_slice %arg6[%dma_start3A, %dma_start3A_50] : memref<1024x16xf32, #tpu.memory_space<vmem>> -> memref<128x16xf32, #tpu.memory_space<vmem>>
        %dma_start3A_52 = arith.constant 0 : i32
        %dma_start3A_53 = tpu.memref_slice %arg5[%run_scoped3A_44, %dma_start3A_52] : memref<8x128xi32, #tpu.memory_space<vmem>> -> memref<1x128xi32, #tpu.memory_space<vmem>>
        %dma_start3A_54 = tpu.memref_squeeze %dma_start3A_53 : memref<1x128xi32, #tpu.memory_space<vmem>> -> memref<128xi32, #tpu.memory_space<vmem>>
        %dma_start3A_55 = arith.constant 0 : i32
        %dma_start3A_56 = arith.constant 0 : i32
        %dma_start3A_57 = tpu.memref_slice %arg7[%dma_start3A_55, %dma_start3A_56] : memref<100096x16xf32, #tpu.memory_space<vmem_shared>> -> memref<100096x16xf32, #tpu.memory_space<vmem_shared>>
        tpu.enqueue_indirect_dma source(%dma_start3A_51 : memref<128x16xf32, #tpu.memory_space<vmem>>) target(%dma_start3A_57 : memref<100096x16xf32, #tpu.memory_space<vmem_shared>>) offsets(%dma_start3A_54 : memref<128xi32, #tpu.memory_space<vmem>>) semaphore(%run_scoped3A_49 : memref<!tpu.dma_semaphore, #tpu.memory_space<semaphore_mem>>) {add = true}
        %dma_wait3A = arith.constant 384 : i32
        %dma_wait3A_58 = arith.constant 0 : i32
        %dma_wait3A_59 = tpu.memref_slice %arg6[%dma_wait3A, %dma_wait3A_58] : memref<1024x16xf32, #tpu.memory_space<vmem>> -> memref<128x16xf32, #tpu.memory_space<vmem>>
        %dma_wait3A_60 = arith.constant 0 : i32
        %dma_wait3A_61 = tpu.memref_slice %arg5[%run_scoped3A_44, %dma_wait3A_60] : memref<8x128xi32, #tpu.memory_space<vmem>> -> memref<1x128xi32, #tpu.memory_space<vmem>>
        %dma_wait3A_62 = tpu.memref_squeeze %dma_wait3A_61 : memref<1x128xi32, #tpu.memory_space<vmem>> -> memref<128xi32, #tpu.memory_space<vmem>>
        %dma_wait3A_63 = arith.constant 0 : i32
        %dma_wait3A_64 = arith.constant 0 : i32
        %dma_wait3A_65 = tpu.memref_slice %arg7[%dma_wait3A_63, %dma_wait3A_64] : memref<100096x16xf32, #tpu.memory_space<vmem_shared>> -> memref<100096x16xf32, #tpu.memory_space<vmem_shared>>
        tpu.wait_indirect_dma semaphore(%run_scoped3A_49 : memref<!tpu.dma_semaphore, #tpu.memory_space<semaphore_mem>>) src(%dma_wait3A_59 : memref<128x16xf32, #tpu.memory_space<vmem>>) dst(%dma_wait3A_65 : memref<100096x16xf32, #tpu.memory_space<vmem_shared>>)
        tpu.yield
      }) : () -> ()
      %run_scoped3A_45 = arith.constant 4 : i32
      "tpu.region"() ({
        %run_scoped3A_49 = tpu.sem_alloc : memref<!tpu.dma_semaphore, #tpu.memory_space<semaphore_mem>>
        %dma_start3A = arith.constant 512 : i32
        %dma_start3A_50 = arith.constant 0 : i32
        %dma_start3A_51 = tpu.memref_slice %arg6[%dma_start3A, %dma_start3A_50] : memref<1024x16xf32, #tpu.memory_space<vmem>> -> memref<128x16xf32, #tpu.memory_space<vmem>>
        %dma_start3A_52 = arith.constant 0 : i32
        %dma_start3A_53 = tpu.memref_slice %arg5[%run_scoped3A_45, %dma_start3A_52] : memref<8x128xi32, #tpu.memory_space<vmem>> -> memref<1x128xi32, #tpu.memory_space<vmem>>
        %dma_start3A_54 = tpu.memref_squeeze %dma_start3A_53 : memref<1x128xi32, #tpu.memory_space<vmem>> -> memref<128xi32, #tpu.memory_space<vmem>>
        %dma_start3A_55 = arith.constant 0 : i32
        %dma_start3A_56 = arith.constant 0 : i32
        %dma_start3A_57 = tpu.memref_slice %arg7[%dma_start3A_55, %dma_start3A_56] : memref<100096x16xf32, #tpu.memory_space<vmem_shared>> -> memref<100096x16xf32, #tpu.memory_space<vmem_shared>>
        tpu.enqueue_indirect_dma source(%dma_start3A_51 : memref<128x16xf32, #tpu.memory_space<vmem>>) target(%dma_start3A_57 : memref<100096x16xf32, #tpu.memory_space<vmem_shared>>) offsets(%dma_start3A_54 : memref<128xi32, #tpu.memory_space<vmem>>) semaphore(%run_scoped3A_49 : memref<!tpu.dma_semaphore, #tpu.memory_space<semaphore_mem>>) {add = true}
        %dma_wait3A = arith.constant 512 : i32
        %dma_wait3A_58 = arith.constant 0 : i32
        %dma_wait3A_59 = tpu.memref_slice %arg6[%dma_wait3A, %dma_wait3A_58] : memref<1024x16xf32, #tpu.memory_space<vmem>> -> memref<128x16xf32, #tpu.memory_space<vmem>>
        %dma_wait3A_60 = arith.constant 0 : i32
        %dma_wait3A_61 = tpu.memref_slice %arg5[%run_scoped3A_45, %dma_wait3A_60] : memref<8x128xi32, #tpu.memory_space<vmem>> -> memref<1x128xi32, #tpu.memory_space<vmem>>
        %dma_wait3A_62 = tpu.memref_squeeze %dma_wait3A_61 : memref<1x128xi32, #tpu.memory_space<vmem>> -> memref<128xi32, #tpu.memory_space<vmem>>
        %dma_wait3A_63 = arith.constant 0 : i32
        %dma_wait3A_64 = arith.constant 0 : i32
        %dma_wait3A_65 = tpu.memref_slice %arg7[%dma_wait3A_63, %dma_wait3A_64] : memref<100096x16xf32, #tpu.memory_space<vmem_shared>> -> memref<100096x16xf32, #tpu.memory_space<vmem_shared>>
        tpu.wait_indirect_dma semaphore(%run_scoped3A_49 : memref<!tpu.dma_semaphore, #tpu.memory_space<semaphore_mem>>) src(%dma_wait3A_59 : memref<128x16xf32, #tpu.memory_space<vmem>>) dst(%dma_wait3A_65 : memref<100096x16xf32, #tpu.memory_space<vmem_shared>>)
        tpu.yield
      }) : () -> ()
      %run_scoped3A_46 = arith.constant 5 : i32
      "tpu.region"() ({
        %run_scoped3A_49 = tpu.sem_alloc : memref<!tpu.dma_semaphore, #tpu.memory_space<semaphore_mem>>
        %dma_start3A = arith.constant 640 : i32
        %dma_start3A_50 = arith.constant 0 : i32
        %dma_start3A_51 = tpu.memref_slice %arg6[%dma_start3A, %dma_start3A_50] : memref<1024x16xf32, #tpu.memory_space<vmem>> -> memref<128x16xf32, #tpu.memory_space<vmem>>
        %dma_start3A_52 = arith.constant 0 : i32
        %dma_start3A_53 = tpu.memref_slice %arg5[%run_scoped3A_46, %dma_start3A_52] : memref<8x128xi32, #tpu.memory_space<vmem>> -> memref<1x128xi32, #tpu.memory_space<vmem>>
        %dma_start3A_54 = tpu.memref_squeeze %dma_start3A_53 : memref<1x128xi32, #tpu.memory_space<vmem>> -> memref<128xi32, #tpu.memory_space<vmem>>
        %dma_start3A_55 = arith.constant 0 : i32
        %dma_start3A_56 = arith.constant 0 : i32
        %dma_start3A_57 = tpu.memref_slice %arg7[%dma_start3A_55, %dma_start3A_56] : memref<100096x16xf32, #tpu.memory_space<vmem_shared>> -> memref<100096x16xf32, #tpu.memory_space<vmem_shared>>
        tpu.enqueue_indirect_dma source(%dma_start3A_51 : memref<128x16xf32, #tpu.memory_space<vmem>>) target(%dma_start3A_57 : memref<100096x16xf32, #tpu.memory_space<vmem_shared>>) offsets(%dma_start3A_54 : memref<128xi32, #tpu.memory_space<vmem>>) semaphore(%run_scoped3A_49 : memref<!tpu.dma_semaphore, #tpu.memory_space<semaphore_mem>>) {add = true}
        %dma_wait3A = arith.constant 640 : i32
        %dma_wait3A_58 = arith.constant 0 : i32
        %dma_wait3A_59 = tpu.memref_slice %arg6[%dma_wait3A, %dma_wait3A_58] : memref<1024x16xf32, #tpu.memory_space<vmem>> -> memref<128x16xf32, #tpu.memory_space<vmem>>
        %dma_wait3A_60 = arith.constant 0 : i32
        %dma_wait3A_61 = tpu.memref_slice %arg5[%run_scoped3A_46, %dma_wait3A_60] : memref<8x128xi32, #tpu.memory_space<vmem>> -> memref<1x128xi32, #tpu.memory_space<vmem>>
        %dma_wait3A_62 = tpu.memref_squeeze %dma_wait3A_61 : memref<1x128xi32, #tpu.memory_space<vmem>> -> memref<128xi32, #tpu.memory_space<vmem>>
        %dma_wait3A_63 = arith.constant 0 : i32
        %dma_wait3A_64 = arith.constant 0 : i32
        %dma_wait3A_65 = tpu.memref_slice %arg7[%dma_wait3A_63, %dma_wait3A_64] : memref<100096x16xf32, #tpu.memory_space<vmem_shared>> -> memref<100096x16xf32, #tpu.memory_space<vmem_shared>>
        tpu.wait_indirect_dma semaphore(%run_scoped3A_49 : memref<!tpu.dma_semaphore, #tpu.memory_space<semaphore_mem>>) src(%dma_wait3A_59 : memref<128x16xf32, #tpu.memory_space<vmem>>) dst(%dma_wait3A_65 : memref<100096x16xf32, #tpu.memory_space<vmem_shared>>)
        tpu.yield
      }) : () -> ()
      %run_scoped3A_47 = arith.constant 6 : i32
      "tpu.region"() ({
        %run_scoped3A_49 = tpu.sem_alloc : memref<!tpu.dma_semaphore, #tpu.memory_space<semaphore_mem>>
        %dma_start3A = arith.constant 768 : i32
        %dma_start3A_50 = arith.constant 0 : i32
        %dma_start3A_51 = tpu.memref_slice %arg6[%dma_start3A, %dma_start3A_50] : memref<1024x16xf32, #tpu.memory_space<vmem>> -> memref<128x16xf32, #tpu.memory_space<vmem>>
        %dma_start3A_52 = arith.constant 0 : i32
        %dma_start3A_53 = tpu.memref_slice %arg5[%run_scoped3A_47, %dma_start3A_52] : memref<8x128xi32, #tpu.memory_space<vmem>> -> memref<1x128xi32, #tpu.memory_space<vmem>>
        %dma_start3A_54 = tpu.memref_squeeze %dma_start3A_53 : memref<1x128xi32, #tpu.memory_space<vmem>> -> memref<128xi32, #tpu.memory_space<vmem>>
        %dma_start3A_55 = arith.constant 0 : i32
        %dma_start3A_56 = arith.constant 0 : i32
        %dma_start3A_57 = tpu.memref_slice %arg7[%dma_start3A_55, %dma_start3A_56] : memref<100096x16xf32, #tpu.memory_space<vmem_shared>> -> memref<100096x16xf32, #tpu.memory_space<vmem_shared>>
        tpu.enqueue_indirect_dma source(%dma_start3A_51 : memref<128x16xf32, #tpu.memory_space<vmem>>) target(%dma_start3A_57 : memref<100096x16xf32, #tpu.memory_space<vmem_shared>>) offsets(%dma_start3A_54 : memref<128xi32, #tpu.memory_space<vmem>>) semaphore(%run_scoped3A_49 : memref<!tpu.dma_semaphore, #tpu.memory_space<semaphore_mem>>) {add = true}
        %dma_wait3A = arith.constant 768 : i32
        %dma_wait3A_58 = arith.constant 0 : i32
        %dma_wait3A_59 = tpu.memref_slice %arg6[%dma_wait3A, %dma_wait3A_58] : memref<1024x16xf32, #tpu.memory_space<vmem>> -> memref<128x16xf32, #tpu.memory_space<vmem>>
        %dma_wait3A_60 = arith.constant 0 : i32
        %dma_wait3A_61 = tpu.memref_slice %arg5[%run_scoped3A_47, %dma_wait3A_60] : memref<8x128xi32, #tpu.memory_space<vmem>> -> memref<1x128xi32, #tpu.memory_space<vmem>>
        %dma_wait3A_62 = tpu.memref_squeeze %dma_wait3A_61 : memref<1x128xi32, #tpu.memory_space<vmem>> -> memref<128xi32, #tpu.memory_space<vmem>>
        %dma_wait3A_63 = arith.constant 0 : i32
        %dma_wait3A_64 = arith.constant 0 : i32
        %dma_wait3A_65 = tpu.memref_slice %arg7[%dma_wait3A_63, %dma_wait3A_64] : memref<100096x16xf32, #tpu.memory_space<vmem_shared>> -> memref<100096x16xf32, #tpu.memory_space<vmem_shared>>
        tpu.wait_indirect_dma semaphore(%run_scoped3A_49 : memref<!tpu.dma_semaphore, #tpu.memory_space<semaphore_mem>>) src(%dma_wait3A_59 : memref<128x16xf32, #tpu.memory_space<vmem>>) dst(%dma_wait3A_65 : memref<100096x16xf32, #tpu.memory_space<vmem_shared>>)
        tpu.yield
      }) : () -> ()
      %run_scoped3A_48 = arith.constant 7 : i32
      "tpu.region"() ({
        %run_scoped3A_49 = tpu.sem_alloc : memref<!tpu.dma_semaphore, #tpu.memory_space<semaphore_mem>>
        %dma_start3A = arith.constant 896 : i32
        %dma_start3A_50 = arith.constant 0 : i32
        %dma_start3A_51 = tpu.memref_slice %arg6[%dma_start3A, %dma_start3A_50] : memref<1024x16xf32, #tpu.memory_space<vmem>> -> memref<128x16xf32, #tpu.memory_space<vmem>>
        %dma_start3A_52 = arith.constant 0 : i32
        %dma_start3A_53 = tpu.memref_slice %arg5[%run_scoped3A_48, %dma_start3A_52] : memref<8x128xi32, #tpu.memory_space<vmem>> -> memref<1x128xi32, #tpu.memory_space<vmem>>
        %dma_start3A_54 = tpu.memref_squeeze %dma_start3A_53 : memref<1x128xi32, #tpu.memory_space<vmem>> -> memref<128xi32, #tpu.memory_space<vmem>>
        %dma_start3A_55 = arith.constant 0 : i32
        %dma_start3A_56 = arith.constant 0 : i32
        %dma_start3A_57 = tpu.memref_slice %arg7[%dma_start3A_55, %dma_start3A_56] : memref<100096x16xf32, #tpu.memory_space<vmem_shared>> -> memref<100096x16xf32, #tpu.memory_space<vmem_shared>>
        tpu.enqueue_indirect_dma source(%dma_start3A_51 : memref<128x16xf32, #tpu.memory_space<vmem>>) target(%dma_start3A_57 : memref<100096x16xf32, #tpu.memory_space<vmem_shared>>) offsets(%dma_start3A_54 : memref<128xi32, #tpu.memory_space<vmem>>) semaphore(%run_scoped3A_49 : memref<!tpu.dma_semaphore, #tpu.memory_space<semaphore_mem>>) {add = true}
        %dma_wait3A = arith.constant 896 : i32
        %dma_wait3A_58 = arith.constant 0 : i32
        %dma_wait3A_59 = tpu.memref_slice %arg6[%dma_wait3A, %dma_wait3A_58] : memref<1024x16xf32, #tpu.memory_space<vmem>> -> memref<128x16xf32, #tpu.memory_space<vmem>>
        %dma_wait3A_60 = arith.constant 0 : i32
        %dma_wait3A_61 = tpu.memref_slice %arg5[%run_scoped3A_48, %dma_wait3A_60] : memref<8x128xi32, #tpu.memory_space<vmem>> -> memref<1x128xi32, #tpu.memory_space<vmem>>
        %dma_wait3A_62 = tpu.memref_squeeze %dma_wait3A_61 : memref<1x128xi32, #tpu.memory_space<vmem>> -> memref<128xi32, #tpu.memory_space<vmem>>
        %dma_wait3A_63 = arith.constant 0 : i32
        %dma_wait3A_64 = arith.constant 0 : i32
        %dma_wait3A_65 = tpu.memref_slice %arg7[%dma_wait3A_63, %dma_wait3A_64] : memref<100096x16xf32, #tpu.memory_space<vmem_shared>> -> memref<100096x16xf32, #tpu.memory_space<vmem_shared>>
        tpu.wait_indirect_dma semaphore(%run_scoped3A_49 : memref<!tpu.dma_semaphore, #tpu.memory_space<semaphore_mem>>) src(%dma_wait3A_59 : memref<128x16xf32, #tpu.memory_space<vmem>>) dst(%dma_wait3A_65 : memref<100096x16xf32, #tpu.memory_space<vmem_shared>>)
        tpu.yield
      }) : () -> ()
    }
    %scan3A_24 = arith.constant 98 : i32
    %barrier3A_25 = arith.constant 0 : index
    tpu.barrier barrier_id(%barrier3A_25)
    %mul3A_26 = arith.constant 6256 : i32
    %mul3A_27 = arith.muli %arg1, %mul3A_26 : i32
    %mul3A_28 = arith.constant 6256 : i32
    %mul3A_29 = arith.muli %arg1, %mul3A_28 : i32
    "tpu.region"() ({
      %run_scoped3A = tpu.sem_alloc : memref<!tpu.dma_semaphore, #tpu.memory_space<semaphore_mem>>
      %dma_start3A = arith.constant 0 : i32
      %dma_start3A_30 = tpu.memref_slice %arg4[%arg0, %mul3A_29, %dma_start3A] : memref<2x100096x16xf32, #tpu.memory_space<hbm>> -> memref<1x6256x16xf32, #tpu.memory_space<hbm>>
      %dma_start3A_31 = tpu.memref_squeeze %dma_start3A_30 : memref<1x6256x16xf32, #tpu.memory_space<hbm>> -> memref<6256x16xf32, #tpu.memory_space<hbm>>
      %dma_start3A_32 = arith.constant 0 : i32
      %dma_start3A_33 = tpu.memref_slice %arg7[%mul3A_27, %dma_start3A_32] : memref<100096x16xf32, #tpu.memory_space<vmem_shared>> -> memref<6256x16xf32, #tpu.memory_space<vmem_shared>>
      tpu.enqueue_dma source(%dma_start3A_33 : memref<6256x16xf32, #tpu.memory_space<vmem_shared>>) target(%dma_start3A_31 : memref<6256x16xf32, #tpu.memory_space<hbm>>) target_semaphore(%run_scoped3A : memref<!tpu.dma_semaphore, #tpu.memory_space<semaphore_mem>>)
      %dma_wait3A = arith.constant 0 : i32
      %dma_wait3A_34 = tpu.memref_slice %arg4[%arg0, %mul3A_29, %dma_wait3A] : memref<2x100096x16xf32, #tpu.memory_space<hbm>> -> memref<1x6256x16xf32, #tpu.memory_space<hbm>>
      %dma_wait3A_35 = tpu.memref_squeeze %dma_wait3A_34 : memref<1x6256x16xf32, #tpu.memory_space<hbm>> -> memref<6256x16xf32, #tpu.memory_space<hbm>>
      %dma_wait3A_36 = arith.constant 0 : i32
      %dma_wait3A_37 = tpu.memref_slice %arg7[%mul3A_27, %dma_wait3A_36] : memref<100096x16xf32, #tpu.memory_space<vmem_shared>> -> memref<6256x16xf32, #tpu.memory_space<vmem_shared>>
      tpu.wait_dma2 semaphore(%run_scoped3A : memref<!tpu.dma_semaphore, #tpu.memory_space<semaphore_mem>>) src(%dma_wait3A_37 : memref<6256x16xf32, #tpu.memory_space<vmem_shared>>) dst(%dma_wait3A_35 : memref<6256x16xf32, #tpu.memory_space<hbm>>)
      tpu.yield
    }) : () -> ()
    return
  }
}

#map = affine_map<(d0, d1) -> (0, 0)>
#map1 = affine_map<(d0, d1) -> (0, 0, 0)>
module attributes {stable_mosaic.version = 14 : i64} {
  func.func @_s1_body(%arg0: i32, %arg1: i32, %arg2: memref<1605632x128xf32, #tpu.memory_space<hbm>>, %arg3: memref<12544x128xi32, #tpu.memory_space<hbm>>, %arg4: memref<2x100096x16xf32, #tpu.memory_space<hbm>>, %arg5: memref<8x128xi32, #tpu.memory_space<vmem>>, %arg6: memref<1024x16xf32, #tpu.memory_space<vmem>>, %arg7: memref<100096x16xf32, #tpu.memory_space<vmem_shared>>, %arg8: memref<!tpu.dma_semaphore, #tpu.memory_space<semaphore_mem>>) attributes {dimension_semantics = [#tpu.dimension_semantics<core_parallel>, #tpu.dimension_semantics<subcore_parallel>], iteration_bounds = array<i64: 2, 16>, scalar_prefetch = 0 : i64, scratch_operands = 4 : i64, tpu.core_type = #tpu.core_type<sc_vector_subcore>, window_params = [{transform_indices = #map}, {transform_indices = #map}, {transform_indices = #map1}]} {
    %scan3A = arith.constant 0 : i32
    %scan3A_0 = arith.constant 1024 : i32
    %scan3A_1 = arith.addi %scan3A, %scan3A_0 : i32
    %scan3A_2 = arith.constant 1 : i32
    scf.for %scan3A_33 = %scan3A to %scan3A_1 step %scan3A_2  : i32 {
      %mul3A_34 = arith.constant 1 : i32
      %mul3A_35 = arith.muli %scan3A_33, %mul3A_34 : i32
      %add3A_36 = arith.constant 0 : i32
      %add3A_37 = arith.addi %add3A_36, %mul3A_35 : i32
      %broadcast_in_dim3A = arith.constant 0.000000e+00 : f32
      %broadcast_in_dim3A_38 = vector.broadcast %broadcast_in_dim3A : f32 to vector<16xf32>
      %swap3A = arith.index_cast %add3A_37 : i32 to index
      %swap3A_39 = arith.constant 0 : index
      %swap3A_40 = tpu.vector_load %arg6[%swap3A, %swap3A_39] {strides = array<i32>} : memref<1024x16xf32, #tpu.memory_space<vmem>>, vector<1x16xf32>,
      %swap3A_41 = vector.shape_cast %swap3A_40 : vector<1x16xf32> to vector<16xf32>
      %swap3A_42 = vector.shape_cast %broadcast_in_dim3A_38 : vector<16xf32> to vector<1x16xf32>
      tpu.vector_store %arg6[%swap3A, %swap3A_39], %swap3A_42 {strides = array<i32>} : memref<1024x16xf32, #tpu.memory_space<vmem>>, vector<1x16xf32>,
    }
    %scan3A_3 = arith.constant 1024 : i32
    %mul3A = arith.constant 6256 : i32
    %mul3A_4 = arith.muli %arg1, %mul3A : i32
    %add3A = arith.constant 0 : i32
    %add3A_5 = arith.addi %mul3A_4, %add3A : i32
    "tpu.region"() ({
      %run_scoped3A = tpu.sem_alloc : memref<!tpu.dma_semaphore, #tpu.memory_space<semaphore_mem>>
      %dma_start3A = arith.constant 0 : i32
      %dma_start3A_33 = tpu.memref_slice %arg7[%add3A_5, %dma_start3A] : memref<100096x16xf32, #tpu.memory_space<vmem_shared>> -> memref<1024x16xf32, #tpu.memory_space<vmem_shared>>
      %dma_start3A_34 = arith.constant 0 : i32
      %dma_start3A_35 = tpu.memref_slice %arg7[%add3A_5, %dma_start3A_34] : memref<100096x16xf32, #tpu.memory_space<vmem_shared>> -> memref<1024x16xf32, #tpu.memory_space<vmem_shared>>
      tpu.enqueue_dma source(%arg6 : memref<1024x16xf32, #tpu.memory_space<vmem>>) target(%dma_start3A_35 : memref<1024x16xf32, #tpu.memory_space<vmem_shared>>) target_semaphore(%run_scoped3A : memref<!tpu.dma_semaphore, #tpu.memory_space<semaphore_mem>>)
      %dma_wait3A = arith.constant 0 : i32
      %dma_wait3A_36 = tpu.memref_slice %arg7[%add3A_5, %dma_wait3A] : memref<100096x16xf32, #tpu.memory_space<vmem_shared>> -> memref<1024x16xf32, #tpu.memory_space<vmem_shared>>
      %dma_wait3A_37 = arith.constant 0 : i32
      %dma_wait3A_38 = tpu.memref_slice %arg7[%add3A_5, %dma_wait3A_37] : memref<100096x16xf32, #tpu.memory_space<vmem_shared>> -> memref<1024x16xf32, #tpu.memory_space<vmem_shared>>
      tpu.wait_dma2 semaphore(%run_scoped3A : memref<!tpu.dma_semaphore, #tpu.memory_space<semaphore_mem>>) src(%arg6 : memref<1024x16xf32, #tpu.memory_space<vmem>>) dst(%dma_wait3A_38 : memref<1024x16xf32, #tpu.memory_space<vmem_shared>>)
      tpu.yield
    }) : () -> ()
    %add3A_6 = arith.constant 1024 : i32
    %add3A_7 = arith.addi %mul3A_4, %add3A_6 : i32
    "tpu.region"() ({
      %run_scoped3A = tpu.sem_alloc : memref<!tpu.dma_semaphore, #tpu.memory_space<semaphore_mem>>
      %dma_start3A = arith.constant 0 : i32
      %dma_start3A_33 = tpu.memref_slice %arg7[%add3A_7, %dma_start3A] : memref<100096x16xf32, #tpu.memory_space<vmem_shared>> -> memref<1024x16xf32, #tpu.memory_space<vmem_shared>>
      %dma_start3A_34 = arith.constant 0 : i32
      %dma_start3A_35 = tpu.memref_slice %arg7[%add3A_7, %dma_start3A_34] : memref<100096x16xf32, #tpu.memory_space<vmem_shared>> -> memref<1024x16xf32, #tpu.memory_space<vmem_shared>>
      tpu.enqueue_dma source(%arg6 : memref<1024x16xf32, #tpu.memory_space<vmem>>) target(%dma_start3A_35 : memref<1024x16xf32, #tpu.memory_space<vmem_shared>>) target_semaphore(%run_scoped3A : memref<!tpu.dma_semaphore, #tpu.memory_space<semaphore_mem>>)
      %dma_wait3A = arith.constant 0 : i32
      %dma_wait3A_36 = tpu.memref_slice %arg7[%add3A_7, %dma_wait3A] : memref<100096x16xf32, #tpu.memory_space<vmem_shared>> -> memref<1024x16xf32, #tpu.memory_space<vmem_shared>>
      %dma_wait3A_37 = arith.constant 0 : i32
      %dma_wait3A_38 = tpu.memref_slice %arg7[%add3A_7, %dma_wait3A_37] : memref<100096x16xf32, #tpu.memory_space<vmem_shared>> -> memref<1024x16xf32, #tpu.memory_space<vmem_shared>>
      tpu.wait_dma2 semaphore(%run_scoped3A : memref<!tpu.dma_semaphore, #tpu.memory_space<semaphore_mem>>) src(%arg6 : memref<1024x16xf32, #tpu.memory_space<vmem>>) dst(%dma_wait3A_38 : memref<1024x16xf32, #tpu.memory_space<vmem_shared>>)
      tpu.yield
    }) : () -> ()
    %add3A_8 = arith.constant 2048 : i32
    %add3A_9 = arith.addi %mul3A_4, %add3A_8 : i32
    "tpu.region"() ({
      %run_scoped3A = tpu.sem_alloc : memref<!tpu.dma_semaphore, #tpu.memory_space<semaphore_mem>>
      %dma_start3A = arith.constant 0 : i32
      %dma_start3A_33 = tpu.memref_slice %arg7[%add3A_9, %dma_start3A] : memref<100096x16xf32, #tpu.memory_space<vmem_shared>> -> memref<1024x16xf32, #tpu.memory_space<vmem_shared>>
      %dma_start3A_34 = arith.constant 0 : i32
      %dma_start3A_35 = tpu.memref_slice %arg7[%add3A_9, %dma_start3A_34] : memref<100096x16xf32, #tpu.memory_space<vmem_shared>> -> memref<1024x16xf32, #tpu.memory_space<vmem_shared>>
      tpu.enqueue_dma source(%arg6 : memref<1024x16xf32, #tpu.memory_space<vmem>>) target(%dma_start3A_35 : memref<1024x16xf32, #tpu.memory_space<vmem_shared>>) target_semaphore(%run_scoped3A : memref<!tpu.dma_semaphore, #tpu.memory_space<semaphore_mem>>)
      %dma_wait3A = arith.constant 0 : i32
      %dma_wait3A_36 = tpu.memref_slice %arg7[%add3A_9, %dma_wait3A] : memref<100096x16xf32, #tpu.memory_space<vmem_shared>> -> memref<1024x16xf32, #tpu.memory_space<vmem_shared>>
      %dma_wait3A_37 = arith.constant 0 : i32
      %dma_wait3A_38 = tpu.memref_slice %arg7[%add3A_9, %dma_wait3A_37] : memref<100096x16xf32, #tpu.memory_space<vmem_shared>> -> memref<1024x16xf32, #tpu.memory_space<vmem_shared>>
      tpu.wait_dma2 semaphore(%run_scoped3A : memref<!tpu.dma_semaphore, #tpu.memory_space<semaphore_mem>>) src(%arg6 : memref<1024x16xf32, #tpu.memory_space<vmem>>) dst(%dma_wait3A_38 : memref<1024x16xf32, #tpu.memory_space<vmem_shared>>)
      tpu.yield
    }) : () -> ()
    %add3A_10 = arith.constant 3072 : i32
    %add3A_11 = arith.addi %mul3A_4, %add3A_10 : i32
    "tpu.region"() ({
      %run_scoped3A = tpu.sem_alloc : memref<!tpu.dma_semaphore, #tpu.memory_space<semaphore_mem>>
      %dma_start3A = arith.constant 0 : i32
      %dma_start3A_33 = tpu.memref_slice %arg7[%add3A_11, %dma_start3A] : memref<100096x16xf32, #tpu.memory_space<vmem_shared>> -> memref<1024x16xf32, #tpu.memory_space<vmem_shared>>
      %dma_start3A_34 = arith.constant 0 : i32
      %dma_start3A_35 = tpu.memref_slice %arg7[%add3A_11, %dma_start3A_34] : memref<100096x16xf32, #tpu.memory_space<vmem_shared>> -> memref<1024x16xf32, #tpu.memory_space<vmem_shared>>
      tpu.enqueue_dma source(%arg6 : memref<1024x16xf32, #tpu.memory_space<vmem>>) target(%dma_start3A_35 : memref<1024x16xf32, #tpu.memory_space<vmem_shared>>) target_semaphore(%run_scoped3A : memref<!tpu.dma_semaphore, #tpu.memory_space<semaphore_mem>>)
      %dma_wait3A = arith.constant 0 : i32
      %dma_wait3A_36 = tpu.memref_slice %arg7[%add3A_11, %dma_wait3A] : memref<100096x16xf32, #tpu.memory_space<vmem_shared>> -> memref<1024x16xf32, #tpu.memory_space<vmem_shared>>
      %dma_wait3A_37 = arith.constant 0 : i32
      %dma_wait3A_38 = tpu.memref_slice %arg7[%add3A_11, %dma_wait3A_37] : memref<100096x16xf32, #tpu.memory_space<vmem_shared>> -> memref<1024x16xf32, #tpu.memory_space<vmem_shared>>
      tpu.wait_dma2 semaphore(%run_scoped3A : memref<!tpu.dma_semaphore, #tpu.memory_space<semaphore_mem>>) src(%arg6 : memref<1024x16xf32, #tpu.memory_space<vmem>>) dst(%dma_wait3A_38 : memref<1024x16xf32, #tpu.memory_space<vmem_shared>>)
      tpu.yield
    }) : () -> ()
    %add3A_12 = arith.constant 4096 : i32
    %add3A_13 = arith.addi %mul3A_4, %add3A_12 : i32
    "tpu.region"() ({
      %run_scoped3A = tpu.sem_alloc : memref<!tpu.dma_semaphore, #tpu.memory_space<semaphore_mem>>
      %dma_start3A = arith.constant 0 : i32
      %dma_start3A_33 = tpu.memref_slice %arg7[%add3A_13, %dma_start3A] : memref<100096x16xf32, #tpu.memory_space<vmem_shared>> -> memref<1024x16xf32, #tpu.memory_space<vmem_shared>>
      %dma_start3A_34 = arith.constant 0 : i32
      %dma_start3A_35 = tpu.memref_slice %arg7[%add3A_13, %dma_start3A_34] : memref<100096x16xf32, #tpu.memory_space<vmem_shared>> -> memref<1024x16xf32, #tpu.memory_space<vmem_shared>>
      tpu.enqueue_dma source(%arg6 : memref<1024x16xf32, #tpu.memory_space<vmem>>) target(%dma_start3A_35 : memref<1024x16xf32, #tpu.memory_space<vmem_shared>>) target_semaphore(%run_scoped3A : memref<!tpu.dma_semaphore, #tpu.memory_space<semaphore_mem>>)
      %dma_wait3A = arith.constant 0 : i32
      %dma_wait3A_36 = tpu.memref_slice %arg7[%add3A_13, %dma_wait3A] : memref<100096x16xf32, #tpu.memory_space<vmem_shared>> -> memref<1024x16xf32, #tpu.memory_space<vmem_shared>>
      %dma_wait3A_37 = arith.constant 0 : i32
      %dma_wait3A_38 = tpu.memref_slice %arg7[%add3A_13, %dma_wait3A_37] : memref<100096x16xf32, #tpu.memory_space<vmem_shared>> -> memref<1024x16xf32, #tpu.memory_space<vmem_shared>>
      tpu.wait_dma2 semaphore(%run_scoped3A : memref<!tpu.dma_semaphore, #tpu.memory_space<semaphore_mem>>) src(%arg6 : memref<1024x16xf32, #tpu.memory_space<vmem>>) dst(%dma_wait3A_38 : memref<1024x16xf32, #tpu.memory_space<vmem_shared>>)
      tpu.yield
    }) : () -> ()
    %add3A_14 = arith.constant 5120 : i32
    %add3A_15 = arith.addi %mul3A_4, %add3A_14 : i32
    "tpu.region"() ({
      %run_scoped3A = tpu.sem_alloc : memref<!tpu.dma_semaphore, #tpu.memory_space<semaphore_mem>>
      %dma_start3A = arith.constant 0 : i32
      %dma_start3A_33 = tpu.memref_slice %arg7[%add3A_15, %dma_start3A] : memref<100096x16xf32, #tpu.memory_space<vmem_shared>> -> memref<1024x16xf32, #tpu.memory_space<vmem_shared>>
      %dma_start3A_34 = arith.constant 0 : i32
      %dma_start3A_35 = tpu.memref_slice %arg7[%add3A_15, %dma_start3A_34] : memref<100096x16xf32, #tpu.memory_space<vmem_shared>> -> memref<1024x16xf32, #tpu.memory_space<vmem_shared>>
      tpu.enqueue_dma source(%arg6 : memref<1024x16xf32, #tpu.memory_space<vmem>>) target(%dma_start3A_35 : memref<1024x16xf32, #tpu.memory_space<vmem_shared>>) target_semaphore(%run_scoped3A : memref<!tpu.dma_semaphore, #tpu.memory_space<semaphore_mem>>)
      %dma_wait3A = arith.constant 0 : i32
      %dma_wait3A_36 = tpu.memref_slice %arg7[%add3A_15, %dma_wait3A] : memref<100096x16xf32, #tpu.memory_space<vmem_shared>> -> memref<1024x16xf32, #tpu.memory_space<vmem_shared>>
      %dma_wait3A_37 = arith.constant 0 : i32
      %dma_wait3A_38 = tpu.memref_slice %arg7[%add3A_15, %dma_wait3A_37] : memref<100096x16xf32, #tpu.memory_space<vmem_shared>> -> memref<1024x16xf32, #tpu.memory_space<vmem_shared>>
      tpu.wait_dma2 semaphore(%run_scoped3A : memref<!tpu.dma_semaphore, #tpu.memory_space<semaphore_mem>>) src(%arg6 : memref<1024x16xf32, #tpu.memory_space<vmem>>) dst(%dma_wait3A_38 : memref<1024x16xf32, #tpu.memory_space<vmem_shared>>)
      tpu.yield
    }) : () -> ()
    %add3A_16 = arith.constant 6144 : i32
    %add3A_17 = arith.addi %mul3A_4, %add3A_16 : i32
    "tpu.region"() ({
      %run_scoped3A = tpu.sem_alloc : memref<!tpu.dma_semaphore, #tpu.memory_space<semaphore_mem>>
      %dma_start3A = arith.constant 0 : i32
      %dma_start3A_33 = arith.constant 0 : i32
      %dma_start3A_34 = tpu.memref_slice %arg6[%dma_start3A, %dma_start3A_33] : memref<1024x16xf32, #tpu.memory_space<vmem>> -> memref<112x16xf32, #tpu.memory_space<vmem>>
      %dma_start3A_35 = arith.constant 0 : i32
      %dma_start3A_36 = tpu.memref_slice %arg7[%add3A_17, %dma_start3A_35] : memref<100096x16xf32, #tpu.memory_space<vmem_shared>> -> memref<112x16xf32, #tpu.memory_space<vmem_shared>>
      %dma_start3A_37 = arith.constant 0 : i32
      %dma_start3A_38 = tpu.memref_slice %arg7[%add3A_17, %dma_start3A_37] : memref<100096x16xf32, #tpu.memory_space<vmem_shared>> -> memref<112x16xf32, #tpu.memory_space<vmem_shared>>
      %dma_start3A_39 = arith.constant 0 : i32
      %dma_start3A_40 = arith.constant 0 : i32
      %dma_start3A_41 = tpu.memref_slice %arg6[%dma_start3A_39, %dma_start3A_40] : memref<1024x16xf32, #tpu.memory_space<vmem>> -> memref<112x16xf32, #tpu.memory_space<vmem>>
      tpu.enqueue_dma source(%dma_start3A_41 : memref<112x16xf32, #tpu.memory_space<vmem>>) target(%dma_start3A_38 : memref<112x16xf32, #tpu.memory_space<vmem_shared>>) target_semaphore(%run_scoped3A : memref<!tpu.dma_semaphore, #tpu.memory_space<semaphore_mem>>)
      %dma_wait3A = arith.constant 0 : i32
      %dma_wait3A_42 = arith.constant 0 : i32
      %dma_wait3A_43 = tpu.memref_slice %arg6[%dma_wait3A, %dma_wait3A_42] : memref<1024x16xf32, #tpu.memory_space<vmem>> -> memref<112x16xf32, #tpu.memory_space<vmem>>
      %dma_wait3A_44 = arith.constant 0 : i32
      %dma_wait3A_45 = tpu.memref_slice %arg7[%add3A_17, %dma_wait3A_44] : memref<100096x16xf32, #tpu.memory_space<vmem_shared>> -> memref<112x16xf32, #tpu.memory_space<vmem_shared>>
      %dma_wait3A_46 = arith.constant 0 : i32
      %dma_wait3A_47 = tpu.memref_slice %arg7[%add3A_17, %dma_wait3A_46] : memref<100096x16xf32, #tpu.memory_space<vmem_shared>> -> memref<112x16xf32, #tpu.memory_space<vmem_shared>>
      %dma_wait3A_48 = arith.constant 0 : i32
      %dma_wait3A_49 = arith.constant 0 : i32
      %dma_wait3A_50 = tpu.memref_slice %arg6[%dma_wait3A_48, %dma_wait3A_49] : memref<1024x16xf32, #tpu.memory_space<vmem>> -> memref<112x16xf32, #tpu.memory_space<vmem>>
      tpu.wait_dma2 semaphore(%run_scoped3A : memref<!tpu.dma_semaphore, #tpu.memory_space<semaphore_mem>>) src(%dma_wait3A_50 : memref<112x16xf32, #tpu.memory_space<vmem>>) dst(%dma_wait3A_47 : memref<112x16xf32, #tpu.memory_space<vmem_shared>>)
      tpu.yield
    }) : () -> ()
    %barrier3A = arith.constant 0 : index
    tpu.barrier barrier_id(%barrier3A)
    %mul3A_18 = arith.constant 6272 : i32
    %mul3A_19 = arith.muli %arg0, %mul3A_18 : i32
    %mul3A_20 = arith.constant 392 : i32
    %mul3A_21 = arith.muli %arg1, %mul3A_20 : i32
    %add3A_22 = arith.addi %mul3A_19, %mul3A_21 : i32
    %scan3A_23 = arith.constant 0 : i32
    %scan3A_24 = arith.constant 49 : i32
    %scan3A_25 = arith.addi %scan3A_23, %scan3A_24 : i32
    %scan3A_26 = arith.constant 1 : i32
    scf.for %scan3A_33 = %scan3A_23 to %scan3A_25 step %scan3A_26  : i32 {
      %mul3A_34 = arith.constant 1 : i32
      %mul3A_35 = arith.muli %scan3A_33, %mul3A_34 : i32
      %add3A_36 = arith.constant 0 : i32
      %add3A_37 = arith.addi %add3A_36, %mul3A_35 : i32
      %mul3A_38 = arith.constant 8 : i32
      %mul3A_39 = arith.muli %add3A_37, %mul3A_38 : i32
      %add3A_40 = arith.addi %add3A_22, %mul3A_39 : i32
      "tpu.region"() ({
        %run_scoped3A_50 = tpu.sem_alloc : memref<!tpu.dma_semaphore, #tpu.memory_space<semaphore_mem>>
        %dma_start3A = arith.constant 0 : i32
        %dma_start3A_51 = tpu.memref_slice %arg3[%add3A_40, %dma_start3A] : memref<12544x128xi32, #tpu.memory_space<hbm>> -> memref<8x128xi32, #tpu.memory_space<hbm>>
        %dma_start3A_52 = arith.constant 0 : i32
        %dma_start3A_53 = tpu.memref_slice %arg3[%add3A_40, %dma_start3A_52] : memref<12544x128xi32, #tpu.memory_space<hbm>> -> memref<8x128xi32, #tpu.memory_space<hbm>>
        tpu.enqueue_dma source(%dma_start3A_53 : memref<8x128xi32, #tpu.memory_space<hbm>>) target(%arg5 : memref<8x128xi32, #tpu.memory_space<vmem>>) target_semaphore(%run_scoped3A_50 : memref<!tpu.dma_semaphore, #tpu.memory_space<semaphore_mem>>)
        %dma_wait3A = arith.constant 0 : i32
        %dma_wait3A_54 = tpu.memref_slice %arg3[%add3A_40, %dma_wait3A] : memref<12544x128xi32, #tpu.memory_space<hbm>> -> memref<8x128xi32, #tpu.memory_space<hbm>>
        %dma_wait3A_55 = arith.constant 0 : i32
        %dma_wait3A_56 = tpu.memref_slice %arg3[%add3A_40, %dma_wait3A_55] : memref<12544x128xi32, #tpu.memory_space<hbm>> -> memref<8x128xi32, #tpu.memory_space<hbm>>
        tpu.wait_dma2 semaphore(%run_scoped3A_50 : memref<!tpu.dma_semaphore, #tpu.memory_space<semaphore_mem>>) src(%dma_wait3A_56 : memref<8x128xi32, #tpu.memory_space<hbm>>) dst(%arg5 : memref<8x128xi32, #tpu.memory_space<vmem>>)
        tpu.yield
      }) : () -> ()
      %mul3A_41 = arith.constant 128 : i32
      %mul3A_42 = arith.muli %add3A_40, %mul3A_41 : i32
      "tpu.region"() ({
        %run_scoped3A_50 = tpu.sem_alloc : memref<!tpu.dma_semaphore, #tpu.memory_space<semaphore_mem>>
        %dma_start3A = arith.constant 0 : i32
        %dma_start3A_51 = tpu.memref_slice %arg2[%mul3A_42, %dma_start3A] : memref<1605632x128xf32, #tpu.memory_space<hbm>> -> memref<1024x16xf32, #tpu.memory_space<hbm>>
        %dma_start3A_52 = arith.constant 0 : i32
        %dma_start3A_53 = tpu.memref_slice %arg2[%mul3A_42, %dma_start3A_52] : memref<1605632x128xf32, #tpu.memory_space<hbm>> -> memref<1024x16xf32, #tpu.memory_space<hbm>>
        tpu.enqueue_dma source(%dma_start3A_53 : memref<1024x16xf32, #tpu.memory_space<hbm>>) target(%arg6 : memref<1024x16xf32, #tpu.memory_space<vmem>>) target_semaphore(%run_scoped3A_50 : memref<!tpu.dma_semaphore, #tpu.memory_space<semaphore_mem>>)
        %dma_wait3A = arith.constant 0 : i32
        %dma_wait3A_54 = tpu.memref_slice %arg2[%mul3A_42, %dma_wait3A] : memref<1605632x128xf32, #tpu.memory_space<hbm>> -> memref<1024x16xf32, #tpu.memory_space<hbm>>
        %dma_wait3A_55 = arith.constant 0 : i32
        %dma_wait3A_56 = tpu.memref_slice %arg2[%mul3A_42, %dma_wait3A_55] : memref<1605632x128xf32, #tpu.memory_space<hbm>> -> memref<1024x16xf32, #tpu.memory_space<hbm>>
        tpu.wait_dma2 semaphore(%run_scoped3A_50 : memref<!tpu.dma_semaphore, #tpu.memory_space<semaphore_mem>>) src(%dma_wait3A_56 : memref<1024x16xf32, #tpu.memory_space<hbm>>) dst(%arg6 : memref<1024x16xf32, #tpu.memory_space<vmem>>)
        tpu.yield
      }) : () -> ()
      %run_scoped3A = arith.constant 0 : i32
      "tpu.region"() ({
        %run_scoped3A_50 = tpu.sem_alloc : memref<!tpu.dma_semaphore, #tpu.memory_space<semaphore_mem>>
        %dma_start3A = arith.constant 0 : i32
        %dma_start3A_51 = arith.constant 0 : i32
        %dma_start3A_52 = tpu.memref_slice %arg6[%dma_start3A, %dma_start3A_51] : memref<1024x16xf32, #tpu.memory_space<vmem>> -> memref<128x16xf32, #tpu.memory_space<vmem>>
        %dma_start3A_53 = arith.constant 0 : i32
        %dma_start3A_54 = tpu.memref_slice %arg5[%run_scoped3A, %dma_start3A_53] : memref<8x128xi32, #tpu.memory_space<vmem>> -> memref<1x128xi32, #tpu.memory_space<vmem>>
        %dma_start3A_55 = tpu.memref_squeeze %dma_start3A_54 : memref<1x128xi32, #tpu.memory_space<vmem>> -> memref<128xi32, #tpu.memory_space<vmem>>
        %dma_start3A_56 = arith.constant 0 : i32
        %dma_start3A_57 = arith.constant 0 : i32
        %dma_start3A_58 = tpu.memref_slice %arg7[%dma_start3A_56, %dma_start3A_57] : memref<100096x16xf32, #tpu.memory_space<vmem_shared>> -> memref<100096x16xf32, #tpu.memory_space<vmem_shared>>
        tpu.enqueue_indirect_dma source(%dma_start3A_52 : memref<128x16xf32, #tpu.memory_space<vmem>>) target(%dma_start3A_58 : memref<100096x16xf32, #tpu.memory_space<vmem_shared>>) offsets(%dma_start3A_55 : memref<128xi32, #tpu.memory_space<vmem>>) semaphore(%run_scoped3A_50 : memref<!tpu.dma_semaphore, #tpu.memory_space<semaphore_mem>>) {add = true}
        %dma_wait3A = arith.constant 0 : i32
        %dma_wait3A_59 = arith.constant 0 : i32
        %dma_wait3A_60 = tpu.memref_slice %arg6[%dma_wait3A, %dma_wait3A_59] : memref<1024x16xf32, #tpu.memory_space<vmem>> -> memref<128x16xf32, #tpu.memory_space<vmem>>
        %dma_wait3A_61 = arith.constant 0 : i32
        %dma_wait3A_62 = tpu.memref_slice %arg5[%run_scoped3A, %dma_wait3A_61] : memref<8x128xi32, #tpu.memory_space<vmem>> -> memref<1x128xi32, #tpu.memory_space<vmem>>
        %dma_wait3A_63 = tpu.memref_squeeze %dma_wait3A_62 : memref<1x128xi32, #tpu.memory_space<vmem>> -> memref<128xi32, #tpu.memory_space<vmem>>
        %dma_wait3A_64 = arith.constant 0 : i32
        %dma_wait3A_65 = arith.constant 0 : i32
        %dma_wait3A_66 = tpu.memref_slice %arg7[%dma_wait3A_64, %dma_wait3A_65] : memref<100096x16xf32, #tpu.memory_space<vmem_shared>> -> memref<100096x16xf32, #tpu.memory_space<vmem_shared>>
        tpu.wait_indirect_dma semaphore(%run_scoped3A_50 : memref<!tpu.dma_semaphore, #tpu.memory_space<semaphore_mem>>) src(%dma_wait3A_60 : memref<128x16xf32, #tpu.memory_space<vmem>>) dst(%dma_wait3A_66 : memref<100096x16xf32, #tpu.memory_space<vmem_shared>>)
        tpu.yield
      }) : () -> ()
      %run_scoped3A_43 = arith.constant 1 : i32
      "tpu.region"() ({
        %run_scoped3A_50 = tpu.sem_alloc : memref<!tpu.dma_semaphore, #tpu.memory_space<semaphore_mem>>
        %dma_start3A = arith.constant 128 : i32
        %dma_start3A_51 = arith.constant 0 : i32
        %dma_start3A_52 = tpu.memref_slice %arg6[%dma_start3A, %dma_start3A_51] : memref<1024x16xf32, #tpu.memory_space<vmem>> -> memref<128x16xf32, #tpu.memory_space<vmem>>
        %dma_start3A_53 = arith.constant 0 : i32
        %dma_start3A_54 = tpu.memref_slice %arg5[%run_scoped3A_43, %dma_start3A_53] : memref<8x128xi32, #tpu.memory_space<vmem>> -> memref<1x128xi32, #tpu.memory_space<vmem>>
        %dma_start3A_55 = tpu.memref_squeeze %dma_start3A_54 : memref<1x128xi32, #tpu.memory_space<vmem>> -> memref<128xi32, #tpu.memory_space<vmem>>
        %dma_start3A_56 = arith.constant 0 : i32
        %dma_start3A_57 = arith.constant 0 : i32
        %dma_start3A_58 = tpu.memref_slice %arg7[%dma_start3A_56, %dma_start3A_57] : memref<100096x16xf32, #tpu.memory_space<vmem_shared>> -> memref<100096x16xf32, #tpu.memory_space<vmem_shared>>
        tpu.enqueue_indirect_dma source(%dma_start3A_52 : memref<128x16xf32, #tpu.memory_space<vmem>>) target(%dma_start3A_58 : memref<100096x16xf32, #tpu.memory_space<vmem_shared>>) offsets(%dma_start3A_55 : memref<128xi32, #tpu.memory_space<vmem>>) semaphore(%run_scoped3A_50 : memref<!tpu.dma_semaphore, #tpu.memory_space<semaphore_mem>>) {add = true}
        %dma_wait3A = arith.constant 128 : i32
        %dma_wait3A_59 = arith.constant 0 : i32
        %dma_wait3A_60 = tpu.memref_slice %arg6[%dma_wait3A, %dma_wait3A_59] : memref<1024x16xf32, #tpu.memory_space<vmem>> -> memref<128x16xf32, #tpu.memory_space<vmem>>
        %dma_wait3A_61 = arith.constant 0 : i32
        %dma_wait3A_62 = tpu.memref_slice %arg5[%run_scoped3A_43, %dma_wait3A_61] : memref<8x128xi32, #tpu.memory_space<vmem>> -> memref<1x128xi32, #tpu.memory_space<vmem>>
        %dma_wait3A_63 = tpu.memref_squeeze %dma_wait3A_62 : memref<1x128xi32, #tpu.memory_space<vmem>> -> memref<128xi32, #tpu.memory_space<vmem>>
        %dma_wait3A_64 = arith.constant 0 : i32
        %dma_wait3A_65 = arith.constant 0 : i32
        %dma_wait3A_66 = tpu.memref_slice %arg7[%dma_wait3A_64, %dma_wait3A_65] : memref<100096x16xf32, #tpu.memory_space<vmem_shared>> -> memref<100096x16xf32, #tpu.memory_space<vmem_shared>>
        tpu.wait_indirect_dma semaphore(%run_scoped3A_50 : memref<!tpu.dma_semaphore, #tpu.memory_space<semaphore_mem>>) src(%dma_wait3A_60 : memref<128x16xf32, #tpu.memory_space<vmem>>) dst(%dma_wait3A_66 : memref<100096x16xf32, #tpu.memory_space<vmem_shared>>)
        tpu.yield
      }) : () -> ()
      %run_scoped3A_44 = arith.constant 2 : i32
      "tpu.region"() ({
        %run_scoped3A_50 = tpu.sem_alloc : memref<!tpu.dma_semaphore, #tpu.memory_space<semaphore_mem>>
        %dma_start3A = arith.constant 256 : i32
        %dma_start3A_51 = arith.constant 0 : i32
        %dma_start3A_52 = tpu.memref_slice %arg6[%dma_start3A, %dma_start3A_51] : memref<1024x16xf32, #tpu.memory_space<vmem>> -> memref<128x16xf32, #tpu.memory_space<vmem>>
        %dma_start3A_53 = arith.constant 0 : i32
        %dma_start3A_54 = tpu.memref_slice %arg5[%run_scoped3A_44, %dma_start3A_53] : memref<8x128xi32, #tpu.memory_space<vmem>> -> memref<1x128xi32, #tpu.memory_space<vmem>>
        %dma_start3A_55 = tpu.memref_squeeze %dma_start3A_54 : memref<1x128xi32, #tpu.memory_space<vmem>> -> memref<128xi32, #tpu.memory_space<vmem>>
        %dma_start3A_56 = arith.constant 0 : i32
        %dma_start3A_57 = arith.constant 0 : i32
        %dma_start3A_58 = tpu.memref_slice %arg7[%dma_start3A_56, %dma_start3A_57] : memref<100096x16xf32, #tpu.memory_space<vmem_shared>> -> memref<100096x16xf32, #tpu.memory_space<vmem_shared>>
        tpu.enqueue_indirect_dma source(%dma_start3A_52 : memref<128x16xf32, #tpu.memory_space<vmem>>) target(%dma_start3A_58 : memref<100096x16xf32, #tpu.memory_space<vmem_shared>>) offsets(%dma_start3A_55 : memref<128xi32, #tpu.memory_space<vmem>>) semaphore(%run_scoped3A_50 : memref<!tpu.dma_semaphore, #tpu.memory_space<semaphore_mem>>) {add = true}
        %dma_wait3A = arith.constant 256 : i32
        %dma_wait3A_59 = arith.constant 0 : i32
        %dma_wait3A_60 = tpu.memref_slice %arg6[%dma_wait3A, %dma_wait3A_59] : memref<1024x16xf32, #tpu.memory_space<vmem>> -> memref<128x16xf32, #tpu.memory_space<vmem>>
        %dma_wait3A_61 = arith.constant 0 : i32
        %dma_wait3A_62 = tpu.memref_slice %arg5[%run_scoped3A_44, %dma_wait3A_61] : memref<8x128xi32, #tpu.memory_space<vmem>> -> memref<1x128xi32, #tpu.memory_space<vmem>>
        %dma_wait3A_63 = tpu.memref_squeeze %dma_wait3A_62 : memref<1x128xi32, #tpu.memory_space<vmem>> -> memref<128xi32, #tpu.memory_space<vmem>>
        %dma_wait3A_64 = arith.constant 0 : i32
        %dma_wait3A_65 = arith.constant 0 : i32
        %dma_wait3A_66 = tpu.memref_slice %arg7[%dma_wait3A_64, %dma_wait3A_65] : memref<100096x16xf32, #tpu.memory_space<vmem_shared>> -> memref<100096x16xf32, #tpu.memory_space<vmem_shared>>
        tpu.wait_indirect_dma semaphore(%run_scoped3A_50 : memref<!tpu.dma_semaphore, #tpu.memory_space<semaphore_mem>>) src(%dma_wait3A_60 : memref<128x16xf32, #tpu.memory_space<vmem>>) dst(%dma_wait3A_66 : memref<100096x16xf32, #tpu.memory_space<vmem_shared>>)
        tpu.yield
      }) : () -> ()
      %run_scoped3A_45 = arith.constant 3 : i32
      "tpu.region"() ({
        %run_scoped3A_50 = tpu.sem_alloc : memref<!tpu.dma_semaphore, #tpu.memory_space<semaphore_mem>>
        %dma_start3A = arith.constant 384 : i32
        %dma_start3A_51 = arith.constant 0 : i32
        %dma_start3A_52 = tpu.memref_slice %arg6[%dma_start3A, %dma_start3A_51] : memref<1024x16xf32, #tpu.memory_space<vmem>> -> memref<128x16xf32, #tpu.memory_space<vmem>>
        %dma_start3A_53 = arith.constant 0 : i32
        %dma_start3A_54 = tpu.memref_slice %arg5[%run_scoped3A_45, %dma_start3A_53] : memref<8x128xi32, #tpu.memory_space<vmem>> -> memref<1x128xi32, #tpu.memory_space<vmem>>
        %dma_start3A_55 = tpu.memref_squeeze %dma_start3A_54 : memref<1x128xi32, #tpu.memory_space<vmem>> -> memref<128xi32, #tpu.memory_space<vmem>>
        %dma_start3A_56 = arith.constant 0 : i32
        %dma_start3A_57 = arith.constant 0 : i32
        %dma_start3A_58 = tpu.memref_slice %arg7[%dma_start3A_56, %dma_start3A_57] : memref<100096x16xf32, #tpu.memory_space<vmem_shared>> -> memref<100096x16xf32, #tpu.memory_space<vmem_shared>>
        tpu.enqueue_indirect_dma source(%dma_start3A_52 : memref<128x16xf32, #tpu.memory_space<vmem>>) target(%dma_start3A_58 : memref<100096x16xf32, #tpu.memory_space<vmem_shared>>) offsets(%dma_start3A_55 : memref<128xi32, #tpu.memory_space<vmem>>) semaphore(%run_scoped3A_50 : memref<!tpu.dma_semaphore, #tpu.memory_space<semaphore_mem>>) {add = true}
        %dma_wait3A = arith.constant 384 : i32
        %dma_wait3A_59 = arith.constant 0 : i32
        %dma_wait3A_60 = tpu.memref_slice %arg6[%dma_wait3A, %dma_wait3A_59] : memref<1024x16xf32, #tpu.memory_space<vmem>> -> memref<128x16xf32, #tpu.memory_space<vmem>>
        %dma_wait3A_61 = arith.constant 0 : i32
        %dma_wait3A_62 = tpu.memref_slice %arg5[%run_scoped3A_45, %dma_wait3A_61] : memref<8x128xi32, #tpu.memory_space<vmem>> -> memref<1x128xi32, #tpu.memory_space<vmem>>
        %dma_wait3A_63 = tpu.memref_squeeze %dma_wait3A_62 : memref<1x128xi32, #tpu.memory_space<vmem>> -> memref<128xi32, #tpu.memory_space<vmem>>
        %dma_wait3A_64 = arith.constant 0 : i32
        %dma_wait3A_65 = arith.constant 0 : i32
        %dma_wait3A_66 = tpu.memref_slice %arg7[%dma_wait3A_64, %dma_wait3A_65] : memref<100096x16xf32, #tpu.memory_space<vmem_shared>> -> memref<100096x16xf32, #tpu.memory_space<vmem_shared>>
        tpu.wait_indirect_dma semaphore(%run_scoped3A_50 : memref<!tpu.dma_semaphore, #tpu.memory_space<semaphore_mem>>) src(%dma_wait3A_60 : memref<128x16xf32, #tpu.memory_space<vmem>>) dst(%dma_wait3A_66 : memref<100096x16xf32, #tpu.memory_space<vmem_shared>>)
        tpu.yield
      }) : () -> ()
      %run_scoped3A_46 = arith.constant 4 : i32
      "tpu.region"() ({
        %run_scoped3A_50 = tpu.sem_alloc : memref<!tpu.dma_semaphore, #tpu.memory_space<semaphore_mem>>
        %dma_start3A = arith.constant 512 : i32
        %dma_start3A_51 = arith.constant 0 : i32
        %dma_start3A_52 = tpu.memref_slice %arg6[%dma_start3A, %dma_start3A_51] : memref<1024x16xf32, #tpu.memory_space<vmem>> -> memref<128x16xf32, #tpu.memory_space<vmem>>
        %dma_start3A_53 = arith.constant 0 : i32
        %dma_start3A_54 = tpu.memref_slice %arg5[%run_scoped3A_46, %dma_start3A_53] : memref<8x128xi32, #tpu.memory_space<vmem>> -> memref<1x128xi32, #tpu.memory_space<vmem>>
        %dma_start3A_55 = tpu.memref_squeeze %dma_start3A_54 : memref<1x128xi32, #tpu.memory_space<vmem>> -> memref<128xi32, #tpu.memory_space<vmem>>
        %dma_start3A_56 = arith.constant 0 : i32
        %dma_start3A_57 = arith.constant 0 : i32
        %dma_start3A_58 = tpu.memref_slice %arg7[%dma_start3A_56, %dma_start3A_57] : memref<100096x16xf32, #tpu.memory_space<vmem_shared>> -> memref<100096x16xf32, #tpu.memory_space<vmem_shared>>
        tpu.enqueue_indirect_dma source(%dma_start3A_52 : memref<128x16xf32, #tpu.memory_space<vmem>>) target(%dma_start3A_58 : memref<100096x16xf32, #tpu.memory_space<vmem_shared>>) offsets(%dma_start3A_55 : memref<128xi32, #tpu.memory_space<vmem>>) semaphore(%run_scoped3A_50 : memref<!tpu.dma_semaphore, #tpu.memory_space<semaphore_mem>>) {add = true}
        %dma_wait3A = arith.constant 512 : i32
        %dma_wait3A_59 = arith.constant 0 : i32
        %dma_wait3A_60 = tpu.memref_slice %arg6[%dma_wait3A, %dma_wait3A_59] : memref<1024x16xf32, #tpu.memory_space<vmem>> -> memref<128x16xf32, #tpu.memory_space<vmem>>
        %dma_wait3A_61 = arith.constant 0 : i32
        %dma_wait3A_62 = tpu.memref_slice %arg5[%run_scoped3A_46, %dma_wait3A_61] : memref<8x128xi32, #tpu.memory_space<vmem>> -> memref<1x128xi32, #tpu.memory_space<vmem>>
        %dma_wait3A_63 = tpu.memref_squeeze %dma_wait3A_62 : memref<1x128xi32, #tpu.memory_space<vmem>> -> memref<128xi32, #tpu.memory_space<vmem>>
        %dma_wait3A_64 = arith.constant 0 : i32
        %dma_wait3A_65 = arith.constant 0 : i32
        %dma_wait3A_66 = tpu.memref_slice %arg7[%dma_wait3A_64, %dma_wait3A_65] : memref<100096x16xf32, #tpu.memory_space<vmem_shared>> -> memref<100096x16xf32, #tpu.memory_space<vmem_shared>>
        tpu.wait_indirect_dma semaphore(%run_scoped3A_50 : memref<!tpu.dma_semaphore, #tpu.memory_space<semaphore_mem>>) src(%dma_wait3A_60 : memref<128x16xf32, #tpu.memory_space<vmem>>) dst(%dma_wait3A_66 : memref<100096x16xf32, #tpu.memory_space<vmem_shared>>)
        tpu.yield
      }) : () -> ()
      %run_scoped3A_47 = arith.constant 5 : i32
      "tpu.region"() ({
        %run_scoped3A_50 = tpu.sem_alloc : memref<!tpu.dma_semaphore, #tpu.memory_space<semaphore_mem>>
        %dma_start3A = arith.constant 640 : i32
        %dma_start3A_51 = arith.constant 0 : i32
        %dma_start3A_52 = tpu.memref_slice %arg6[%dma_start3A, %dma_start3A_51] : memref<1024x16xf32, #tpu.memory_space<vmem>> -> memref<128x16xf32, #tpu.memory_space<vmem>>
        %dma_start3A_53 = arith.constant 0 : i32
        %dma_start3A_54 = tpu.memref_slice %arg5[%run_scoped3A_47, %dma_start3A_53] : memref<8x128xi32, #tpu.memory_space<vmem>> -> memref<1x128xi32, #tpu.memory_space<vmem>>
        %dma_start3A_55 = tpu.memref_squeeze %dma_start3A_54 : memref<1x128xi32, #tpu.memory_space<vmem>> -> memref<128xi32, #tpu.memory_space<vmem>>
        %dma_start3A_56 = arith.constant 0 : i32
        %dma_start3A_57 = arith.constant 0 : i32
        %dma_start3A_58 = tpu.memref_slice %arg7[%dma_start3A_56, %dma_start3A_57] : memref<100096x16xf32, #tpu.memory_space<vmem_shared>> -> memref<100096x16xf32, #tpu.memory_space<vmem_shared>>
        tpu.enqueue_indirect_dma source(%dma_start3A_52 : memref<128x16xf32, #tpu.memory_space<vmem>>) target(%dma_start3A_58 : memref<100096x16xf32, #tpu.memory_space<vmem_shared>>) offsets(%dma_start3A_55 : memref<128xi32, #tpu.memory_space<vmem>>) semaphore(%run_scoped3A_50 : memref<!tpu.dma_semaphore, #tpu.memory_space<semaphore_mem>>) {add = true}
        %dma_wait3A = arith.constant 640 : i32
        %dma_wait3A_59 = arith.constant 0 : i32
        %dma_wait3A_60 = tpu.memref_slice %arg6[%dma_wait3A, %dma_wait3A_59] : memref<1024x16xf32, #tpu.memory_space<vmem>> -> memref<128x16xf32, #tpu.memory_space<vmem>>
        %dma_wait3A_61 = arith.constant 0 : i32
        %dma_wait3A_62 = tpu.memref_slice %arg5[%run_scoped3A_47, %dma_wait3A_61] : memref<8x128xi32, #tpu.memory_space<vmem>> -> memref<1x128xi32, #tpu.memory_space<vmem>>
        %dma_wait3A_63 = tpu.memref_squeeze %dma_wait3A_62 : memref<1x128xi32, #tpu.memory_space<vmem>> -> memref<128xi32, #tpu.memory_space<vmem>>
        %dma_wait3A_64 = arith.constant 0 : i32
        %dma_wait3A_65 = arith.constant 0 : i32
        %dma_wait3A_66 = tpu.memref_slice %arg7[%dma_wait3A_64, %dma_wait3A_65] : memref<100096x16xf32, #tpu.memory_space<vmem_shared>> -> memref<100096x16xf32, #tpu.memory_space<vmem_shared>>
        tpu.wait_indirect_dma semaphore(%run_scoped3A_50 : memref<!tpu.dma_semaphore, #tpu.memory_space<semaphore_mem>>) src(%dma_wait3A_60 : memref<128x16xf32, #tpu.memory_space<vmem>>) dst(%dma_wait3A_66 : memref<100096x16xf32, #tpu.memory_space<vmem_shared>>)
        tpu.yield
      }) : () -> ()
      %run_scoped3A_48 = arith.constant 6 : i32
      "tpu.region"() ({
        %run_scoped3A_50 = tpu.sem_alloc : memref<!tpu.dma_semaphore, #tpu.memory_space<semaphore_mem>>
        %dma_start3A = arith.constant 768 : i32
        %dma_start3A_51 = arith.constant 0 : i32
        %dma_start3A_52 = tpu.memref_slice %arg6[%dma_start3A, %dma_start3A_51] : memref<1024x16xf32, #tpu.memory_space<vmem>> -> memref<128x16xf32, #tpu.memory_space<vmem>>
        %dma_start3A_53 = arith.constant 0 : i32
        %dma_start3A_54 = tpu.memref_slice %arg5[%run_scoped3A_48, %dma_start3A_53] : memref<8x128xi32, #tpu.memory_space<vmem>> -> memref<1x128xi32, #tpu.memory_space<vmem>>
        %dma_start3A_55 = tpu.memref_squeeze %dma_start3A_54 : memref<1x128xi32, #tpu.memory_space<vmem>> -> memref<128xi32, #tpu.memory_space<vmem>>
        %dma_start3A_56 = arith.constant 0 : i32
        %dma_start3A_57 = arith.constant 0 : i32
        %dma_start3A_58 = tpu.memref_slice %arg7[%dma_start3A_56, %dma_start3A_57] : memref<100096x16xf32, #tpu.memory_space<vmem_shared>> -> memref<100096x16xf32, #tpu.memory_space<vmem_shared>>
        tpu.enqueue_indirect_dma source(%dma_start3A_52 : memref<128x16xf32, #tpu.memory_space<vmem>>) target(%dma_start3A_58 : memref<100096x16xf32, #tpu.memory_space<vmem_shared>>) offsets(%dma_start3A_55 : memref<128xi32, #tpu.memory_space<vmem>>) semaphore(%run_scoped3A_50 : memref<!tpu.dma_semaphore, #tpu.memory_space<semaphore_mem>>) {add = true}
        %dma_wait3A = arith.constant 768 : i32
        %dma_wait3A_59 = arith.constant 0 : i32
        %dma_wait3A_60 = tpu.memref_slice %arg6[%dma_wait3A, %dma_wait3A_59] : memref<1024x16xf32, #tpu.memory_space<vmem>> -> memref<128x16xf32, #tpu.memory_space<vmem>>
        %dma_wait3A_61 = arith.constant 0 : i32
        %dma_wait3A_62 = tpu.memref_slice %arg5[%run_scoped3A_48, %dma_wait3A_61] : memref<8x128xi32, #tpu.memory_space<vmem>> -> memref<1x128xi32, #tpu.memory_space<vmem>>
        %dma_wait3A_63 = tpu.memref_squeeze %dma_wait3A_62 : memref<1x128xi32, #tpu.memory_space<vmem>> -> memref<128xi32, #tpu.memory_space<vmem>>
        %dma_wait3A_64 = arith.constant 0 : i32
        %dma_wait3A_65 = arith.constant 0 : i32
        %dma_wait3A_66 = tpu.memref_slice %arg7[%dma_wait3A_64, %dma_wait3A_65] : memref<100096x16xf32, #tpu.memory_space<vmem_shared>> -> memref<100096x16xf32, #tpu.memory_space<vmem_shared>>
        tpu.wait_indirect_dma semaphore(%run_scoped3A_50 : memref<!tpu.dma_semaphore, #tpu.memory_space<semaphore_mem>>) src(%dma_wait3A_60 : memref<128x16xf32, #tpu.memory_space<vmem>>) dst(%dma_wait3A_66 : memref<100096x16xf32, #tpu.memory_space<vmem_shared>>)
        tpu.yield
      }) : () -> ()
      %run_scoped3A_49 = arith.constant 7 : i32
      "tpu.region"() ({
        %run_scoped3A_50 = tpu.sem_alloc : memref<!tpu.dma_semaphore, #tpu.memory_space<semaphore_mem>>
        %dma_start3A = arith.constant 896 : i32
        %dma_start3A_51 = arith.constant 0 : i32
        %dma_start3A_52 = tpu.memref_slice %arg6[%dma_start3A, %dma_start3A_51] : memref<1024x16xf32, #tpu.memory_space<vmem>> -> memref<128x16xf32, #tpu.memory_space<vmem>>
        %dma_start3A_53 = arith.constant 0 : i32
        %dma_start3A_54 = tpu.memref_slice %arg5[%run_scoped3A_49, %dma_start3A_53] : memref<8x128xi32, #tpu.memory_space<vmem>> -> memref<1x128xi32, #tpu.memory_space<vmem>>
        %dma_start3A_55 = tpu.memref_squeeze %dma_start3A_54 : memref<1x128xi32, #tpu.memory_space<vmem>> -> memref<128xi32, #tpu.memory_space<vmem>>
        %dma_start3A_56 = arith.constant 0 : i32
        %dma_start3A_57 = arith.constant 0 : i32
        %dma_start3A_58 = tpu.memref_slice %arg7[%dma_start3A_56, %dma_start3A_57] : memref<100096x16xf32, #tpu.memory_space<vmem_shared>> -> memref<100096x16xf32, #tpu.memory_space<vmem_shared>>
        tpu.enqueue_indirect_dma source(%dma_start3A_52 : memref<128x16xf32, #tpu.memory_space<vmem>>) target(%dma_start3A_58 : memref<100096x16xf32, #tpu.memory_space<vmem_shared>>) offsets(%dma_start3A_55 : memref<128xi32, #tpu.memory_space<vmem>>) semaphore(%run_scoped3A_50 : memref<!tpu.dma_semaphore, #tpu.memory_space<semaphore_mem>>) {add = true}
        %dma_wait3A = arith.constant 896 : i32
        %dma_wait3A_59 = arith.constant 0 : i32
        %dma_wait3A_60 = tpu.memref_slice %arg6[%dma_wait3A, %dma_wait3A_59] : memref<1024x16xf32, #tpu.memory_space<vmem>> -> memref<128x16xf32, #tpu.memory_space<vmem>>
        %dma_wait3A_61 = arith.constant 0 : i32
        %dma_wait3A_62 = tpu.memref_slice %arg5[%run_scoped3A_49, %dma_wait3A_61] : memref<8x128xi32, #tpu.memory_space<vmem>> -> memref<1x128xi32, #tpu.memory_space<vmem>>
        %dma_wait3A_63 = tpu.memref_squeeze %dma_wait3A_62 : memref<1x128xi32, #tpu.memory_space<vmem>> -> memref<128xi32, #tpu.memory_space<vmem>>
        %dma_wait3A_64 = arith.constant 0 : i32
        %dma_wait3A_65 = arith.constant 0 : i32
        %dma_wait3A_66 = tpu.memref_slice %arg7[%dma_wait3A_64, %dma_wait3A_65] : memref<100096x16xf32, #tpu.memory_space<vmem_shared>> -> memref<100096x16xf32, #tpu.memory_space<vmem_shared>>
        tpu.wait_indirect_dma semaphore(%run_scoped3A_50 : memref<!tpu.dma_semaphore, #tpu.memory_space<semaphore_mem>>) src(%dma_wait3A_60 : memref<128x16xf32, #tpu.memory_space<vmem>>) dst(%dma_wait3A_66 : memref<100096x16xf32, #tpu.memory_space<vmem_shared>>)
        tpu.yield
      }) : () -> ()
    }
    %scan3A_27 = arith.constant 49 : i32
    %barrier3A_28 = arith.constant 0 : index
    tpu.barrier barrier_id(%barrier3A_28)
    %mul3A_29 = arith.constant 6256 : i32
    %mul3A_30 = arith.muli %arg1, %mul3A_29 : i32
    %mul3A_31 = arith.constant 6256 : i32
    %mul3A_32 = arith.muli %arg1, %mul3A_31 : i32
    "tpu.region"() ({
      %run_scoped3A = tpu.sem_alloc : memref<!tpu.dma_semaphore, #tpu.memory_space<semaphore_mem>>
      %dma_start3A = arith.constant 0 : i32
      %dma_start3A_33 = tpu.memref_slice %arg4[%arg0, %mul3A_32, %dma_start3A] : memref<2x100096x16xf32, #tpu.memory_space<hbm>> -> memref<1x6256x16xf32, #tpu.memory_space<hbm>>
      %dma_start3A_34 = tpu.memref_squeeze %dma_start3A_33 : memref<1x6256x16xf32, #tpu.memory_space<hbm>> -> memref<6256x16xf32, #tpu.memory_space<hbm>>
      %dma_start3A_35 = arith.constant 0 : i32
      %dma_start3A_36 = tpu.memref_slice %arg7[%mul3A_30, %dma_start3A_35] : memref<100096x16xf32, #tpu.memory_space<vmem_shared>> -> memref<6256x16xf32, #tpu.memory_space<vmem_shared>>
      tpu.enqueue_dma source(%dma_start3A_36 : memref<6256x16xf32, #tpu.memory_space<vmem_shared>>) target(%dma_start3A_34 : memref<6256x16xf32, #tpu.memory_space<hbm>>) target_semaphore(%run_scoped3A : memref<!tpu.dma_semaphore, #tpu.memory_space<semaphore_mem>>)
      %dma_wait3A = arith.constant 0 : i32
      %dma_wait3A_37 = tpu.memref_slice %arg4[%arg0, %mul3A_32, %dma_wait3A] : memref<2x100096x16xf32, #tpu.memory_space<hbm>> -> memref<1x6256x16xf32, #tpu.memory_space<hbm>>
      %dma_wait3A_38 = tpu.memref_squeeze %dma_wait3A_37 : memref<1x6256x16xf32, #tpu.memory_space<hbm>> -> memref<6256x16xf32, #tpu.memory_space<hbm>>
      %dma_wait3A_39 = arith.constant 0 : i32
      %dma_wait3A_40 = tpu.memref_slice %arg7[%mul3A_30, %dma_wait3A_39] : memref<100096x16xf32, #tpu.memory_space<vmem_shared>> -> memref<6256x16xf32, #tpu.memory_space<vmem_shared>>
      tpu.wait_dma2 semaphore(%run_scoped3A : memref<!tpu.dma_semaphore, #tpu.memory_space<semaphore_mem>>) src(%dma_wait3A_40 : memref<6256x16xf32, #tpu.memory_space<vmem_shared>>) dst(%dma_wait3A_38 : memref<6256x16xf32, #tpu.memory_space<hbm>>)
      tpu.yield
    }) : () -> ()
    return
  }
}

module attributes {stable_mosaic.version = 14 : i64} {
  func.func @_k1_body(%arg0: i32, %arg1: memref<4x12800xf32, #tpu.memory_space<vmem>>, %arg2: memref<8x12800xf32, #tpu.memory_space<vmem>>, %arg3: memref<8x12800xf32, #tpu.memory_space<vmem>>, %arg4: memref<32x4xf32, #tpu.memory_space<vmem>>, %arg5: memref<32x8xf32, #tpu.memory_space<vmem>>, %arg6: memref<32x1xf32, #tpu.memory_space<vmem>>, %arg7: memref<8x12800xf32, #tpu.memory_space<vmem>>, %arg8: memref<8x12800xf32, #tpu.memory_space<vmem>>, %arg9: memref<12800x128xf32, #tpu.memory_space<vmem>>) attributes {dimension_semantics = [#tpu.dimension_semantics<arbitrary>], iteration_bounds = array<i64: 125>, scalar_prefetch = 0 : i64, scratch_operands = 0 : i64, tpu.core_type = #tpu.core_type<tc>, window_params = [{transform_indices = @transform_0, window_bounds = array<i64: 4, 12800>}, {transform_indices = @transform_1, window_bounds = array<i64: 8, 12800>}, {transform_indices = @transform_2, window_bounds = array<i64: 8, 12800>}, {pipeline_mode = #tpu.pipeline_mode<synchronous>, transform_indices = @transform_3, window_bounds = array<i64: 32, 4>}, {pipeline_mode = #tpu.pipeline_mode<synchronous>, transform_indices = @transform_4, window_bounds = array<i64: 32, 8>}, {pipeline_mode = #tpu.pipeline_mode<synchronous>, transform_indices = @transform_5, window_bounds = array<i64: 32, 1>}, {transform_indices = @transform_6, window_bounds = array<i64: 8, 12800>}, {transform_indices = @transform_7, window_bounds = array<i64: 8, 12800>}, {transform_indices = @transform_8, window_bounds = array<i64: 12800, 128>}]} {
    %get3A = arith.constant 0 : index
    %get3A_0 = arith.constant 0 : index
    %get3A_1 = vector.load %arg4[%get3A, %get3A_0] : memref<32x4xf32, #tpu.memory_space<vmem>>, vector<32x4xf32>
    %get3A_2 = arith.constant 0 : index
    %get3A_3 = arith.constant 0 : index
    %get3A_4 = vector.load %arg1[%get3A_2, %get3A_3] : memref<4x12800xf32, #tpu.memory_space<vmem>>, vector<4x12800xf32>
    %dot_general3A = arith.constant dense<0.000000e+00> : vector<32x12800xf32>
    %dot_general3A_5 = tpu.matmul %get3A_1, %get3A_4, %dot_general3A {dimension_numbers = #tpu.dot_dimension_numbers<[1], [0], [0], [1], [0, 0, 1, 1], [], []>, transpose_lhs_hint = false} : vector<32x4xf32>, vector<4x12800xf32>, vector<32x12800xf32> -> vector<32x12800xf32>
    %get3A_6 = arith.constant 0 : index
    %get3A_7 = arith.constant 0 : index
    %get3A_8 = vector.load %arg5[%get3A_6, %get3A_7] : memref<32x8xf32, #tpu.memory_space<vmem>>, vector<32x8xf32>
    %get3A_9 = arith.constant 0 : index
    %get3A_10 = arith.constant 0 : index
    %get3A_11 = vector.load %arg2[%get3A_9, %get3A_10] : memref<8x12800xf32, #tpu.memory_space<vmem>>, vector<8x12800xf32>
    %dot_general3A_12 = arith.constant dense<0.000000e+00> : vector<32x12800xf32>
    %dot_general3A_13 = tpu.matmul %get3A_8, %get3A_11, %dot_general3A_12 {dimension_numbers = #tpu.dot_dimension_numbers<[1], [0], [0], [1], [0, 0, 1, 1], [], []>, transpose_lhs_hint = false} : vector<32x8xf32>, vector<8x12800xf32>, vector<32x12800xf32> -> vector<32x12800xf32>
    %add3A = arith.addf %dot_general3A_5, %dot_general3A_13 : vector<32x12800xf32>
    %get3A_14 = arith.constant 0 : index
    %get3A_15 = arith.constant 0 : index
    %get3A_16 = vector.load %arg6[%get3A_14, %get3A_15] : memref<32x1xf32, #tpu.memory_space<vmem>>, vector<32x1xf32>
    %add3A_17 = vector.broadcast %get3A_16 : vector<32x1xf32> to vector<32x12800xf32>
    %add3A_18 = arith.addf %add3A, %add3A_17 : vector<32x12800xf32>
    %slice3A = vector.extract_strided_slice %add3A_18 {offsets = [0, 0], sizes = [8, 12800], strides = [1, 1]} : vector<32x12800xf32> to vector<8x12800xf32>
    %logistic3A = arith.negf %slice3A : vector<8x12800xf32>
    %logistic3A_19 = math.exp %logistic3A : vector<8x12800xf32>
    %logistic3A_20 = arith.constant 1.000000e+00 : f32
    %logistic3A_21 = vector.broadcast %logistic3A_20 : f32 to vector<8x12800xf32>
    %logistic3A_22 = arith.addf %logistic3A_21, %logistic3A_19 : vector<8x12800xf32>
    %logistic3A_23 = arith.divf %logistic3A_21, %logistic3A_22 : vector<8x12800xf32>
    %slice3A_24 = vector.extract_strided_slice %add3A_18 {offsets = [8, 0], sizes = [8, 12800], strides = [1, 1]} : vector<32x12800xf32> to vector<8x12800xf32>
    %logistic3A_25 = arith.negf %slice3A_24 : vector<8x12800xf32>
    %logistic3A_26 = math.exp %logistic3A_25 : vector<8x12800xf32>
    %logistic3A_27 = arith.constant 1.000000e+00 : f32
    %logistic3A_28 = vector.broadcast %logistic3A_27 : f32 to vector<8x12800xf32>
    %logistic3A_29 = arith.addf %logistic3A_28, %logistic3A_26 : vector<8x12800xf32>
    %logistic3A_30 = arith.divf %logistic3A_28, %logistic3A_29 : vector<8x12800xf32>
    %slice3A_31 = vector.extract_strided_slice %add3A_18 {offsets = [16, 0], sizes = [8, 12800], strides = [1, 1]} : vector<32x12800xf32> to vector<8x12800xf32>
    %tanh3A = math.tanh %slice3A_31 : vector<8x12800xf32>
    %slice3A_32 = vector.extract_strided_slice %add3A_18 {offsets = [24, 0], sizes = [8, 12800], strides = [1, 1]} : vector<32x12800xf32> to vector<8x12800xf32>
    %logistic3A_33 = arith.negf %slice3A_32 : vector<8x12800xf32>
    %logistic3A_34 = math.exp %logistic3A_33 : vector<8x12800xf32>
    %logistic3A_35 = arith.constant 1.000000e+00 : f32
    %logistic3A_36 = vector.broadcast %logistic3A_35 : f32 to vector<8x12800xf32>
    %logistic3A_37 = arith.addf %logistic3A_36, %logistic3A_34 : vector<8x12800xf32>
    %logistic3A_38 = arith.divf %logistic3A_36, %logistic3A_37 : vector<8x12800xf32>
    %get3A_39 = arith.constant 0 : index
    %get3A_40 = arith.constant 0 : index
    %get3A_41 = vector.load %arg3[%get3A_39, %get3A_40] : memref<8x12800xf32, #tpu.memory_space<vmem>>, vector<8x12800xf32>
    %mul3A = arith.mulf %logistic3A_30, %get3A_41 : vector<8x12800xf32>
    %mul3A_42 = arith.mulf %logistic3A_23, %tanh3A : vector<8x12800xf32>
    %add3A_43 = arith.addf %mul3A, %mul3A_42 : vector<8x12800xf32>
    %tanh3A_44 = math.tanh %add3A_43 : vector<8x12800xf32>
    %mul3A_45 = arith.mulf %logistic3A_38, %tanh3A_44 : vector<8x12800xf32>
    %swap3A = arith.constant 0 : index
    %swap3A_46 = arith.constant 0 : index
    %swap3A_47 = vector.load %arg7[%swap3A, %swap3A_46] : memref<8x12800xf32, #tpu.memory_space<vmem>>, vector<8x12800xf32>
    tpu.vector_store %arg7[%swap3A, %swap3A_46], %mul3A_45 {strides = array<i32>} : memref<8x12800xf32, #tpu.memory_space<vmem>>, vector<8x12800xf32>,
    %swap3A_48 = arith.constant 0 : index
    %swap3A_49 = arith.constant 0 : index
    %swap3A_50 = vector.load %arg8[%swap3A_48, %swap3A_49] : memref<8x12800xf32, #tpu.memory_space<vmem>>, vector<8x12800xf32>
    tpu.vector_store %arg8[%swap3A_48, %swap3A_49], %add3A_43 {strides = array<i32>} : memref<8x12800xf32, #tpu.memory_space<vmem>>, vector<8x12800xf32>,
    %transpose3A = tpu.transpose %mul3A_45, [1, 0] : vector<8x12800xf32> -> vector<12800x8xf32>
    %broadcast_in_dim3A = arith.constant 0.000000e+00 : f32
    %broadcast_in_dim3A_51 = vector.broadcast %broadcast_in_dim3A : f32 to vector<12800x8xf32>
    %concatenate3A = tpu.concatenate %transpose3A, %broadcast_in_dim3A_51 in 1 : vector<12800x8xf32>, vector<12800x8xf32> -> vector<12800x16xf32>
    %swap3A_52 = arith.constant 0 : index
    %swap3A_53 = arith.constant 0 : index
    %swap3A_54 = vector.load %arg9[%swap3A_52, %swap3A_53] : memref<12800x128xf32, #tpu.memory_space<vmem>>, vector<12800x16xf32>
    tpu.vector_store %arg9[%swap3A_52, %swap3A_53], %concatenate3A {strides = array<i32>} : memref<12800x128xf32, #tpu.memory_space<vmem>>, vector<12800x16xf32>,
    return
  }
  func.func @transform_0(%arg0: i32) -> (i32, i32) {
    %c0_i32 = arith.constant 0 : i32
    %c0_i32_0 = arith.constant 0 : i32
    return %c0_i32, %arg0 : i32, i32
  }
  func.func @transform_1(%arg0: i32) -> (i32, i32) {
    %c0_i32 = arith.constant 0 : i32
    %c0_i32_0 = arith.constant 0 : i32
    return %c0_i32, %arg0 : i32, i32
  }
  func.func @transform_2(%arg0: i32) -> (i32, i32) {
    %c0_i32 = arith.constant 0 : i32
    %c0_i32_0 = arith.constant 0 : i32
    return %c0_i32, %arg0 : i32, i32
  }
  func.func @transform_3(%arg0: i32) -> (i32, i32) {
    %c0_i32 = arith.constant 0 : i32
    %c0_i32_0 = arith.constant 0 : i32
    %c0_i32_1 = arith.constant 0 : i32
    return %c0_i32, %c0_i32_0 : i32, i32
  }
  func.func @transform_4(%arg0: i32) -> (i32, i32) {
    %c0_i32 = arith.constant 0 : i32
    %c0_i32_0 = arith.constant 0 : i32
    %c0_i32_1 = arith.constant 0 : i32
    return %c0_i32, %c0_i32_0 : i32, i32
  }
  func.func @transform_5(%arg0: i32) -> (i32, i32) {
    %c0_i32 = arith.constant 0 : i32
    %c0_i32_0 = arith.constant 0 : i32
    %c0_i32_1 = arith.constant 0 : i32
    return %c0_i32, %c0_i32_0 : i32, i32
  }
  func.func @transform_6(%arg0: i32) -> (i32, i32) {
    %c0_i32 = arith.constant 0 : i32
    %c0_i32_0 = arith.constant 0 : i32
    return %c0_i32, %arg0 : i32, i32
  }
  func.func @transform_7(%arg0: i32) -> (i32, i32) {
    %c0_i32 = arith.constant 0 : i32
    %c0_i32_0 = arith.constant 0 : i32
    return %c0_i32, %arg0 : i32, i32
  }
  func.func @transform_8(%arg0: i32) -> (i32, i32) {
    %c0_i32 = arith.constant 0 : i32
    %c0_i32_0 = arith.constant 0 : i32
    return %arg0, %c0_i32 : i32, i32
  }
}

module attributes {stable_mosaic.version = 14 : i64} {
  func.func @_k2_body(%arg0: i32, %arg1: memref<10x4352xf32, #tpu.memory_space<vmem>>, %arg2: memref<20x4352xf32, #tpu.memory_space<vmem>>, %arg3: memref<20x4352xf32, #tpu.memory_space<vmem>>, %arg4: memref<2x4352x16xf32, #tpu.memory_space<vmem>>, %arg5: memref<20x5xf32, #tpu.memory_space<vmem>>, %arg6: memref<20x5xf32, #tpu.memory_space<vmem>>, %arg7: memref<20x5xf32, #tpu.memory_space<vmem>>, %arg8: memref<20x5xf32, #tpu.memory_space<vmem>>, %arg9: memref<20x20xf32, #tpu.memory_space<vmem>>, %arg10: memref<20x20xf32, #tpu.memory_space<vmem>>, %arg11: memref<20x20xf32, #tpu.memory_space<vmem>>, %arg12: memref<20x20xf32, #tpu.memory_space<vmem>>, %arg13: memref<20x1xf32, #tpu.memory_space<vmem>>, %arg14: memref<20x1xf32, #tpu.memory_space<vmem>>, %arg15: memref<20x1xf32, #tpu.memory_space<vmem>>, %arg16: memref<20x1xf32, #tpu.memory_space<vmem>>, %arg17: memref<20x4352xf32, #tpu.memory_space<vmem>>, %arg18: memref<20x4352xf32, #tpu.memory_space<vmem>>, %arg19: memref<4352x32xf32, #tpu.memory_space<vmem>>) attributes {dimension_semantics = [#tpu.dimension_semantics<arbitrary>], iteration_bounds = array<i64: 23>, scalar_prefetch = 0 : i64, scratch_operands = 0 : i64, tpu.core_type = #tpu.core_type<tc>, window_params = [{transform_indices = @transform_0, window_bounds = array<i64: 10, 4352>}, {transform_indices = @transform_1, window_bounds = array<i64: 20, 4352>}, {transform_indices = @transform_2, window_bounds = array<i64: 20, 4352>}, {transform_indices = @transform_3, window_bounds = array<i64: 2, 4352, 16>}, {pipeline_mode = #tpu.pipeline_mode<synchronous>, transform_indices = @transform_4, window_bounds = array<i64: 20, 5>}, {pipeline_mode = #tpu.pipeline_mode<synchronous>, transform_indices = @transform_5, window_bounds = array<i64: 20, 5>}, {pipeline_mode = #tpu.pipeline_mode<synchronous>, transform_indices = @transform_6, window_bounds = array<i64: 20, 5>}, {pipeline_mode = #tpu.pipeline_mode<synchronous>, transform_indices = @transform_7, window_bounds = array<i64: 20, 5>}, {pipeline_mode = #tpu.pipeline_mode<synchronous>, transform_indices = @transform_8, window_bounds = array<i64: 20, 20>}, {pipeline_mode = #tpu.pipeline_mode<synchronous>, transform_indices = @transform_9, window_bounds = array<i64: 20, 20>}, {pipeline_mode = #tpu.pipeline_mode<synchronous>, transform_indices = @transform_10, window_bounds = array<i64: 20, 20>}, {pipeline_mode = #tpu.pipeline_mode<synchronous>, transform_indices = @transform_11, window_bounds = array<i64: 20, 20>}, {pipeline_mode = #tpu.pipeline_mode<synchronous>, transform_indices = @transform_12, window_bounds = array<i64: 20, 1>}, {pipeline_mode = #tpu.pipeline_mode<synchronous>, transform_indices = @transform_13, window_bounds = array<i64: 20, 1>}, {pipeline_mode = #tpu.pipeline_mode<synchronous>, transform_indices = @transform_14, window_bounds = array<i64: 20, 1>}, {pipeline_mode = #tpu.pipeline_mode<synchronous>, transform_indices = @transform_15, window_bounds = array<i64: 20, 1>}, {transform_indices = @transform_16, window_bounds = array<i64: 20, 4352>}, {transform_indices = @transform_17, window_bounds = array<i64: 20, 4352>}, {transform_indices = @transform_18, window_bounds = array<i64: 4352, 32>}]} {
    %get3A = arith.constant 0 : index
    %get3A_0 = arith.constant 0 : index
    %get3A_1 = vector.load %arg1[%get3A, %get3A_0] : memref<10x4352xf32, #tpu.memory_space<vmem>>, vector<10x4352xf32>
    %slice3A = vector.extract_strided_slice %get3A_1 {offsets = [0, 0], sizes = [5, 4352], strides = [1, 1]} : vector<10x4352xf32> to vector<5x4352xf32>
    %get3A_2 = arith.constant 0 : index
    %get3A_3 = arith.constant 0 : index
    %get3A_4 = vector.load %arg2[%get3A_2, %get3A_3] : memref<20x4352xf32, #tpu.memory_space<vmem>>, vector<20x4352xf32>
    %get3A_5 = arith.constant 0 : index
    %get3A_6 = arith.constant 0 : index
    %get3A_7 = vector.load %arg5[%get3A_5, %get3A_6] : memref<20x5xf32, #tpu.memory_space<vmem>>, vector<20x5xf32>
    %dot_general3A = arith.constant dense<0.000000e+00> : vector<20x4352xf32>
    %dot_general3A_8 = tpu.matmul %get3A_7, %slice3A, %dot_general3A {dimension_numbers = #tpu.dot_dimension_numbers<[1], [0], [0], [1], [0, 0, 1, 1], [], []>, transpose_lhs_hint = false} : vector<20x5xf32>, vector<5x4352xf32>, vector<20x4352xf32> -> vector<20x4352xf32>
    %get3A_9 = arith.constant 0 : index
    %get3A_10 = arith.constant 0 : index
    %get3A_11 = vector.load %arg9[%get3A_9, %get3A_10] : memref<20x20xf32, #tpu.memory_space<vmem>>, vector<20x20xf32>
    %dot_general3A_12 = arith.constant dense<0.000000e+00> : vector<20x4352xf32>
    %dot_general3A_13 = tpu.matmul %get3A_11, %get3A_4, %dot_general3A_12 {dimension_numbers = #tpu.dot_dimension_numbers<[1], [0], [0], [1], [0, 0, 1, 1], [], []>, transpose_lhs_hint = false} : vector<20x20xf32>, vector<20x4352xf32>, vector<20x4352xf32> -> vector<20x4352xf32>
    %add3A = arith.addf %dot_general3A_8, %dot_general3A_13 : vector<20x4352xf32>
    %get3A_14 = arith.constant 0 : index
    %get3A_15 = arith.constant 0 : index
    %get3A_16 = vector.load %arg13[%get3A_14, %get3A_15] : memref<20x1xf32, #tpu.memory_space<vmem>>, vector<20x1xf32>
    %add3A_17 = vector.broadcast %get3A_16 : vector<20x1xf32> to vector<20x4352xf32>
    %add3A_18 = arith.addf %add3A, %add3A_17 : vector<20x4352xf32>
    %logistic3A = arith.negf %add3A_18 : vector<20x4352xf32>
    %logistic3A_19 = math.exp %logistic3A : vector<20x4352xf32>
    %logistic3A_20 = arith.constant 1.000000e+00 : f32
    %logistic3A_21 = vector.broadcast %logistic3A_20 : f32 to vector<20x4352xf32>
    %logistic3A_22 = arith.addf %logistic3A_21, %logistic3A_19 : vector<20x4352xf32>
    %logistic3A_23 = arith.divf %logistic3A_21, %logistic3A_22 : vector<20x4352xf32>
    %get3A_24 = arith.constant 0 : index
    %get3A_25 = arith.constant 0 : index
    %get3A_26 = vector.load %arg6[%get3A_24, %get3A_25] : memref<20x5xf32, #tpu.memory_space<vmem>>, vector<20x5xf32>
    %dot_general3A_27 = arith.constant dense<0.000000e+00> : vector<20x4352xf32>
    %dot_general3A_28 = tpu.matmul %get3A_26, %slice3A, %dot_general3A_27 {dimension_numbers = #tpu.dot_dimension_numbers<[1], [0], [0], [1], [0, 0, 1, 1], [], []>, transpose_lhs_hint = false} : vector<20x5xf32>, vector<5x4352xf32>, vector<20x4352xf32> -> vector<20x4352xf32>
    %get3A_29 = arith.constant 0 : index
    %get3A_30 = arith.constant 0 : index
    %get3A_31 = vector.load %arg10[%get3A_29, %get3A_30] : memref<20x20xf32, #tpu.memory_space<vmem>>, vector<20x20xf32>
    %dot_general3A_32 = arith.constant dense<0.000000e+00> : vector<20x4352xf32>
    %dot_general3A_33 = tpu.matmul %get3A_31, %get3A_4, %dot_general3A_32 {dimension_numbers = #tpu.dot_dimension_numbers<[1], [0], [0], [1], [0, 0, 1, 1], [], []>, transpose_lhs_hint = false} : vector<20x20xf32>, vector<20x4352xf32>, vector<20x4352xf32> -> vector<20x4352xf32>
    %add3A_34 = arith.addf %dot_general3A_28, %dot_general3A_33 : vector<20x4352xf32>
    %get3A_35 = arith.constant 0 : index
    %get3A_36 = arith.constant 0 : index
    %get3A_37 = vector.load %arg14[%get3A_35, %get3A_36] : memref<20x1xf32, #tpu.memory_space<vmem>>, vector<20x1xf32>
    %add3A_38 = vector.broadcast %get3A_37 : vector<20x1xf32> to vector<20x4352xf32>
    %add3A_39 = arith.addf %add3A_34, %add3A_38 : vector<20x4352xf32>
    %logistic3A_40 = arith.negf %add3A_39 : vector<20x4352xf32>
    %logistic3A_41 = math.exp %logistic3A_40 : vector<20x4352xf32>
    %logistic3A_42 = arith.constant 1.000000e+00 : f32
    %logistic3A_43 = vector.broadcast %logistic3A_42 : f32 to vector<20x4352xf32>
    %logistic3A_44 = arith.addf %logistic3A_43, %logistic3A_41 : vector<20x4352xf32>
    %logistic3A_45 = arith.divf %logistic3A_43, %logistic3A_44 : vector<20x4352xf32>
    %get3A_46 = arith.constant 0 : index
    %get3A_47 = arith.constant 0 : index
    %get3A_48 = vector.load %arg7[%get3A_46, %get3A_47] : memref<20x5xf32, #tpu.memory_space<vmem>>, vector<20x5xf32>
    %dot_general3A_49 = arith.constant dense<0.000000e+00> : vector<20x4352xf32>
    %dot_general3A_50 = tpu.matmul %get3A_48, %slice3A, %dot_general3A_49 {dimension_numbers = #tpu.dot_dimension_numbers<[1], [0], [0], [1], [0, 0, 1, 1], [], []>, transpose_lhs_hint = false} : vector<20x5xf32>, vector<5x4352xf32>, vector<20x4352xf32> -> vector<20x4352xf32>
    %get3A_51 = arith.constant 0 : index
    %get3A_52 = arith.constant 0 : index
    %get3A_53 = vector.load %arg11[%get3A_51, %get3A_52] : memref<20x20xf32, #tpu.memory_space<vmem>>, vector<20x20xf32>
    %dot_general3A_54 = arith.constant dense<0.000000e+00> : vector<20x4352xf32>
    %dot_general3A_55 = tpu.matmul %get3A_53, %get3A_4, %dot_general3A_54 {dimension_numbers = #tpu.dot_dimension_numbers<[1], [0], [0], [1], [0, 0, 1, 1], [], []>, transpose_lhs_hint = false} : vector<20x20xf32>, vector<20x4352xf32>, vector<20x4352xf32> -> vector<20x4352xf32>
    %add3A_56 = arith.addf %dot_general3A_50, %dot_general3A_55 : vector<20x4352xf32>
    %get3A_57 = arith.constant 0 : index
    %get3A_58 = arith.constant 0 : index
    %get3A_59 = vector.load %arg15[%get3A_57, %get3A_58] : memref<20x1xf32, #tpu.memory_space<vmem>>, vector<20x1xf32>
    %add3A_60 = vector.broadcast %get3A_59 : vector<20x1xf32> to vector<20x4352xf32>
    %add3A_61 = arith.addf %add3A_56, %add3A_60 : vector<20x4352xf32>
    %tanh3A = math.tanh %add3A_61 : vector<20x4352xf32>
    %get3A_62 = arith.constant 0 : index
    %get3A_63 = arith.constant 0 : index
    %get3A_64 = vector.load %arg8[%get3A_62, %get3A_63] : memref<20x5xf32, #tpu.memory_space<vmem>>, vector<20x5xf32>
    %dot_general3A_65 = arith.constant dense<0.000000e+00> : vector<20x4352xf32>
    %dot_general3A_66 = tpu.matmul %get3A_64, %slice3A, %dot_general3A_65 {dimension_numbers = #tpu.dot_dimension_numbers<[1], [0], [0], [1], [0, 0, 1, 1], [], []>, transpose_lhs_hint = false} : vector<20x5xf32>, vector<5x4352xf32>, vector<20x4352xf32> -> vector<20x4352xf32>
    %get3A_67 = arith.constant 0 : index
    %get3A_68 = arith.constant 0 : index
    %get3A_69 = vector.load %arg12[%get3A_67, %get3A_68] : memref<20x20xf32, #tpu.memory_space<vmem>>, vector<20x20xf32>
    %dot_general3A_70 = arith.constant dense<0.000000e+00> : vector<20x4352xf32>
    %dot_general3A_71 = tpu.matmul %get3A_69, %get3A_4, %dot_general3A_70 {dimension_numbers = #tpu.dot_dimension_numbers<[1], [0], [0], [1], [0, 0, 1, 1], [], []>, transpose_lhs_hint = false} : vector<20x20xf32>, vector<20x4352xf32>, vector<20x4352xf32> -> vector<20x4352xf32>
    %add3A_72 = arith.addf %dot_general3A_66, %dot_general3A_71 : vector<20x4352xf32>
    %get3A_73 = arith.constant 0 : index
    %get3A_74 = arith.constant 0 : index
    %get3A_75 = vector.load %arg16[%get3A_73, %get3A_74] : memref<20x1xf32, #tpu.memory_space<vmem>>, vector<20x1xf32>
    %add3A_76 = vector.broadcast %get3A_75 : vector<20x1xf32> to vector<20x4352xf32>
    %add3A_77 = arith.addf %add3A_72, %add3A_76 : vector<20x4352xf32>
    %logistic3A_78 = arith.negf %add3A_77 : vector<20x4352xf32>
    %logistic3A_79 = math.exp %logistic3A_78 : vector<20x4352xf32>
    %logistic3A_80 = arith.constant 1.000000e+00 : f32
    %logistic3A_81 = vector.broadcast %logistic3A_80 : f32 to vector<20x4352xf32>
    %logistic3A_82 = arith.addf %logistic3A_81, %logistic3A_79 : vector<20x4352xf32>
    %logistic3A_83 = arith.divf %logistic3A_81, %logistic3A_82 : vector<20x4352xf32>
    %get3A_84 = arith.constant 0 : index
    %get3A_85 = arith.constant 0 : index
    %get3A_86 = vector.load %arg3[%get3A_84, %get3A_85] : memref<20x4352xf32, #tpu.memory_space<vmem>>, vector<20x4352xf32>
    %mul3A = arith.mulf %logistic3A_45, %get3A_86 : vector<20x4352xf32>
    %mul3A_87 = arith.mulf %logistic3A_23, %tanh3A : vector<20x4352xf32>
    %add3A_88 = arith.addf %mul3A, %mul3A_87 : vector<20x4352xf32>
    %tanh3A_89 = math.tanh %add3A_88 : vector<20x4352xf32>
    %mul3A_90 = arith.mulf %logistic3A_83, %tanh3A_89 : vector<20x4352xf32>
    %swap3A = arith.constant 0 : index
    %swap3A_91 = arith.constant 0 : index
    %swap3A_92 = vector.load %arg17[%swap3A, %swap3A_91] : memref<20x4352xf32, #tpu.memory_space<vmem>>, vector<20x4352xf32>
    tpu.vector_store %arg17[%swap3A, %swap3A_91], %mul3A_90 {strides = array<i32>} : memref<20x4352xf32, #tpu.memory_space<vmem>>, vector<20x4352xf32>,
    %swap3A_93 = arith.constant 0 : index
    %swap3A_94 = arith.constant 0 : index
    %swap3A_95 = vector.load %arg18[%swap3A_93, %swap3A_94] : memref<20x4352xf32, #tpu.memory_space<vmem>>, vector<20x4352xf32>
    tpu.vector_store %arg18[%swap3A_93, %swap3A_94], %add3A_88 {strides = array<i32>} : memref<20x4352xf32, #tpu.memory_space<vmem>>, vector<20x4352xf32>,
    %get3A_96 = arith.constant 0 : index
    %get3A_97 = arith.constant 0 : index
    %get3A_98 = arith.constant 0 : index
    %get3A_99 = vector.load %arg4[%get3A_96, %get3A_97, %get3A_98] : memref<2x4352x16xf32, #tpu.memory_space<vmem>>, vector<1x4352x16xf32>
    %get3A_100 = vector.shape_cast %get3A_99 : vector<1x4352x16xf32> to vector<4352x16xf32>
    %get3A_101 = arith.constant 1 : index
    %get3A_102 = arith.constant 0 : index
    %get3A_103 = arith.constant 0 : index
    %get3A_104 = vector.load %arg4[%get3A_101, %get3A_102, %get3A_103] : memref<2x4352x16xf32, #tpu.memory_space<vmem>>, vector<1x4352x16xf32>
    %get3A_105 = vector.shape_cast %get3A_104 : vector<1x4352x16xf32> to vector<4352x16xf32>
    %add3A_106 = arith.addf %get3A_100, %get3A_105 : vector<4352x16xf32>
    %transpose3A = tpu.transpose %mul3A_90, [1, 0] : vector<20x4352xf32> -> vector<4352x20xf32>
    %slice3A_107 = vector.extract_strided_slice %add3A_106 {offsets = [0, 0], sizes = [4352, 8], strides = [1, 1]} : vector<4352x16xf32> to vector<4352x8xf32>
    %broadcast_in_dim3A = arith.constant 0.000000e+00 : f32
    %broadcast_in_dim3A_108 = vector.broadcast %broadcast_in_dim3A : f32 to vector<4352x4xf32>
    %concatenate3A = tpu.concatenate %transpose3A, %slice3A_107, %broadcast_in_dim3A_108 in 1 : vector<4352x20xf32>, vector<4352x8xf32>, vector<4352x4xf32> -> vector<4352x32xf32>
    %swap3A_109 = arith.constant 0 : index
    %swap3A_110 = arith.constant 0 : index
    %swap3A_111 = vector.load %arg19[%swap3A_109, %swap3A_110] : memref<4352x32xf32, #tpu.memory_space<vmem>>, vector<4352x32xf32>
    tpu.vector_store %arg19[%swap3A_109, %swap3A_110], %concatenate3A {strides = array<i32>} : memref<4352x32xf32, #tpu.memory_space<vmem>>, vector<4352x32xf32>,
    return
  }
  func.func @transform_0(%arg0: i32) -> (i32, i32) {
    %c0_i32 = arith.constant 0 : i32
    %c0_i32_0 = arith.constant 0 : i32
    return %c0_i32, %arg0 : i32, i32
  }
  func.func @transform_1(%arg0: i32) -> (i32, i32) {
    %c0_i32 = arith.constant 0 : i32
    %c0_i32_0 = arith.constant 0 : i32
    return %c0_i32, %arg0 : i32, i32
  }
  func.func @transform_2(%arg0: i32) -> (i32, i32) {
    %c0_i32 = arith.constant 0 : i32
    %c0_i32_0 = arith.constant 0 : i32
    return %c0_i32, %arg0 : i32, i32
  }
  func.func @transform_3(%arg0: i32) -> (i32, i32, i32) {
    %c0_i32 = arith.constant 0 : i32
    %c0_i32_0 = arith.constant 0 : i32
    %c0_i32_1 = arith.constant 0 : i32
    return %c0_i32, %arg0, %c0_i32_0 : i32, i32, i32
  }
  func.func @transform_4(%arg0: i32) -> (i32, i32) {
    %c0_i32 = arith.constant 0 : i32
    %c0_i32_0 = arith.constant 0 : i32
    %c0_i32_1 = arith.constant 0 : i32
    return %c0_i32, %c0_i32_0 : i32, i32
  }
  func.func @transform_5(%arg0: i32) -> (i32, i32) {
    %c0_i32 = arith.constant 0 : i32
    %c0_i32_0 = arith.constant 0 : i32
    %c0_i32_1 = arith.constant 0 : i32
    return %c0_i32, %c0_i32_0 : i32, i32
  }
  func.func @transform_6(%arg0: i32) -> (i32, i32) {
    %c0_i32 = arith.constant 0 : i32
    %c0_i32_0 = arith.constant 0 : i32
    %c0_i32_1 = arith.constant 0 : i32
    return %c0_i32, %c0_i32_0 : i32, i32
  }
  func.func @transform_7(%arg0: i32) -> (i32, i32) {
    %c0_i32 = arith.constant 0 : i32
    %c0_i32_0 = arith.constant 0 : i32
    %c0_i32_1 = arith.constant 0 : i32
    return %c0_i32, %c0_i32_0 : i32, i32
  }
  func.func @transform_8(%arg0: i32) -> (i32, i32) {
    %c0_i32 = arith.constant 0 : i32
    %c0_i32_0 = arith.constant 0 : i32
    %c0_i32_1 = arith.constant 0 : i32
    return %c0_i32, %c0_i32_0 : i32, i32
  }
  func.func @transform_9(%arg0: i32) -> (i32, i32) {
    %c0_i32 = arith.constant 0 : i32
    %c0_i32_0 = arith.constant 0 : i32
    %c0_i32_1 = arith.constant 0 : i32
    return %c0_i32, %c0_i32_0 : i32, i32
  }
  func.func @transform_10(%arg0: i32) -> (i32, i32) {
    %c0_i32 = arith.constant 0 : i32
    %c0_i32_0 = arith.constant 0 : i32
    %c0_i32_1 = arith.constant 0 : i32
    return %c0_i32, %c0_i32_0 : i32, i32
  }
  func.func @transform_11(%arg0: i32) -> (i32, i32) {
    %c0_i32 = arith.constant 0 : i32
    %c0_i32_0 = arith.constant 0 : i32
    %c0_i32_1 = arith.constant 0 : i32
    return %c0_i32, %c0_i32_0 : i32, i32
  }
  func.func @transform_12(%arg0: i32) -> (i32, i32) {
    %c0_i32 = arith.constant 0 : i32
    %c0_i32_0 = arith.constant 0 : i32
    %c0_i32_1 = arith.constant 0 : i32
    return %c0_i32, %c0_i32_0 : i32, i32
  }
  func.func @transform_13(%arg0: i32) -> (i32, i32) {
    %c0_i32 = arith.constant 0 : i32
    %c0_i32_0 = arith.constant 0 : i32
    %c0_i32_1 = arith.constant 0 : i32
    return %c0_i32, %c0_i32_0 : i32, i32
  }
  func.func @transform_14(%arg0: i32) -> (i32, i32) {
    %c0_i32 = arith.constant 0 : i32
    %c0_i32_0 = arith.constant 0 : i32
    %c0_i32_1 = arith.constant 0 : i32
    return %c0_i32, %c0_i32_0 : i32, i32
  }
  func.func @transform_15(%arg0: i32) -> (i32, i32) {
    %c0_i32 = arith.constant 0 : i32
    %c0_i32_0 = arith.constant 0 : i32
    %c0_i32_1 = arith.constant 0 : i32
    return %c0_i32, %c0_i32_0 : i32, i32
  }
  func.func @transform_16(%arg0: i32) -> (i32, i32) {
    %c0_i32 = arith.constant 0 : i32
    %c0_i32_0 = arith.constant 0 : i32
    return %c0_i32, %arg0 : i32, i32
  }
  func.func @transform_17(%arg0: i32) -> (i32, i32) {
    %c0_i32 = arith.constant 0 : i32
    %c0_i32_0 = arith.constant 0 : i32
    return %c0_i32, %arg0 : i32, i32
  }
  func.func @transform_18(%arg0: i32) -> (i32, i32) {
    %c0_i32 = arith.constant 0 : i32
    %c0_i32_0 = arith.constant 0 : i32
    return %arg0, %c0_i32 : i32, i32
  }
}

module attributes {stable_mosaic.version = 14 : i64} {
  func.func @_k3_body(%arg0: i32, %arg1: memref<1600x128xf32, #tpu.memory_space<vmem>>, %arg2: memref<1600x128xf32, #tpu.memory_space<vmem>>, %arg3: memref<1600x16xf32, #tpu.memory_space<vmem>>, %arg4: memref<128x256xf32, #tpu.memory_space<vmem>>, %arg5: memref<128x256xf32, #tpu.memory_space<vmem>>, %arg6: memref<16x256xf32, #tpu.memory_space<vmem>>, %arg7: memref<1x256xf32, #tpu.memory_space<vmem>>, %arg8: memref<256x128xf32, #tpu.memory_space<vmem>>, %arg9: memref<1x128xf32, #tpu.memory_space<vmem>>, %arg10: memref<1600x128xf32, #tpu.memory_space<vmem>>) attributes {dimension_semantics = [#tpu.dimension_semantics<arbitrary>], iteration_bounds = array<i64: 250>, scalar_prefetch = 0 : i64, scratch_operands = 0 : i64, tpu.core_type = #tpu.core_type<tc>, window_params = [{transform_indices = @transform_0, window_bounds = array<i64: 1600, 128>}, {transform_indices = @transform_1, window_bounds = array<i64: 1600, 128>}, {transform_indices = @transform_2, window_bounds = array<i64: 1600, 16>}, {pipeline_mode = #tpu.pipeline_mode<synchronous>, transform_indices = @transform_3, window_bounds = array<i64: 128, 256>}, {pipeline_mode = #tpu.pipeline_mode<synchronous>, transform_indices = @transform_4, window_bounds = array<i64: 128, 256>}, {pipeline_mode = #tpu.pipeline_mode<synchronous>, transform_indices = @transform_5, window_bounds = array<i64: 16, 256>}, {pipeline_mode = #tpu.pipeline_mode<synchronous>, transform_indices = @transform_6, window_bounds = array<i64: 1, 256>}, {pipeline_mode = #tpu.pipeline_mode<synchronous>, transform_indices = @transform_7, window_bounds = array<i64: 256, 128>}, {pipeline_mode = #tpu.pipeline_mode<synchronous>, transform_indices = @transform_8, window_bounds = array<i64: 1, 128>}, {transform_indices = @transform_9, window_bounds = array<i64: 1600, 128>}]} {
    %get3A = arith.constant 0 : index
    %get3A_0 = arith.constant 0 : index
    %get3A_1 = vector.load %arg1[%get3A, %get3A_0] : memref<1600x128xf32, #tpu.memory_space<vmem>>, vector<1600x128xf32>
    %get3A_2 = arith.constant 0 : index
    %get3A_3 = arith.constant 0 : index
    %get3A_4 = vector.load %arg4[%get3A_2, %get3A_3] : memref<128x256xf32, #tpu.memory_space<vmem>>, vector<128x256xf32>
    %dot_general3A = arith.constant dense<0.000000e+00> : vector<1600x256xf32>
    %dot_general3A_5 = tpu.matmul %get3A_1, %get3A_4, %dot_general3A {dimension_numbers = #tpu.dot_dimension_numbers<[1], [0], [0], [1], [0, 0, 1, 1], [], []>, transpose_lhs_hint = false} : vector<1600x128xf32>, vector<128x256xf32>, vector<1600x256xf32> -> vector<1600x256xf32>
    %get3A_6 = arith.constant 0 : index
    %get3A_7 = arith.constant 0 : index
    %get3A_8 = vector.load %arg2[%get3A_6, %get3A_7] : memref<1600x128xf32, #tpu.memory_space<vmem>>, vector<1600x128xf32>
    %get3A_9 = arith.constant 0 : index
    %get3A_10 = arith.constant 0 : index
    %get3A_11 = vector.load %arg5[%get3A_9, %get3A_10] : memref<128x256xf32, #tpu.memory_space<vmem>>, vector<128x256xf32>
    %dot_general3A_12 = arith.constant dense<0.000000e+00> : vector<1600x256xf32>
    %dot_general3A_13 = tpu.matmul %get3A_8, %get3A_11, %dot_general3A_12 {dimension_numbers = #tpu.dot_dimension_numbers<[1], [0], [0], [1], [0, 0, 1, 1], [], []>, transpose_lhs_hint = false} : vector<1600x128xf32>, vector<128x256xf32>, vector<1600x256xf32> -> vector<1600x256xf32>
    %add3A = arith.addf %dot_general3A_5, %dot_general3A_13 : vector<1600x256xf32>
    %get3A_14 = arith.constant 0 : index
    %get3A_15 = arith.constant 0 : index
    %get3A_16 = vector.load %arg3[%get3A_14, %get3A_15] : memref<1600x16xf32, #tpu.memory_space<vmem>>, vector<1600x16xf32>
    %get3A_17 = arith.constant 0 : index
    %get3A_18 = arith.constant 0 : index
    %get3A_19 = vector.load %arg6[%get3A_17, %get3A_18] : memref<16x256xf32, #tpu.memory_space<vmem>>, vector<16x256xf32>
    %dot_general3A_20 = arith.constant dense<0.000000e+00> : vector<1600x256xf32>
    %dot_general3A_21 = tpu.matmul %get3A_16, %get3A_19, %dot_general3A_20 {dimension_numbers = #tpu.dot_dimension_numbers<[1], [0], [0], [1], [0, 0, 1, 1], [], []>, transpose_lhs_hint = false} : vector<1600x16xf32>, vector<16x256xf32>, vector<1600x256xf32> -> vector<1600x256xf32>
    %add3A_22 = arith.addf %add3A, %dot_general3A_21 : vector<1600x256xf32>
    %get3A_23 = arith.constant 0 : index
    %get3A_24 = arith.constant 0 : index
    %get3A_25 = vector.load %arg7[%get3A_23, %get3A_24] : memref<1x256xf32, #tpu.memory_space<vmem>>, vector<1x256xf32>
    %add3A_26 = vector.broadcast %get3A_25 : vector<1x256xf32> to vector<1600x256xf32>
    %add3A_27 = arith.addf %add3A_22, %add3A_26 : vector<1600x256xf32>
    %ge3A = arith.constant 0.000000e+00 : f32
    %ge3A_28 = vector.broadcast %ge3A : f32 to vector<1600x256xf32>
    %ge3A_29 = arith.cmpf oge, %add3A_27, %ge3A_28 : vector<1600x256xf32>
    %mul3A = arith.constant 0.00999999977 : f32
    %mul3A_30 = vector.broadcast %mul3A : f32 to vector<1600x256xf32>
    %mul3A_31 = arith.mulf %mul3A_30, %add3A_27 : vector<1600x256xf32>
    %select_n3A = arith.select %ge3A_29, %add3A_27, %mul3A_31 : vector<1600x256xi1>, vector<1600x256xf32>
    %get3A_32 = arith.constant 0 : index
    %get3A_33 = arith.constant 0 : index
    %get3A_34 = vector.load %arg8[%get3A_32, %get3A_33] : memref<256x128xf32, #tpu.memory_space<vmem>>, vector<256x128xf32>
    %dot_general3A_35 = arith.constant dense<0.000000e+00> : vector<1600x128xf32>
    %dot_general3A_36 = tpu.matmul %select_n3A, %get3A_34, %dot_general3A_35 {dimension_numbers = #tpu.dot_dimension_numbers<[1], [0], [0], [1], [0, 0, 1, 1], [], []>, transpose_lhs_hint = false} : vector<1600x256xf32>, vector<256x128xf32>, vector<1600x128xf32> -> vector<1600x128xf32>
    %get3A_37 = arith.constant 0 : index
    %get3A_38 = arith.constant 0 : index
    %get3A_39 = vector.load %arg9[%get3A_37, %get3A_38] : memref<1x128xf32, #tpu.memory_space<vmem>>, vector<1x128xf32>
    %add3A_40 = vector.broadcast %get3A_39 : vector<1x128xf32> to vector<1600x128xf32>
    %add3A_41 = arith.addf %dot_general3A_36, %add3A_40 : vector<1600x128xf32>
    %swap3A = arith.constant 0 : index
    %swap3A_42 = arith.constant 0 : index
    %swap3A_43 = vector.load %arg10[%swap3A, %swap3A_42] : memref<1600x128xf32, #tpu.memory_space<vmem>>, vector<1600x128xf32>
    tpu.vector_store %arg10[%swap3A, %swap3A_42], %add3A_41 {strides = array<i32>} : memref<1600x128xf32, #tpu.memory_space<vmem>>, vector<1600x128xf32>,
    return
  }
  func.func @transform_0(%arg0: i32) -> (i32, i32) {
    %c0_i32 = arith.constant 0 : i32
    %c0_i32_0 = arith.constant 0 : i32
    return %arg0, %c0_i32 : i32, i32
  }
  func.func @transform_1(%arg0: i32) -> (i32, i32) {
    %add3A = arith.constant 250 : i32
    %add3A_0 = arith.addi %arg0, %add3A : i32
    %c0_i32 = arith.constant 0 : i32
    %c0_i32_1 = arith.constant 0 : i32
    return %add3A_0, %c0_i32 : i32, i32
  }
  func.func @transform_2(%arg0: i32) -> (i32, i32) {
    %c0_i32 = arith.constant 0 : i32
    %c0_i32_0 = arith.constant 0 : i32
    return %arg0, %c0_i32 : i32, i32
  }
  func.func @transform_3(%arg0: i32) -> (i32, i32) {
    %c0_i32 = arith.constant 0 : i32
    %c0_i32_0 = arith.constant 0 : i32
    %c0_i32_1 = arith.constant 0 : i32
    return %c0_i32, %c0_i32_0 : i32, i32
  }
  func.func @transform_4(%arg0: i32) -> (i32, i32) {
    %c0_i32 = arith.constant 0 : i32
    %c0_i32_0 = arith.constant 0 : i32
    %c0_i32_1 = arith.constant 0 : i32
    return %c0_i32, %c0_i32_0 : i32, i32
  }
  func.func @transform_5(%arg0: i32) -> (i32, i32) {
    %c0_i32 = arith.constant 0 : i32
    %c0_i32_0 = arith.constant 0 : i32
    %c0_i32_1 = arith.constant 0 : i32
    return %c0_i32, %c0_i32_0 : i32, i32
  }
  func.func @transform_6(%arg0: i32) -> (i32, i32) {
    %c0_i32 = arith.constant 0 : i32
    %c0_i32_0 = arith.constant 0 : i32
    %c0_i32_1 = arith.constant 0 : i32
    return %c0_i32, %c0_i32_0 : i32, i32
  }
  func.func @transform_7(%arg0: i32) -> (i32, i32) {
    %c0_i32 = arith.constant 0 : i32
    %c0_i32_0 = arith.constant 0 : i32
    %c0_i32_1 = arith.constant 0 : i32
    return %c0_i32, %c0_i32_0 : i32, i32
  }
  func.func @transform_8(%arg0: i32) -> (i32, i32) {
    %c0_i32 = arith.constant 0 : i32
    %c0_i32_0 = arith.constant 0 : i32
    %c0_i32_1 = arith.constant 0 : i32
    return %c0_i32, %c0_i32_0 : i32, i32
  }
  func.func @transform_9(%arg0: i32) -> (i32, i32) {
    %c0_i32 = arith.constant 0 : i32
    %c0_i32_0 = arith.constant 0 : i32
    return %arg0, %c0_i32 : i32, i32
  }
}

module attributes {stable_mosaic.version = 14 : i64} {
  func.func @_k4_body(%arg0: i32, %arg1: memref<10x4352xf32, #tpu.memory_space<vmem>>, %arg2: memref<4352x32xf32, #tpu.memory_space<vmem>>, %arg3: memref<2x4352x16xf32, #tpu.memory_space<vmem>>, %arg4: memref<32x64xf32, #tpu.memory_space<vmem>>, %arg5: memref<16x64xf32, #tpu.memory_space<vmem>>, %arg6: memref<16x64xf32, #tpu.memory_space<vmem>>, %arg7: memref<1x64xf32, #tpu.memory_space<vmem>>, %arg8: memref<64x64xf32, #tpu.memory_space<vmem>>, %arg9: memref<1x64xf32, #tpu.memory_space<vmem>>, %arg10: memref<64x4xf32, #tpu.memory_space<vmem>>, %arg11: memref<1x4xf32, #tpu.memory_space<vmem>>, %arg12: memref<4x4352xf32, #tpu.memory_space<vmem>>) attributes {dimension_semantics = [#tpu.dimension_semantics<arbitrary>], iteration_bounds = array<i64: 23>, scalar_prefetch = 0 : i64, scratch_operands = 0 : i64, tpu.core_type = #tpu.core_type<tc>, window_params = [{transform_indices = @transform_0, window_bounds = array<i64: 10, 4352>}, {transform_indices = @transform_1, window_bounds = array<i64: 4352, 32>}, {transform_indices = @transform_2, window_bounds = array<i64: 2, 4352, 16>}, {pipeline_mode = #tpu.pipeline_mode<synchronous>, transform_indices = @transform_3, window_bounds = array<i64: 32, 64>}, {pipeline_mode = #tpu.pipeline_mode<synchronous>, transform_indices = @transform_4, window_bounds = array<i64: 16, 64>}, {pipeline_mode = #tpu.pipeline_mode<synchronous>, transform_indices = @transform_5, window_bounds = array<i64: 16, 64>}, {pipeline_mode = #tpu.pipeline_mode<synchronous>, transform_indices = @transform_6, window_bounds = array<i64: 1, 64>}, {pipeline_mode = #tpu.pipeline_mode<synchronous>, transform_indices = @transform_7, window_bounds = array<i64: 64, 64>}, {pipeline_mode = #tpu.pipeline_mode<synchronous>, transform_indices = @transform_8, window_bounds = array<i64: 1, 64>}, {pipeline_mode = #tpu.pipeline_mode<synchronous>, transform_indices = @transform_9, window_bounds = array<i64: 64, 4>}, {pipeline_mode = #tpu.pipeline_mode<synchronous>, transform_indices = @transform_10, window_bounds = array<i64: 1, 4>}, {transform_indices = @transform_11, window_bounds = array<i64: 4, 4352>}]} {
    %get3A = arith.constant 0 : index
    %get3A_0 = arith.constant 0 : index
    %get3A_1 = vector.load %arg2[%get3A, %get3A_0] : memref<4352x32xf32, #tpu.memory_space<vmem>>, vector<4352x32xf32>
    %get3A_2 = arith.constant 0 : index
    %get3A_3 = arith.constant 0 : index
    %get3A_4 = vector.load %arg4[%get3A_2, %get3A_3] : memref<32x64xf32, #tpu.memory_space<vmem>>, vector<32x64xf32>
    %dot_general3A = arith.constant dense<0.000000e+00> : vector<4352x64xf32>
    %dot_general3A_5 = tpu.matmul %get3A_1, %get3A_4, %dot_general3A {dimension_numbers = #tpu.dot_dimension_numbers<[1], [0], [0], [1], [0, 0, 1, 1], [], []>, transpose_lhs_hint = false} : vector<4352x32xf32>, vector<32x64xf32>, vector<4352x64xf32> -> vector<4352x64xf32>
    %get3A_6 = arith.constant 0 : index
    %get3A_7 = arith.constant 0 : index
    %get3A_8 = arith.constant 0 : index
    %get3A_9 = vector.load %arg3[%get3A_6, %get3A_7, %get3A_8] : memref<2x4352x16xf32, #tpu.memory_space<vmem>>, vector<1x4352x16xf32>
    %get3A_10 = vector.shape_cast %get3A_9 : vector<1x4352x16xf32> to vector<4352x16xf32>
    %get3A_11 = arith.constant 0 : index
    %get3A_12 = arith.constant 0 : index
    %get3A_13 = vector.load %arg5[%get3A_11, %get3A_12] : memref<16x64xf32, #tpu.memory_space<vmem>>, vector<16x64xf32>
    %dot_general3A_14 = arith.constant dense<0.000000e+00> : vector<4352x64xf32>
    %dot_general3A_15 = tpu.matmul %get3A_10, %get3A_13, %dot_general3A_14 {dimension_numbers = #tpu.dot_dimension_numbers<[1], [0], [0], [1], [0, 0, 1, 1], [], []>, transpose_lhs_hint = false} : vector<4352x16xf32>, vector<16x64xf32>, vector<4352x64xf32> -> vector<4352x64xf32>
    %add3A = arith.addf %dot_general3A_5, %dot_general3A_15 : vector<4352x64xf32>
    %get3A_16 = arith.constant 1 : index
    %get3A_17 = arith.constant 0 : index
    %get3A_18 = arith.constant 0 : index
    %get3A_19 = vector.load %arg3[%get3A_16, %get3A_17, %get3A_18] : memref<2x4352x16xf32, #tpu.memory_space<vmem>>, vector<1x4352x16xf32>
    %get3A_20 = vector.shape_cast %get3A_19 : vector<1x4352x16xf32> to vector<4352x16xf32>
    %get3A_21 = arith.constant 0 : index
    %get3A_22 = arith.constant 0 : index
    %get3A_23 = vector.load %arg6[%get3A_21, %get3A_22] : memref<16x64xf32, #tpu.memory_space<vmem>>, vector<16x64xf32>
    %dot_general3A_24 = arith.constant dense<0.000000e+00> : vector<4352x64xf32>
    %dot_general3A_25 = tpu.matmul %get3A_20, %get3A_23, %dot_general3A_24 {dimension_numbers = #tpu.dot_dimension_numbers<[1], [0], [0], [1], [0, 0, 1, 1], [], []>, transpose_lhs_hint = false} : vector<4352x16xf32>, vector<16x64xf32>, vector<4352x64xf32> -> vector<4352x64xf32>
    %add3A_26 = arith.addf %add3A, %dot_general3A_25 : vector<4352x64xf32>
    %get3A_27 = arith.constant 0 : index
    %get3A_28 = arith.constant 0 : index
    %get3A_29 = vector.load %arg7[%get3A_27, %get3A_28] : memref<1x64xf32, #tpu.memory_space<vmem>>, vector<1x64xf32>
    %add3A_30 = vector.broadcast %get3A_29 : vector<1x64xf32> to vector<4352x64xf32>
    %add3A_31 = arith.addf %add3A_26, %add3A_30 : vector<4352x64xf32>
    %ge3A = arith.constant 0.000000e+00 : f32
    %ge3A_32 = vector.broadcast %ge3A : f32 to vector<4352x64xf32>
    %ge3A_33 = arith.cmpf oge, %add3A_31, %ge3A_32 : vector<4352x64xf32>
    %mul3A = arith.constant 0.00999999977 : f32
    %mul3A_34 = vector.broadcast %mul3A : f32 to vector<4352x64xf32>
    %mul3A_35 = arith.mulf %mul3A_34, %add3A_31 : vector<4352x64xf32>
    %select_n3A = arith.select %ge3A_33, %add3A_31, %mul3A_35 : vector<4352x64xi1>, vector<4352x64xf32>
    %get3A_36 = arith.constant 0 : index
    %get3A_37 = arith.constant 0 : index
    %get3A_38 = vector.load %arg8[%get3A_36, %get3A_37] : memref<64x64xf32, #tpu.memory_space<vmem>>, vector<64x64xf32>
    %dot_general3A_39 = arith.constant dense<0.000000e+00> : vector<4352x64xf32>
    %dot_general3A_40 = tpu.matmul %select_n3A, %get3A_38, %dot_general3A_39 {dimension_numbers = #tpu.dot_dimension_numbers<[1], [0], [0], [1], [0, 0, 1, 1], [], []>, transpose_lhs_hint = false} : vector<4352x64xf32>, vector<64x64xf32>, vector<4352x64xf32> -> vector<4352x64xf32>
    %get3A_41 = arith.constant 0 : index
    %get3A_42 = arith.constant 0 : index
    %get3A_43 = vector.load %arg9[%get3A_41, %get3A_42] : memref<1x64xf32, #tpu.memory_space<vmem>>, vector<1x64xf32>
    %add3A_44 = vector.broadcast %get3A_43 : vector<1x64xf32> to vector<4352x64xf32>
    %add3A_45 = arith.addf %dot_general3A_40, %add3A_44 : vector<4352x64xf32>
    %ge3A_46 = arith.constant 0.000000e+00 : f32
    %ge3A_47 = vector.broadcast %ge3A_46 : f32 to vector<4352x64xf32>
    %ge3A_48 = arith.cmpf oge, %add3A_45, %ge3A_47 : vector<4352x64xf32>
    %mul3A_49 = arith.constant 0.00999999977 : f32
    %mul3A_50 = vector.broadcast %mul3A_49 : f32 to vector<4352x64xf32>
    %mul3A_51 = arith.mulf %mul3A_50, %add3A_45 : vector<4352x64xf32>
    %select_n3A_52 = arith.select %ge3A_48, %add3A_45, %mul3A_51 : vector<4352x64xi1>, vector<4352x64xf32>
    %get3A_53 = arith.constant 0 : index
    %get3A_54 = arith.constant 0 : index
    %get3A_55 = vector.load %arg10[%get3A_53, %get3A_54] : memref<64x4xf32, #tpu.memory_space<vmem>>, vector<64x4xf32>
    %dot_general3A_56 = arith.constant dense<0.000000e+00> : vector<4352x4xf32>
    %dot_general3A_57 = tpu.matmul %select_n3A_52, %get3A_55, %dot_general3A_56 {dimension_numbers = #tpu.dot_dimension_numbers<[1], [0], [0], [1], [0, 0, 1, 1], [], []>, transpose_lhs_hint = false} : vector<4352x64xf32>, vector<64x4xf32>, vector<4352x4xf32> -> vector<4352x4xf32>
    %get3A_58 = arith.constant 0 : index
    %get3A_59 = arith.constant 0 : index
    %get3A_60 = vector.load %arg11[%get3A_58, %get3A_59] : memref<1x4xf32, #tpu.memory_space<vmem>>, vector<1x4xf32>
    %add3A_61 = vector.broadcast %get3A_60 : vector<1x4xf32> to vector<4352x4xf32>
    %add3A_62 = arith.addf %dot_general3A_57, %add3A_61 : vector<4352x4xf32>
    %get3A_63 = arith.constant 0 : index
    %get3A_64 = arith.constant 0 : index
    %get3A_65 = vector.load %arg1[%get3A_63, %get3A_64] : memref<10x4352xf32, #tpu.memory_space<vmem>>, vector<10x4352xf32>
    %slice3A = vector.extract_strided_slice %get3A_65 {offsets = [5, 0], sizes = [5, 4352], strides = [1, 1]} : vector<10x4352xf32> to vector<5x4352xf32>
    %ne3A = arith.constant 0.000000e+00 : f32
    %ne3A_66 = vector.broadcast %ne3A : f32 to vector<5x4352xf32>
    %ne3A_67 = arith.cmpf one, %slice3A, %ne3A_66 : vector<5x4352xf32>
    %reduce_or3A = arith.constant 1.000000e+00 : f32
    %reduce_or3A_68 = arith.constant 0.000000e+00 : f32
    %reduce_or3A_69 = vector.broadcast %reduce_or3A : f32 to vector<5x4352xf32>
    %reduce_or3A_70 = vector.broadcast %reduce_or3A_68 : f32 to vector<5x4352xf32>
    %reduce_or3A_71 = arith.select %ne3A_67, %reduce_or3A_69, %reduce_or3A_70 : vector<5x4352xi1>, vector<5x4352xf32>
    %reduce_or3A_72 = arith.constant dense<0xFF800000> : vector<4352xf32>
    %reduce_or3A_73 = vector.multi_reduction <maximumf>, %reduce_or3A_71, %reduce_or3A_72 [0] : vector<5x4352xf32> to vector<4352xf32>
    %reduce_or3A_74 = arith.constant 0.000000e+00 : f32
    %reduce_or3A_75 = vector.broadcast %reduce_or3A_74 : f32 to vector<4352xf32>
    %reduce_or3A_76 = arith.cmpf ogt, %reduce_or3A_73, %reduce_or3A_75 : vector<4352xf32>
    %broadcast_in_dim3A = vector.shape_cast %reduce_or3A_76 : vector<4352xi1> to vector<1x4352xi1>
    %transpose3A = tpu.transpose %add3A_62, [1, 0] : vector<4352x4xf32> -> vector<4x4352xf32>
    %jit3A = arith.constant 0.000000e+00 : f32
    %broadcast_in_dim3A_77 = vector.shape_cast %broadcast_in_dim3A : vector<1x4352xi1> to vector<1x4352xi1>
    %broadcast_in_dim3A_78 = vector.broadcast %broadcast_in_dim3A_77 : vector<1x4352xi1> to vector<4x4352xi1>
    %broadcast_in_dim3A_79 = vector.broadcast %jit3A : f32 to vector<4x4352xf32>
    %select_n3A_80 = arith.select %broadcast_in_dim3A_78, %transpose3A, %broadcast_in_dim3A_79 : vector<4x4352xi1>, vector<4x4352xf32>
    %swap3A = arith.constant 0 : index
    %swap3A_81 = arith.constant 0 : index
    %swap3A_82 = vector.load %arg12[%swap3A, %swap3A_81] : memref<4x4352xf32, #tpu.memory_space<vmem>>, vector<4x4352xf32>
    tpu.vector_store %arg12[%swap3A, %swap3A_81], %select_n3A_80 {strides = array<i32>} : memref<4x4352xf32, #tpu.memory_space<vmem>>, vector<4x4352xf32>,
    return
  }
  func.func @transform_0(%arg0: i32) -> (i32, i32) {
    %c0_i32 = arith.constant 0 : i32
    %c0_i32_0 = arith.constant 0 : i32
    return %c0_i32, %arg0 : i32, i32
  }
  func.func @transform_1(%arg0: i32) -> (i32, i32) {
    %c0_i32 = arith.constant 0 : i32
    %c0_i32_0 = arith.constant 0 : i32
    return %arg0, %c0_i32 : i32, i32
  }
  func.func @transform_2(%arg0: i32) -> (i32, i32, i32) {
    %c0_i32 = arith.constant 0 : i32
    %c0_i32_0 = arith.constant 0 : i32
    %c0_i32_1 = arith.constant 0 : i32
    return %c0_i32, %arg0, %c0_i32_0 : i32, i32, i32
  }
  func.func @transform_3(%arg0: i32) -> (i32, i32) {
    %c0_i32 = arith.constant 0 : i32
    %c0_i32_0 = arith.constant 0 : i32
    %c0_i32_1 = arith.constant 0 : i32
    return %c0_i32, %c0_i32_0 : i32, i32
  }
  func.func @transform_4(%arg0: i32) -> (i32, i32) {
    %c0_i32 = arith.constant 0 : i32
    %c0_i32_0 = arith.constant 0 : i32
    %c0_i32_1 = arith.constant 0 : i32
    return %c0_i32, %c0_i32_0 : i32, i32
  }
  func.func @transform_5(%arg0: i32) -> (i32, i32) {
    %c0_i32 = arith.constant 0 : i32
    %c0_i32_0 = arith.constant 0 : i32
    %c0_i32_1 = arith.constant 0 : i32
    return %c0_i32, %c0_i32_0 : i32, i32
  }
  func.func @transform_6(%arg0: i32) -> (i32, i32) {
    %c0_i32 = arith.constant 0 : i32
    %c0_i32_0 = arith.constant 0 : i32
    %c0_i32_1 = arith.constant 0 : i32
    return %c0_i32, %c0_i32_0 : i32, i32
  }
  func.func @transform_7(%arg0: i32) -> (i32, i32) {
    %c0_i32 = arith.constant 0 : i32
    %c0_i32_0 = arith.constant 0 : i32
    %c0_i32_1 = arith.constant 0 : i32
    return %c0_i32, %c0_i32_0 : i32, i32
  }
  func.func @transform_8(%arg0: i32) -> (i32, i32) {
    %c0_i32 = arith.constant 0 : i32
    %c0_i32_0 = arith.constant 0 : i32
    %c0_i32_1 = arith.constant 0 : i32
    return %c0_i32, %c0_i32_0 : i32, i32
  }
  func.func @transform_9(%arg0: i32) -> (i32, i32) {
    %c0_i32 = arith.constant 0 : i32
    %c0_i32_0 = arith.constant 0 : i32
    %c0_i32_1 = arith.constant 0 : i32
    return %c0_i32, %c0_i32_0 : i32, i32
  }
  func.func @transform_10(%arg0: i32) -> (i32, i32) {
    %c0_i32 = arith.constant 0 : i32
    %c0_i32_0 = arith.constant 0 : i32
    %c0_i32_1 = arith.constant 0 : i32
    return %c0_i32, %c0_i32_0 : i32, i32
  }
  func.func @transform_11(%arg0: i32) -> (i32, i32) {
    %c0_i32 = arith.constant 0 : i32
    %c0_i32_0 = arith.constant 0 : i32
    return %c0_i32, %arg0 : i32, i32
  }
}

</mosaic_0001>

<sc_bundles>
// kernel: kernel.12.cloned.1.call-start
scs
__scs_entry_jumppad:
0x0: {  	(pc) =	sbr.rel $0x88, $3  }
0x1: {  	(tag) =	ssettag $0x0;
	lr =	simm.s32 $0x1  }
0x2: {  	[smem:$0x3F88] =	sst lr;
	_ =	strace $0xD0000000  }
0x3: {  	_ = 	snop  }
0x4: {  	_ = 	snop  }
0x5: {  	_ = 	snop  }
0x6: {  	_ = 	snop  }
0x7: {  	_ = 	snop  }
__scs_overlays_trampoline_lowered:
0x8: {  	[smem:$0x3F97] =	sst s0  }
0x9: {  	[smem:$0x3F98] =	sst s1  }
0xa: {  	[smem:$0x3F99] =	sst s2  }
0xb: {  	[smem:$0x3F9A] =	sst s3  }
0xc: {  	[smem:$0x3F9B] =	sst s4  }
0xd: {  	[smem:$0x3F9C] =	sst s5  }
0xe: {  	[smem:$0x3F9D] =	sst s6  }
0xf: {  	[smem:$0x3F9E] =	sst s7  }
0x10: {  	[smem:$0x3F9F] =	sst s8  }
0x11: {  	[smem:$0x3FA0] =	sst s9;
	s0 =	simm.s32 @!p0 $0x0  }
0x12: {  	s1 =	sld [smem:$0x3F86];
	s0 =	simm.s32 @p0 $0x1  }
0x13: {  	[smem:$0x3FA1] =	sst s0;
	s0 =	simm.s32 @!p1 $0x0  }
0x14: {  	s2 =	sld [smem:$0x3F85];
	s0 =	simm.s32 @p1 $0x1  }
0x15: {  	[smem:$0x3FA2] =	sst s0;
	s0 =	simm.s32 @!p2 $0x0  }
0x16: {  	s3 =	sld [smem:$0x3FDB];
	s0 =	simm.s32 @p2 $0x1  }
0x17: {  	s4 =	simm.s32 $0x1BF5;
	[smem:$0x3FA4] =	sst s0  }
0x18: {  	s0 =	sld [smem:$0x3F87];
	_ =	swait.ge [sflag:s4], $0x0  }
0x19: {  	s7 =	sld [smem:$0x3F88]  }
0x1a: {  	s8 =	sadd.s32 $0xFFFFE003, lr  }
0x1b: {  	s9 =	sadd.s32 $0xFFFFFEF7, lr;
	s5 =	simm.s32 $0xFFFFFFFF;
	p2 =	slt.u32 s8, $0xFFFFF086  }
0x1c: {  	p1 =	slt.u32 s9, $0xF7A;
	s5 =	simm.s32 @!p2 $0x0  }
0x1d: {  	s5 =	simm.s32 @p1 $0x1;
	p0 =	seq.s32 s7, s2  }
0x1e: {  	s7 =	smul.u32 @!p0 $0xF7A, s2;
	p2 =	seq.s32 @!p0 s5, $0x0  }
0x1f: {  	s9 =	smul.u32 $0xF7A, s1;
	s8 =	simm.s32 @!p0 $0x1BF5;
	p2 =	por !p2, p0  }
0x20: {  	[sflag:s8] =	ssyncset.s32 @!p0 $0xFFFFF086;
	s6 =	sadd.s32 @!p0 s3, s7;
	s7 =	simm.s32 @!p0 $0x108  }
0x21: {  	s3 =	sadd.s32 s3, s9;
	s6 =	sadd.s32 @!p0 $0x88, s6;
	s7 =	simm.s32 @p2 $0x1082  }
0x22: {  	[simem:s7], [sflag:s8] =	dma.local @!p0 [hbm:s6], $0xF7A  }
0x23: {  	s9 =	sor.u32 $0xD0000000, s2;
	s6 =	simm.s32 $0x108;
	_ =	swait.ge @!p0 [sflag:s8], $0x0  }
0x24: {  	s3 =	sadd.s32 $0x88, s3;
	s6 =	simm.s32 @!p1 $0x1082;
	[sflag:s4] =	ssyncset.s32 $0xFFFFF086  }
0x25: {  	[simem:s6], [sflag:s4] =	dma.local [hbm:s3], $0xF7A  }
0x26: {  	[smem:$0x3F88] =	sst s1;
	(tag) =	ssettag s2;
	_ =	strace s9  }
0x27: {  	s1 =	sld [smem:$0x3F98]  }
0x28: {  	s2 =	sld [smem:$0x3F99]  }
0x29: {  	s4 =	sld [smem:$0x3F9B]  }
0x2a: {  	p0 =	seq.s32 s5, $0x0;
	s5 =	sld [smem:$0x3F9C]  }
0x2b: {  	s6 =	sld [smem:$0x3F9D]  }
0x2c: {  	s7 =	sld [smem:$0x3F9E]  }
0x2d: {  	s3 =	simm.s32 $0x108;
	s8 =	sld [smem:$0x3F9F]  }
0x2e: {  	s3 =	simm.s32 @!p0 $0x1082;
	s9 =	sld [smem:$0x3FA0]  }
0x2f: {  	lr =	sadd.s32 s0, s3;
	s0 =	sld [smem:$0x3F97]  }
0x30: {  	s3 =	sld [smem:$0x3F9A]  }
0x31: {  	[smem:$0x3FA3] =	sst s10  }
0x32: {  	s10 =	sld [smem:$0x3FA1];
	_ =	sdelay $0x3  }
0x33: {  	p0 =	seq.s32 s10, $0x1;
	s10 =	sld [smem:$0x3FA3];
	_ =	sdelay $0x3  }
0x34: {  	[smem:$0x3FA3] =	sst s10  }
0x35: {  	s10 =	sld [smem:$0x3FA2];
	_ =	sdelay $0x3  }
0x36: {  	p1 =	seq.s32 s10, $0x1;
	s10 =	sld [smem:$0x3FA3];
	_ =	sdelay $0x3  }
0x37: {  	[smem:$0x3FA3] =	sst s10  }
0x38: {  	s10 =	sld [smem:$0x3FA4]  }
0x39: {  	_ = 	snop;
	(pc) =	sbr.ind lr, $3  }
0x3a: {  	_ = 	snop  }
0x3b: {  	_ = 	snop  }
0x3c: {  	p2 =	seq.s32 s10, $0x1;
	s10 =	sld [smem:$0x3FA3]  }
0x3d: {  	_ =	shalt  }
0x3e: {  	_ =	shalt  }
0x3f: {  	_ =	shalt  }
0x40: {  	_ =	shalt  }
0x41: {  	_ =	shalt  }
0x42: {  	_ =	shalt  }
0x43: {  	_ =	shalt  }
0x44: {  	_ =	shalt  }
0x45: {  	_ =	shalt  }
0x46: {  	_ =	shalt  }
0x47: {  	_ =	shalt  }
0x48: {  	_ =	shalt  }
0x49: {  	_ =	shalt  }
0x4a: {  	_ =	shalt  }
0x4b: {  	_ =	shalt  }
0x4c: {  	_ =	shalt  }
0x4d: {  	_ =	shalt  }
0x4e: {  	_ =	shalt  }
0x4f: {  	_ =	shalt  }
0x50: {  	_ =	shalt  }
0x51: {  	_ =	shalt  }
0x52: {  	_ =	shalt  }
0x53: {  	_ =	shalt  }
0x54: {  	_ =	shalt  }
0x55: {  	_ =	shalt  }
0x56: {  	_ =	shalt  }
0x57: {  	_ =	shalt  }
0x58: {  	_ =	shalt  }
0x59: {  	_ =	shalt  }
0x5a: {  	_ =	shalt  }
0x5b: {  	_ =	shalt  }
0x5c: {  	_ =	shalt  }
0x5d: {  	_ =	shalt  }
0x5e: {  	_ =	shalt  }
0x5f: {  	_ =	shalt  }
0x60: {  	_ =	shalt  }
0x61: {  	_ =	shalt  }
0x62: {  	_ =	shalt  }
0x63: {  	_ =	shalt  }
0x64: {  	_ =	shalt  }
0x65: {  	_ =	shalt  }
0x66: {  	_ =	shalt  }
0x67: {  	_ =	shalt  }
0x68: {  	_ =	shalt  }
0x69: {  	_ =	shalt  }
0x6a: {  	_ =	shalt  }
0x6b: {  	_ =	shalt  }
0x6c: {  	_ =	shalt  }
0x6d: {  	_ =	shalt  }
0x6e: {  	_ =	shalt  }
0x6f: {  	_ =	shalt  }
0x70: {  	_ =	shalt  }
0x71: {  	_ =	shalt  }
0x72: {  	_ =	shalt  }
0x73: {  	_ =	shalt  }
0x74: {  	_ =	shalt  }
0x75: {  	_ =	shalt  }
0x76: {  	_ =	shalt  }
0x77: {  	_ =	shalt  }
0x78: {  	_ =	shalt  }
0x79: {  	_ =	shalt  }
0x7a: {  	_ =	shalt  }
0x7b: {  	_ =	shalt  }
0x7c: {  	_ =	shalt  }
0x7d: {  	_ =	shalt  }
0x7e: {  	_ =	shalt  }
0x7f: {  	_ =	shalt  }
0x80: {  	_ =	shalt  }
0x81: {  	_ =	shalt  }
0x82: {  	_ =	shalt  }
0x83: {  	_ =	shalt  }
0x84: {  	_ =	shalt  }
0x85: {  	_ =	shalt  }
0x86: {  	_ =	shalt  }
0x87: {  	_ =	shalt  }
.Lfunc_end0:
.L_simem_size_0:
called_computation.1_lowered:
.L_overlay_start_0:
0x88: {  	s2 =	sld [smem:$0x3FD9]  }
0x89: {  	s3 =	sld [smem:$0x3FFE];
	_ =	sdelay $0x1  }
0x8a: {  	s1 =	srdreg.scid  }
0x8b: {  	s0 =	sand.u32 $0x1, s1  }
0x8c: {  	s16 =	sshll.u32 s0, $0xA;
	s2 =	sadd.s32 s3, s2  }
0x8d: {  	s2 =	sadd.s32 s2, s16  }
0x8e: {  	[smem:$0x3FAF] =	sst s2  }
0x8f: {  	_ = 	snop  }
0x90: {  	(tm) =	ssettm $0x1  }
0x91: {  	s17 =	sld [smem:$0x3FFB];
	_ =	sdelay $0x3  }
0x92: {  	_ =	strace s17  }
0x93: {  	s2 =	sld [smem:$0x3FFC];
	_ =	sdelay $0x3  }
0x94: {  	_ =	strace s2  }
0x95: {  	s2 =	sld [smem:$0x3FFD];
	_ =	sdelay $0x3  }
0x96: {  	_ =	strace s2  }
0x97: {  	_ =	strace $0x8FFFFFFF  }
0x98: {  	s18 =	sld [smem:$0x3FDB];
	_ =	sdelay $0x1  }
0x99: {  	s19 =	simm.s32 $_scs_section_size  }
0x9a: {  	s4 =	simm.s32 $_size__tile_overlayer_lowered;
	s5 =	simm.s32 $_tile_overlayer_lowered  }
0x9b: {  	s22 =	simm.s32 $0x1BFF;
	s21 =	sshll.u32 s5, $0x1;
	s2 =	sadd.s32 s19, s18  }
0x9c: {  	s6 =	simm.s32 $0x0;
	s20 =	sshll.u32 s4, $0x1;
	s4 =	sadd.s32 s21, s2  }
0x9d: {  	[timem:s6], [sflag:s22] =	dma.local [hbm:s4], s20  }
0x9e: {  	_ =	swait.ge [sflag:s22], s20  }
0x9f: {  	s3 =	ssub.s32 $0x0, s20;
	[sflag:s22] =	ssyncset.done $0x0  }
0xa0: {  	[sflag:s22] =	ssyncadd.s32 s3;
	_ =	sdelay $0x1  }
0xa1: {  	s23 =	simm.s32 $0x1B8B  }
0xa2: {  	_ =	swait.ge [sflag:s23], $0x1  }
0xa3: {  	[sflag:s23] =	ssyncset.done $0x0  }
0xa4: {  	s25 =	simm.s32 $0x1B8E;
	s24 =	sld [smem:$0x3FFE];
	[sflag:s23] =	ssyncadd.s32 $0xFFFFFFFF  }
0xa5: {  	s26 =	simm.s32 $execute0_lowered;
	[smem:$0x3FD2] =	sst s25  }
0xa6: {  	s4 =	sshll.u32 s26, $0x1;
	_ =	strace $0x80000049;
	[dreg:$0x1] =	wrdreg $0xFFFFFFFF  }
0xa7: {  	s28 =	simm.s32 $_size_execute0_lowered;
	s2 =	sadd.s32 s2, s4;
	[dreg:$0x0] =	wrdreg $0x0  }
0xa8: {  	s4 =	sshll.u32 s28, $0x1;
	[dreg:$0x2] =	wrdreg s2  }
0xa9: {  	[dreg:$0x3] =	wrdreg s4  }
0xaa: {  	[dreg:$0x4] =	wrdreg $0xC0  }
0xab: {  	_ =	task [dreg:s6], $0x5FFFF  }
0xac: {  	[dreg:$0x1] =	wrdreg $0xFFFFFFFF  }
0xad: {  	[dreg:$0x0] =	wrdreg $0x60  }
0xae: {  	[dreg:$0x2] =	wrdreg s24  }
0xaf: {  	[dreg:$0x3] =	wrdreg $0x9  }
0xb0: {  	_ =	task.clear_ibuf [dreg:s6], $0x4FFFF;
	_ =	strace $0x90000049  }
0xb1: {  	s29 =	simm.s32 $0x9;
	_ =	strace $0x8000004B  }
0xb2: {  	_ =	swait.ge [sflag:s29], $0x1  }
0xb3: {  	[sflag:s29] =	ssyncadd.s32 $0xFFFFFFFF  }
0xb4: {  	_ =	strace $0x9000004B  }
0xb5: {  	_ =	sfence  }
0xb6: {  	s30 =	sld [smem:$0x0];
	_ =	sdelay $0x2  }
0xb7: {  	s31 =	sshll.u32 s1, $0xD;
	s1 =	sshrl.u32 s1, $0x2  }
0xb8: {  	s3 =	sand.u32 $0x4000, s31;
	s1 =	sadd.s32 s1, s30  }
0xb9: {  	s0 =	sor.u32 s3, s0;
	s1 =	sshll.u32 s1, $0x11  }
0xba: {  	s0 =	sor.u32 s1, s0  }
0xbb: {  	s0 =	sadd.s32 $0x8F2B, s0  }
0xbc: {  	[sflag:s0] =	ssyncadd.remote.s32 $0x1  }
0xbd: {  	_ =	sfence.sel $0xFFFF  }
0xbe: {  	[dreg:$0x0] =	wrdreg $0xFFFFFFFF;
	(pc) =	sbr.abs _section_cstart, $3  }
0xbf: {  	[dreg:$0x1] =	wrdreg $0xFFFFFFFF  }
0xc0: {  	_ =	task.clear_ibuf [dreg:s6], $0x2FFFF;
	_ =	strace $0x9FFFFFFF  }
0xc1: {  	(tm) =	ssettm $0x7FFFFFFF  }
tec
execute0_lowered:
.L_overlay_start_1:
0x0: {  	(tag) =	ssettag $0x1  }
0x1: {  	s4 =	rddreg [dreg:$0x0]  }
0x2: {  	s1 =	srdreg.scid;
	s0 =	rddreg [dreg:$0x1]  }
0x3: {  	s2 =	simm.s32 $0x0;
	s10 =	simm.s32 $0x1400;
	s11 =	simm.s32 $0x100  }
0x4: {  	s12 =	simm.s32 $0x2400;
	s13 =	simm.s32 $0x180;
	s14 =	simm.s32 $0x3400  }
0x5: {  	s15 =	simm.s32 $0x200;
	s16 =	simm.s32 $0x4400;
	s17 =	simm.s32 $0x280  }
0x6: {  	s18 =	simm.s32 $0x5400;
	s19 =	simm.s32 $0x300;
	s20 =	simm.s32 $0x6400  }
0x7: {  	s21 =	simm.s32 $0x380;
	s22 =	simm.s32 $0x7400;
	s5 =	sand.u32 $0x1, s1  }
0x8: {  	s23 =	simm.s32 $0x1;
	s1 =	stileid.u32;
	s6 =	smul.u32 $0x188000, s5  }
0x9: {  	s24 =	simm.s32 $0x0;
	[smem:$0x7FF] =	sst s2;
	s7 =	smul.u32 $0x18800, s1  }
0xa: {  	s3 =	sadd.s32 $0x38E00, s4;
	s8 =	smul.u32 $0x620000, s5;
	s5 =	ssub.s32 $0x2, s5  }
0xb: {  	_ =	strace $0x8000004A;
	s29 =	smul.u32 $0x62000, s1;
	s9 =	sshrl.u32 s5, $0x1  }
0xc: {  	s6 =	sadd.s32 s7, s6;
	s8 =	sadd.s32 s8, s4;
	s30 =	ssub.s32 s5, s9  }
0xd: {  	s7 =	simm.s32 $0x2;
	s9 =	simm.s32 $0x400;
	s6 =	sshrl.u32 s6, $0x3  }
0xe: {  	s31 =	sadd.s32 s29, s8;
	s8 =	simm.s32 $0x80;
	s6 =	sadd.s32 s6, s4  }
0xf: {  	s4 =	smax.u32 s30, $0x1;
	s5 =	sadd.s32 $0x517400, s31;
	s6 =	sadd.s32 $0x19DE400, s6  }
.LBB2_1:
0x10: {  	s25 =	sadd.s32 $0x0, s6  }
0x11: {  	[tilespmem:s2], [sflag:$0x2] =	stream.linear.gather [hbm4b:s25+s2], $0x400, $0x38;
	[tilespmem:$0x8400] =	vst v63  }
0x12: {  	_ =	swait.ge [sflag:s7], $0x400  }
0x13: {  	[sflag:s7] =	ssyncset.done $0x0  }
0x14: {  	[sflag:s7] =	ssyncadd.s32 $0xFFFFFC00  }
0x15: {  	[tilespmem:s9], [sflag:$0x1] =	stream.indirect.gather [hbm4b:s3+s8], $0x20, s2, s8, $0xb8;
	[tilespmem:$0x8400] =	vst v63  }
0x16: {  	_ = 	snop  }
0x17: {  	[tilespmem:s10], [sflag:$0x1] =	stream.indirect.gather [hbm4b:s3+s8], $0x20, s8, s8, $0xb8;
	[tilespmem:$0x8400] =	vst v63  }
0x18: {  	_ = 	snop  }
0x19: {  	[tilespmem:s12], [sflag:$0x1] =	stream.indirect.gather [hbm4b:s3+s8], $0x20, s11, s8, $0xb8;
	[tilespmem:$0x8400] =	vst v63  }
0x1a: {  	_ = 	snop  }
0x1b: {  	[tilespmem:s14], [sflag:$0x1] =	stream.indirect.gather [hbm4b:s3+s8], $0x20, s13, s8, $0xb8;
	[tilespmem:$0x8400] =	vst v63  }
0x1c: {  	_ = 	snop  }
0x1d: {  	[tilespmem:s16], [sflag:$0x1] =	stream.indirect.gather [hbm4b:s3+s8], $0x20, s15, s8, $0xb8;
	[tilespmem:$0x8400] =	vst v63  }
0x1e: {  	_ = 	snop  }
0x1f: {  	[tilespmem:s18], [sflag:$0x1] =	stream.indirect.gather [hbm4b:s3+s8], $0x20, s17, s8, $0xb8;
	[tilespmem:$0x8400] =	vst v63  }
0x20: {  	_ = 	snop  }
0x21: {  	[tilespmem:s20], [sflag:$0x1] =	stream.indirect.gather [hbm4b:s3+s8], $0x20, s19, s8, $0xb8;
	[tilespmem:$0x8400] =	vst v63  }
0x22: {  	_ = 	snop  }
0x23: {  	[tilespmem:s22], [sflag:$0x1] =	stream.indirect.gather [hbm4b:s3+s8], $0x20, s21, s8, $0xb8;
	[tilespmem:$0x8400] =	vst v63  }
0x24: {  	_ =	swait.ge [sflag:s23], $0x1000  }
0x25: {  	[sflag:s23] =	ssyncset.done $0x0  }
0x26: {  	[sflag:s23] =	ssyncadd.s32 $0xFFFFF000  }
0x27: {  	_ =	swait.ge [sflag:s23], $0x1000  }
0x28: {  	[sflag:s23] =	ssyncset.done $0x0  }
0x29: {  	[sflag:s23] =	ssyncadd.s32 $0xFFFFF000  }
0x2a: {  	_ =	swait.ge [sflag:s23], $0x1000  }
0x2b: {  	[sflag:s23] =	ssyncset.done $0x0  }
0x2c: {  	[sflag:s23] =	ssyncadd.s32 $0xFFFFF000  }
0x2d: {  	_ =	swait.ge [sflag:s23], $0x1000  }
0x2e: {  	[sflag:s23] =	ssyncset.done $0x0  }
0x2f: {  	[sflag:s23] =	ssyncadd.s32 $0xFFFFF000  }
0x30: {  	_ =	swait.ge [sflag:s23], $0x1000  }
0x31: {  	[sflag:s23] =	ssyncset.done $0x0  }
0x32: {  	[sflag:s23] =	ssyncadd.s32 $0xFFFFF000  }
0x33: {  	_ =	swait.ge [sflag:s23], $0x1000  }
0x34: {  	[sflag:s23] =	ssyncset.done $0x0  }
0x35: {  	[sflag:s23] =	ssyncadd.s32 $0xFFFFF000  }
0x36: {  	_ =	swait.ge [sflag:s23], $0x1000  }
0x37: {  	[sflag:s23] =	ssyncset.done $0x0  }
0x38: {  	[sflag:s23] =	ssyncadd.s32 $0xFFFFF000  }
0x39: {  	_ =	swait.ge [sflag:s23], $0x1000  }
0x3a: {  	[sflag:s23] =	ssyncset.done $0x0  }
0x3b: {  	[sflag:s23] =	ssyncadd.s32 $0xFFFFF000  }
0x3c: {  	[hbm4b:s5+s2] =	stream.linear.scatter [tilespmem:s9], [sflag:$0x2], $0x8000, $0x38;
	[tilespmem:$0x8400] =	vst v63  }
0x3d: {  	s26 =	simm.s32 $0x80;
	_ =	swait.ge [sflag:s7], $0x8000  }
0x3e: {  	s29 =	simm.s32 $0x100;
	s25 =	sadd.s32 $0x1000, s5;
	[sflag:s7] =	ssyncset.done $0x0  }
.LBB2_2:
0x3f: {  	s30 =	sadd.s32 s26, s6  }
0x40: {  	[sflag:s7] =	ssyncadd.s32 $0xFFFF8000;
	s26 =	smov.u32 s29;
	s28 =	sadd.s32 $0x80, s29  }
0x41: {  	[tilespmem:s2], [sflag:$0x2] =	stream.linear.gather [hbm4b:s30+s2], $0x400, $0x38;
	[tilespmem:$0x8400] =	vst v63  }
0x42: {  	p0 =	sne.s32 s29, $0x3080;
	_ =	swait.ge [sflag:s7], $0x400  }
0x43: {  	[sflag:s7] =	ssyncset.done $0x0  }
0x44: {  	[sflag:s7] =	ssyncadd.s32 $0xFFFFFC00  }
0x45: {  	[tilespmem:s9], [sflag:$0x1] =	stream.indirect.gather [hbm4b:s3+s8], $0x20, s2, s8, $0xb8;
	[tilespmem:$0x8400] =	vst v63  }
0x46: {  	_ = 	snop  }
0x47: {  	[tilespmem:s10], [sflag:$0x1] =	stream.indirect.gather [hbm4b:s3+s8], $0x20, s8, s8, $0xb8;
	[tilespmem:$0x8400] =	vst v63  }
0x48: {  	_ = 	snop  }
0x49: {  	[tilespmem:s12], [sflag:$0x1] =	stream.indirect.gather [hbm4b:s3+s8], $0x20, s11, s8, $0xb8;
	[tilespmem:$0x8400] =	vst v63  }
0x4a: {  	_ = 	snop  }
0x4b: {  	[tilespmem:s14], [sflag:$0x1] =	stream.indirect.gather [hbm4b:s3+s8], $0x20, s13, s8, $0xb8;
	[tilespmem:$0x8400] =	vst v63  }
0x4c: {  	_ = 	snop  }
0x4d: {  	[tilespmem:s16], [sflag:$0x1] =	stream.indirect.gather [hbm4b:s3+s8], $0x20, s15, s8, $0xb8;
	[tilespmem:$0x8400] =	vst v63  }
0x4e: {  	_ = 	snop  }
0x4f: {  	[tilespmem:s18], [sflag:$0x1] =	stream.indirect.gather [hbm4b:s3+s8], $0x20, s17, s8, $0xb8;
	[tilespmem:$0x8400] =	vst v63  }
0x50: {  	_ = 	snop  }
0x51: {  	[tilespmem:s20], [sflag:$0x1] =	stream.indirect.gather [hbm4b:s3+s8], $0x20, s19, s8, $0xb8;
	[tilespmem:$0x8400] =	vst v63  }
0x52: {  	_ = 	snop  }
0x53: {  	[tilespmem:s22], [sflag:$0x1] =	stream.indirect.gather [hbm4b:s3+s8], $0x20, s21, s8, $0xb8;
	[tilespmem:$0x8400] =	vst v63  }
0x54: {  	_ =	swait.ge [sflag:s23], $0x1000  }
0x55: {  	[sflag:s23] =	ssyncset.done $0x0  }
0x56: {  	[sflag:s23] =	ssyncadd.s32 $0xFFFFF000  }
0x57: {  	_ =	swait.ge [sflag:s23], $0x1000  }
0x58: {  	[sflag:s23] =	ssyncset.done $0x0  }
0x59: {  	[sflag:s23] =	ssyncadd.s32 $0xFFFFF000  }
0x5a: {  	_ =	swait.ge [sflag:s23], $0x1000  }
0x5b: {  	[sflag:s23] =	ssyncset.done $0x0  }
0x5c: {  	[sflag:s23] =	ssyncadd.s32 $0xFFFFF000  }
0x5d: {  	_ =	swait.ge [sflag:s23], $0x1000  }
0x5e: {  	[sflag:s23] =	ssyncset.done $0x0  }
0x5f: {  	[sflag:s23] =	ssyncadd.s32 $0xFFFFF000  }
0x60: {  	_ =	swait.ge [sflag:s23], $0x1000  }
0x61: {  	[sflag:s23] =	ssyncset.done $0x0  }
0x62: {  	[sflag:s23] =	ssyncadd.s32 $0xFFFFF000  }
0x63: {  	_ =	swait.ge [sflag:s23], $0x1000  }
0x64: {  	[sflag:s23] =	ssyncset.done $0x0  }
0x65: {  	[sflag:s23] =	ssyncadd.s32 $0xFFFFF000  }
0x66: {  	_ =	swait.ge [sflag:s23], $0x1000  }
0x67: {  	[sflag:s23] =	ssyncset.done $0x0  }
0x68: {  	[sflag:s23] =	ssyncadd.s32 $0xFFFFF000  }
0x69: {  	_ =	swait.ge [sflag:s23], $0x1000  }
.Ltmp0:
0x6a: {  	[sflag:s23] =	ssyncset.done $0x0;
	(pc) =	sbr.rel @p0 .LBB2_2-.Ltmp0, $4  }
0x6b: {  	[sflag:s23] =	ssyncadd.s32 $0xFFFFF000  }
0x6c: {  	[hbm4b:s25+s2] =	stream.linear.scatter [tilespmem:s9], [sflag:$0x2], $0x8000, $0x38;
	[tilespmem:$0x8400] =	vst v63  }
0x6d: {  	_ =	swait.ge [sflag:s7], $0x8000  }
0x6e: {  	s29 =	smov.u32 s28;
	s25 =	sadd.s32 $0x1000, s25;
	[sflag:s7] =	ssyncset.done $0x0  }
0x6f: {  	s26 =	sadd.s32 s26, s6;
	[sflag:s7] =	ssyncadd.s32 $0xFFFF8000  }
0x70: {  	[tilespmem:s2], [sflag:$0x2] =	stream.linear.gather [hbm4b:s26+s2], $0x400, $0x38;
	[tilespmem:$0x8400] =	vst v63  }
0x71: {  	_ =	swait.ge [sflag:s7], $0x400  }
0x72: {  	[sflag:s7] =	ssyncset.done $0x0  }
0x73: {  	[sflag:s7] =	ssyncadd.s32 $0xFFFFFC00  }
0x74: {  	[tilespmem:s9], [sflag:$0x1] =	stream.indirect.gather [hbm4b:s3+s8], $0x20, s2, s8, $0xb8;
	[tilespmem:$0x8400] =	vst v63  }
0x75: {  	_ = 	snop  }
0x76: {  	[tilespmem:s10], [sflag:$0x1] =	stream.indirect.gather [hbm4b:s3+s8], $0x20, s8, s8, $0xb8;
	[tilespmem:$0x8400] =	vst v63  }
0x77: {  	_ = 	snop  }
0x78: {  	[tilespmem:s12], [sflag:$0x1] =	stream.indirect.gather [hbm4b:s3+s8], $0x20, s11, s8, $0xb8;
	[tilespmem:$0x8400] =	vst v63  }
0x79: {  	_ = 	snop  }
0x7a: {  	[tilespmem:s14], [sflag:$0x1] =	stream.indirect.gather [hbm4b:s3+s8], $0x20, s13, s8, $0xb8;
	[tilespmem:$0x8400] =	vst v63  }
0x7b: {  	_ = 	snop  }
0x7c: {  	[tilespmem:s16], [sflag:$0x1] =	stream.indirect.gather [hbm4b:s3+s8], $0x20, s15, s8, $0xb8;
	[tilespmem:$0x8400] =	vst v63  }
0x7d: {  	_ = 	snop  }
0x7e: {  	[tilespmem:s18], [sflag:$0x1] =	stream.indirect.gather [hbm4b:s3+s8], $0x20, s17, s8, $0xb8;
	[tilespmem:$0x8400] =	vst v63  }
0x7f: {  	_ = 	snop  }
0x80: {  	[tilespmem:s20], [sflag:$0x1] =	stream.indirect.gather [hbm4b:s3+s8], $0x20, s19, s8, $0xb8;
	[tilespmem:$0x8400] =	vst v63  }
0x81: {  	_ = 	snop  }
0x82: {  	[tilespmem:s22], [sflag:$0x1] =	stream.indirect.gather [hbm4b:s3+s8], $0x20, s21, s8, $0xb8;
	[tilespmem:$0x8400] =	vst v63  }
0x83: {  	_ =	swait.ge [sflag:s23], $0x1000  }
0x84: {  	[sflag:s23] =	ssyncset.done $0x0  }
0x85: {  	[sflag:s23] =	ssyncadd.s32 $0xFFFFF000  }
0x86: {  	_ =	swait.ge [sflag:s23], $0x1000  }
0x87: {  	[sflag:s23] =	ssyncset.done $0x0  }
0x88: {  	[sflag:s23] =	ssyncadd.s32 $0xFFFFF000  }
0x89: {  	_ =	swait.ge [sflag:s23], $0x1000  }
0x8a: {  	[sflag:s23] =	ssyncset.done $0x0  }
0x8b: {  	[sflag:s23] =	ssyncadd.s32 $0xFFFFF000  }
0x8c: {  	_ =	swait.ge [sflag:s23], $0x1000  }
0x8d: {  	[sflag:s23] =	ssyncset.done $0x0  }
0x8e: {  	[sflag:s23] =	ssyncadd.s32 $0xFFFFF000  }
0x8f: {  	_ =	swait.ge [sflag:s23], $0x1000  }
0x90: {  	[sflag:s23] =	ssyncset.done $0x0  }
0x91: {  	[sflag:s23] =	ssyncadd.s32 $0xFFFFF000  }
0x92: {  	_ =	swait.ge [sflag:s23], $0x1000  }
0x93: {  	[sflag:s23] =	ssyncset.done $0x0  }
0x94: {  	[sflag:s23] =	ssyncadd.s32 $0xFFFFF000  }
0x95: {  	_ =	swait.ge [sflag:s23], $0x1000  }
0x96: {  	[sflag:s23] =	ssyncset.done $0x0  }
0x97: {  	[sflag:s23] =	ssyncadd.s32 $0xFFFFF000  }
0x98: {  	s24 =	sadd.s32 $0x1, s24;
	_ =	swait.ge [sflag:s23], $0x1000  }
0x99: {  	p0 =	sne.s32 s24, s4;
	[sflag:s23] =	ssyncset.done $0x0  }
.Ltmp1:
0x9a: {  	[sflag:s23] =	ssyncadd.s32 $0xFFFFF000;
	(pc) =	sbr.rel @p0 .LBB2_1-.Ltmp1, $4  }
0x9b: {  	[hbm4b:s25+s2] =	stream.linear.scatter [tilespmem:s9], [sflag:$0x2], $0x8000, $0x38;
	[tilespmem:$0x8400] =	vst v63  }
0x9c: {  	_ =	swait.ge [sflag:s7], $0x8000  }
0x9d: {  	[sflag:s7] =	ssyncset.done $0x0  }
0x9e: {  	[sflag:s7] =	ssyncadd.s32 $0xFFFF8000  }
0x9f: {  	_ =	sfence.sel $0x180000  }
0xa0: {  	[bflag:$0x0] =	sbarrier.arrive $0xFFFF  }
0xa1: {  	p0 =	sne.s32 s1, $0x0;
	_ =	strace $0x9000004A  }
0xa2: {  	s0 =	sadd.s32 @!p0 $0x100000, s0;
	[bflag:$0x2] =	sbarrier.arrive $0xFFFF  }
0xa3: {  	[sflag:s0] =	ssyncadd.tile.s32 @!p0 $0x1;
	_ =	shalt  }
.Lfunc_end2:
_tile_overlayer_lowered:
.L_overlay_start_2:
0xa4: {  	(tag) =	ssettag $0x2  }
0xa5: {  	s0 =	rddreg [dreg:$0x0];
	s2 =	stileid.u32  }
0xa6: {  	s1 =	rddreg [dreg:$0x1];
	p0 =	sne.s32 s2, $0x0  }
0xa7: {  	s3 =	rddreg [dreg:$0x2];
	[bflag:$0x3] =	sbarrier.arrive $0xFFFF;
	s2 =	simm.s32 @!p0 $0x1C02  }
0xa8: {  	[timem:s3], [sflag:s2] =	dma.local @!p0 [hbm:s0], s1  }
0xa9: {  	s0 =	simm.s32 @!p0 $0x2  }
0xaa: {  	_ =	swait.ge @!p0 [sflag:s0], s1  }
0xab: {  	s1 =	ssub.s32 @!p0 $0x0, s1;
	[sflag:s0] =	ssyncset.done @!p0 $0x0  }
0xac: {  	[sflag:s0] =	ssyncadd.s32 @!p0 s1  }
0xad: {  	[bflag:$0x3] =	sbarrier.arrive $0xFFFF  }
0xae: {  	_ =	shalt  }

// kernel: kernel.15.cloned.1.call-start
scs
__scs_entry_jumppad:
0x0: {  	(pc) =	sbr.rel $0x88, $3  }
0x1: {  	(tag) =	ssettag $0x0;
	lr =	simm.s32 $0x1  }
0x2: {  	[smem:$0x3F88] =	sst lr;
	_ =	strace $0xD0000000  }
0x3: {  	_ = 	snop  }
0x4: {  	_ = 	snop  }
0x5: {  	_ = 	snop  }
0x6: {  	_ = 	snop  }
0x7: {  	_ = 	snop  }
__scs_overlays_trampoline_lowered:
0x8: {  	[smem:$0x3F97] =	sst s0  }
0x9: {  	[smem:$0x3F98] =	sst s1  }
0xa: {  	[smem:$0x3F99] =	sst s2  }
0xb: {  	[smem:$0x3F9A] =	sst s3  }
0xc: {  	[smem:$0x3F9B] =	sst s4  }
0xd: {  	[smem:$0x3F9C] =	sst s5  }
0xe: {  	[smem:$0x3F9D] =	sst s6  }
0xf: {  	[smem:$0x3F9E] =	sst s7  }
0x10: {  	[smem:$0x3F9F] =	sst s8  }
0x11: {  	[smem:$0x3FA0] =	sst s9;
	s0 =	simm.s32 @!p0 $0x0  }
0x12: {  	s1 =	sld [smem:$0x3F86];
	s0 =	simm.s32 @p0 $0x1  }
0x13: {  	[smem:$0x3FA1] =	sst s0;
	s0 =	simm.s32 @!p1 $0x0  }
0x14: {  	s2 =	sld [smem:$0x3F85];
	s0 =	simm.s32 @p1 $0x1  }
0x15: {  	[smem:$0x3FA2] =	sst s0;
	s0 =	simm.s32 @!p2 $0x0  }
0x16: {  	s3 =	sld [smem:$0x3FDB];
	s0 =	simm.s32 @p2 $0x1  }
0x17: {  	s4 =	simm.s32 $0x1BF5;
	[smem:$0x3FA4] =	sst s0  }
0x18: {  	s0 =	sld [smem:$0x3F87];
	_ =	swait.ge [sflag:s4], $0x0  }
0x19: {  	s7 =	sld [smem:$0x3F88]  }
0x1a: {  	s8 =	sadd.s32 $0xFFFFE003, lr  }
0x1b: {  	s9 =	sadd.s32 $0xFFFFFEF7, lr;
	s5 =	simm.s32 $0xFFFFFFFF;
	p2 =	slt.u32 s8, $0xFFFFF086  }
0x1c: {  	p1 =	slt.u32 s9, $0xF7A;
	s5 =	simm.s32 @!p2 $0x0  }
0x1d: {  	s5 =	simm.s32 @p1 $0x1;
	p0 =	seq.s32 s7, s2  }
0x1e: {  	s7 =	smul.u32 @!p0 $0xF7A, s2;
	p2 =	seq.s32 @!p0 s5, $0x0  }
0x1f: {  	s9 =	smul.u32 $0xF7A, s1;
	s8 =	simm.s32 @!p0 $0x1BF5;
	p2 =	por !p2, p0  }
0x20: {  	[sflag:s8] =	ssyncset.s32 @!p0 $0xFFFFF086;
	s6 =	sadd.s32 @!p0 s3, s7;
	s7 =	simm.s32 @!p0 $0x108  }
0x21: {  	s3 =	sadd.s32 s3, s9;
	s6 =	sadd.s32 @!p0 $0x88, s6;
	s7 =	simm.s32 @p2 $0x1082  }
0x22: {  	[simem:s7], [sflag:s8] =	dma.local @!p0 [hbm:s6], $0xF7A  }
0x23: {  	s9 =	sor.u32 $0xD0000000, s2;
	s6 =	simm.s32 $0x108;
	_ =	swait.ge @!p0 [sflag:s8], $0x0  }
0x24: {  	s3 =	sadd.s32 $0x88, s3;
	s6 =	simm.s32 @!p1 $0x1082;
	[sflag:s4] =	ssyncset.s32 $0xFFFFF086  }
0x25: {  	[simem:s6], [sflag:s4] =	dma.local [hbm:s3], $0xF7A  }
0x26: {  	[smem:$0x3F88] =	sst s1;
	(tag) =	ssettag s2;
	_ =	strace s9  }
0x27: {  	s1 =	sld [smem:$0x3F98]  }
0x28: {  	s2 =	sld [smem:$0x3F99]  }
0x29: {  	s4 =	sld [smem:$0x3F9B]  }
0x2a: {  	p0 =	seq.s32 s5, $0x0;
	s5 =	sld [smem:$0x3F9C]  }
0x2b: {  	s6 =	sld [smem:$0x3F9D]  }
0x2c: {  	s7 =	sld [smem:$0x3F9E]  }
0x2d: {  	s3 =	simm.s32 $0x108;
	s8 =	sld [smem:$0x3F9F]  }
0x2e: {  	s3 =	simm.s32 @!p0 $0x1082;
	s9 =	sld [smem:$0x3FA0]  }
0x2f: {  	lr =	sadd.s32 s0, s3;
	s0 =	sld [smem:$0x3F97]  }
0x30: {  	s3 =	sld [smem:$0x3F9A]  }
0x31: {  	[smem:$0x3FA3] =	sst s10  }
0x32: {  	s10 =	sld [smem:$0x3FA1];
	_ =	sdelay $0x3  }
0x33: {  	p0 =	seq.s32 s10, $0x1;
	s10 =	sld [smem:$0x3FA3];
	_ =	sdelay $0x3  }
0x34: {  	[smem:$0x3FA3] =	sst s10  }
0x35: {  	s10 =	sld [smem:$0x3FA2];
	_ =	sdelay $0x3  }
0x36: {  	p1 =	seq.s32 s10, $0x1;
	s10 =	sld [smem:$0x3FA3];
	_ =	sdelay $0x3  }
0x37: {  	[smem:$0x3FA3] =	sst s10  }
0x38: {  	s10 =	sld [smem:$0x3FA4]  }
0x39: {  	_ = 	snop;
	(pc) =	sbr.ind lr, $3  }
0x3a: {  	_ = 	snop  }
0x3b: {  	_ = 	snop  }
0x3c: {  	p2 =	seq.s32 s10, $0x1;
	s10 =	sld [smem:$0x3FA3]  }
0x3d: {  	_ =	shalt  }
0x3e: {  	_ =	shalt  }
0x3f: {  	_ =	shalt  }
0x40: {  	_ =	shalt  }
0x41: {  	_ =	shalt  }
0x42: {  	_ =	shalt  }
0x43: {  	_ =	shalt  }
0x44: {  	_ =	shalt  }
0x45: {  	_ =	shalt  }
0x46: {  	_ =	shalt  }
0x47: {  	_ =	shalt  }
0x48: {  	_ =	shalt  }
0x49: {  	_ =	shalt  }
0x4a: {  	_ =	shalt  }
0x4b: {  	_ =	shalt  }
0x4c: {  	_ =	shalt  }
0x4d: {  	_ =	shalt  }
0x4e: {  	_ =	shalt  }
0x4f: {  	_ =	shalt  }
0x50: {  	_ =	shalt  }
0x51: {  	_ =	shalt  }
0x52: {  	_ =	shalt  }
0x53: {  	_ =	shalt  }
0x54: {  	_ =	shalt  }
0x55: {  	_ =	shalt  }
0x56: {  	_ =	shalt  }
0x57: {  	_ =	shalt  }
0x58: {  	_ =	shalt  }
0x59: {  	_ =	shalt  }
0x5a: {  	_ =	shalt  }
0x5b: {  	_ =	shalt  }
0x5c: {  	_ =	shalt  }
0x5d: {  	_ =	shalt  }
0x5e: {  	_ =	shalt  }
0x5f: {  	_ =	shalt  }
0x60: {  	_ =	shalt  }
0x61: {  	_ =	shalt  }
0x62: {  	_ =	shalt  }
0x63: {  	_ =	shalt  }
0x64: {  	_ =	shalt  }
0x65: {  	_ =	shalt  }
0x66: {  	_ =	shalt  }
0x67: {  	_ =	shalt  }
0x68: {  	_ =	shalt  }
0x69: {  	_ =	shalt  }
0x6a: {  	_ =	shalt  }
0x6b: {  	_ =	shalt  }
0x6c: {  	_ =	shalt  }
0x6d: {  	_ =	shalt  }
0x6e: {  	_ =	shalt  }
0x6f: {  	_ =	shalt  }
0x70: {  	_ =	shalt  }
0x71: {  	_ =	shalt  }
0x72: {  	_ =	shalt  }
0x73: {  	_ =	shalt  }
0x74: {  	_ =	shalt  }
0x75: {  	_ =	shalt  }
0x76: {  	_ =	shalt  }
0x77: {  	_ =	shalt  }
0x78: {  	_ =	shalt  }
0x79: {  	_ =	shalt  }
0x7a: {  	_ =	shalt  }
0x7b: {  	_ =	shalt  }
0x7c: {  	_ =	shalt  }
0x7d: {  	_ =	shalt  }
0x7e: {  	_ =	shalt  }
0x7f: {  	_ =	shalt  }
0x80: {  	_ =	shalt  }
0x81: {  	_ =	shalt  }
0x82: {  	_ =	shalt  }
0x83: {  	_ =	shalt  }
0x84: {  	_ =	shalt  }
0x85: {  	_ =	shalt  }
0x86: {  	_ =	shalt  }
0x87: {  	_ =	shalt  }
.Lfunc_end0:
.L_simem_size_0:
called_computation.2_lowered:
.L_overlay_start_0:
0x88: {  	s2 =	sld [smem:$0x3FD9]  }
0x89: {  	s3 =	sld [smem:$0x3FFE];
	_ =	sdelay $0x1  }
0x8a: {  	s1 =	srdreg.scid  }
0x8b: {  	s0 =	sand.u32 $0x1, s1  }
0x8c: {  	s16 =	sshll.u32 s0, $0xA;
	s2 =	sadd.s32 s3, s2  }
0x8d: {  	s2 =	sadd.s32 s2, s16  }
0x8e: {  	[smem:$0x3FAF] =	sst s2  }
0x8f: {  	_ = 	snop  }
0x90: {  	(tm) =	ssettm $0x1  }
0x91: {  	s17 =	sld [smem:$0x3FFB];
	_ =	sdelay $0x3  }
0x92: {  	_ =	strace s17  }
0x93: {  	s2 =	sld [smem:$0x3FFC];
	_ =	sdelay $0x3  }
0x94: {  	_ =	strace s2  }
0x95: {  	s2 =	sld [smem:$0x3FFD];
	_ =	sdelay $0x3  }
0x96: {  	_ =	strace s2  }
0x97: {  	_ =	strace $0x8FFFFFFF  }
0x98: {  	s18 =	sld [smem:$0x3FDB];
	_ =	sdelay $0x1  }
0x99: {  	s19 =	simm.s32 $_scs_section_size  }
0x9a: {  	s4 =	simm.s32 $_size__tile_overlayer_lowered;
	s5 =	simm.s32 $_tile_overlayer_lowered  }
0x9b: {  	s22 =	simm.s32 $0x1BFF;
	s21 =	sshll.u32 s5, $0x1;
	s2 =	sadd.s32 s19, s18  }
0x9c: {  	s6 =	simm.s32 $0x0;
	s20 =	sshll.u32 s4, $0x1;
	s4 =	sadd.s32 s21, s2  }
0x9d: {  	[timem:s6], [sflag:s22] =	dma.local [hbm:s4], s20  }
0x9e: {  	_ =	swait.ge [sflag:s22], s20  }
0x9f: {  	s3 =	ssub.s32 $0x0, s20;
	[sflag:s22] =	ssyncset.done $0x0  }
0xa0: {  	[sflag:s22] =	ssyncadd.s32 s3;
	_ =	sdelay $0x1  }
0xa1: {  	s23 =	simm.s32 $0x1B8B  }
0xa2: {  	_ =	swait.ge [sflag:s23], $0x1  }
0xa3: {  	[sflag:s23] =	ssyncset.done $0x0  }
0xa4: {  	s25 =	simm.s32 $0x1B8E;
	s24 =	sld [smem:$0x3FFE];
	[sflag:s23] =	ssyncadd.s32 $0xFFFFFFFF  }
0xa5: {  	s26 =	simm.s32 $execute0_lowered;
	[smem:$0x3FD2] =	sst s25  }
0xa6: {  	s4 =	sshll.u32 s26, $0x1;
	_ =	strace $0x8000004C;
	[dreg:$0x1] =	wrdreg $0xFFFFFFFF  }
0xa7: {  	s28 =	simm.s32 $_size_execute0_lowered;
	s2 =	sadd.s32 s2, s4;
	[dreg:$0x0] =	wrdreg $0x0  }
0xa8: {  	s4 =	sshll.u32 s28, $0x1;
	[dreg:$0x2] =	wrdreg s2  }
0xa9: {  	[dreg:$0x3] =	wrdreg s4  }
0xaa: {  	[dreg:$0x4] =	wrdreg $0xC0  }
0xab: {  	_ =	task [dreg:s6], $0x5FFFF  }
0xac: {  	[dreg:$0x1] =	wrdreg $0xFFFFFFFF  }
0xad: {  	[dreg:$0x0] =	wrdreg $0x60  }
0xae: {  	[dreg:$0x2] =	wrdreg s24  }
0xaf: {  	[dreg:$0x3] =	wrdreg $0x44000  }
0xb0: {  	[dreg:$0x4] =	wrdreg $0x9  }
0xb1: {  	_ =	task.clear_ibuf [dreg:s6], $0x5FFFF;
	_ =	strace $0x9000004C  }
0xb2: {  	s29 =	simm.s32 $0x9;
	_ =	strace $0x8000004E  }
0xb3: {  	_ =	swait.ge [sflag:s29], $0x1  }
0xb4: {  	[sflag:s29] =	ssyncadd.s32 $0xFFFFFFFF  }
0xb5: {  	_ =	strace $0x9000004E  }
0xb6: {  	_ =	sfence  }
0xb7: {  	s30 =	sld [smem:$0x0];
	_ =	sdelay $0x2  }
0xb8: {  	s31 =	sshll.u32 s1, $0xD;
	s1 =	sshrl.u32 s1, $0x2  }
0xb9: {  	s3 =	sand.u32 $0x4000, s31;
	s1 =	sadd.s32 s1, s30  }
0xba: {  	s0 =	sor.u32 s3, s0;
	s1 =	sshll.u32 s1, $0x11  }
0xbb: {  	s0 =	sor.u32 s1, s0  }
0xbc: {  	s0 =	sadd.s32 $0x8F2B, s0  }
0xbd: {  	[sflag:s0] =	ssyncadd.remote.s32 $0x1  }
0xbe: {  	_ =	sfence.sel $0xFFFF  }
0xbf: {  	[dreg:$0x0] =	wrdreg $0xFFFFFFFF;
	(pc) =	sbr.abs _section_cstart, $3  }
0xc0: {  	[dreg:$0x1] =	wrdreg $0xFFFFFFFF  }
0xc1: {  	_ =	task.clear_ibuf [dreg:s6], $0x2FFFF;
	_ =	strace $0x9FFFFFFF  }
0xc2: {  	(tm) =	ssettm $0x7FFFFFFF  }
0xc3: {  	_ =	shalt  }
tec
execute0_lowered:
.L_overlay_start_1:
0x0: {  	(tag) =	ssettag $0x1  }
0x1: {  	s0 =	rddreg [dreg:$0x0]  }
0x2: {  	s2 =	rddreg [dreg:$0x1]  }
0x3: {  	s8 =	stileid.u32;
	s5 =	srdreg.scid  }
0x4: {  	s3 =	simm.s32 $0x0;
	s15 =	simm.s32 $0x400;
	s1 =	smul.u32 $0x62000, s8  }
0x5: {  	s16 =	simm.s32 $0x1;
	s28 =	simm.s32 $0x280;
	s4 =	smul.u32 $0x3100, s8  }
0x6: {  	s29 =	simm.s32 $0x2C00;
	s30 =	simm.s32 $0x300;
	s6 =	smul.u32 $0x18700, s8  }
0x7: {  	s5 =	sand.u32 $0x1, s5;
	[smem:$0x7FF] =	sst s3;
	s8 =	smul.u32 $0x61C00, s8  }
0x8: {  	s31 =	simm.s32 $0x3400;
	s7 =	smul.u32 $0x187000, s5;
	_ =	strace $0x8000004D  }
0x9: {  	s18 =	ssub.s32 $0x2, s5;
	s5 =	sshll.u32 s5, $0x1;
	s1 =	sadd.s32 s1, s0  }
0xa: {  	s9 =	sadd.s32 s4, s0;
	s8 =	sshrl.u32 s8, $0x2;
	s19 =	sshrl.u32 s18, $0x1  }
0xb: {  	s17 =	sadd.s32 s6, s7;
	s8 =	sadd.s32 s8, s2;
	s7 =	ssub.s32 s18, s19  }
0xc: {  	s26 =	sadd.s32 s5, s1;
	s14 =	sadd.s32 $0x7E00, s9;
	s18 =	simm.s32 $0x20  }
0xd: {  	s19 =	simm.s32 $0x80;
	s1 =	simm.s32 $0x3C00;
	s5 =	simm.s32 $0x0  }
0xe: {  	s4 =	sshrl.u32 s17, $0x3;
	s20 =	sadd.s32 $0x4000, s8;
	s21 =	sadd.s32 $0x8000, s8  }
0xf: {  	s22 =	sadd.s32 $0xC000, s8;
	s23 =	sadd.s32 $0x10000, s8;
	[dreg:$0x3] =	wrdreg s20  }
0x10: {  	s24 =	sadd.s32 $0x14000, s8;
	s25 =	sadd.s32 $0x18000, s8;
	[dreg:$0x4] =	wrdreg s21  }
0x11: {  	s12 =	smax.u32 s7, $0x1;
	s13 =	sadd.s32 $0x1995600, s26;
	[dreg:$0x5] =	wrdreg s22  }
0x12: {  	s17 =	simm.s32 $0x10;
	s26 =	simm.s32 $0x2400;
	[dreg:$0x6] =	wrdreg s23  }
0x13: {  	s0 =	sadd.s32 s4, s0;
	s4 =	sadd.s32 s6, s2;
	[dreg:$0x7] =	wrdreg s24  }
0x14: {  	[dreg:$0x8] =	wrdreg s25;
	s20 =	simm.s32 $0xC00;
	s21 =	simm.s32 $0x100  }
0x15: {  	s22 =	simm.s32 $0x1400;
	s23 =	simm.s32 $0x180;
	s24 =	simm.s32 $0x1C00  }
0x16: {  	v0 =	vimm.f32 $0.0e+00;
	s25 =	simm.s32 $0x200;
	s11 =	sadd.s32 $0x38E00, s0;
	s0 =	simm.s32 $0x380  }
.LBB2_1:
0x17: {  	s6 =	simm.s32 $0x40;
	s7 =	simm.s32 $0x0  }
.LBB2_2:
0x18: {  	p0 =	sne.s32 s6, $0xFFC0;
	[tilespmem:s7+$0x400] =	vst v0;
	s7 =	smov.u32 s6;
	s6 =	sadd.s32 $0x40, s6  }
.Ltmp0:
0x19: {  	(pc) =	sbr.rel @p0 .LBB2_2-.Ltmp0, $2  }
0x1a: {  	_ =	sdelay $0x2  }
0x1b: {  	s7 =	sshra.s32 s7, $0x2  }
0x1c: {  	[tilespmem:s7+$0x400] =	vst v0  }
0x1d: {  	[spmem:s4] =	stream.linear.scatter [tilespmem:s15], [sflag:$0x1], $0x4000, $0x38;
	[tilespmem:$0x1CB00] =	vst v63  }
0x1e: {  	_ =	swait.ge [sflag:s16], $0x4000  }
0x1f: {  	[sflag:s16] =	ssyncset.done $0x0  }
0x20: {  	s6 =	rddreg [dreg:$0x3];
	[sflag:s16] =	ssyncadd.s32 $0xFFFFC000  }
0x21: {  	[spmem:s6] =	stream.linear.scatter [tilespmem:s15], [sflag:$0x1], $0x4000, $0x38;
	[tilespmem:$0x1CB00] =	vst v63  }
0x22: {  	_ =	swait.ge [sflag:s16], $0x4000  }
0x23: {  	[sflag:s16] =	ssyncset.done $0x0  }
0x24: {  	s9 =	rddreg [dreg:$0x4];
	[sflag:s16] =	ssyncadd.s32 $0xFFFFC000  }
0x25: {  	[spmem:s9] =	stream.linear.scatter [tilespmem:s15], [sflag:$0x1], $0x4000, $0x38;
	[tilespmem:$0x1CB00] =	vst v63  }
0x26: {  	_ =	swait.ge [sflag:s16], $0x4000  }
0x27: {  	[sflag:s16] =	ssyncset.done $0x0  }
0x28: {  	s10 =	rddreg [dreg:$0x5];
	[sflag:s16] =	ssyncadd.s32 $0xFFFFC000  }
0x29: {  	[spmem:s10] =	stream.linear.scatter [tilespmem:s15], [sflag:$0x1], $0x4000, $0x38;
	[tilespmem:$0x1CB00] =	vst v63  }
0x2a: {  	_ =	swait.ge [sflag:s16], $0x4000  }
0x2b: {  	[sflag:s16] =	ssyncset.done $0x0  }
0x2c: {  	s7 =	rddreg [dreg:$0x6];
	[sflag:s16] =	ssyncadd.s32 $0xFFFFC000  }
0x2d: {  	[spmem:s7] =	stream.linear.scatter [tilespmem:s15], [sflag:$0x1], $0x4000, $0x38;
	[tilespmem:$0x1CB00] =	vst v63  }
0x2e: {  	_ =	swait.ge [sflag:s16], $0x4000  }
0x2f: {  	[sflag:s16] =	ssyncset.done $0x0  }
0x30: {  	s8 =	rddreg [dreg:$0x7];
	[sflag:s16] =	ssyncadd.s32 $0xFFFFC000  }
0x31: {  	[spmem:s8] =	stream.linear.scatter [tilespmem:s15], [sflag:$0x1], $0x4000, $0x38;
	[tilespmem:$0x1CB00] =	vst v63  }
0x32: {  	_ =	swait.ge [sflag:s16], $0x4000  }
0x33: {  	[sflag:s16] =	ssyncset.done $0x0  }
0x34: {  	s9 =	rddreg [dreg:$0x8];
	[sflag:s16] =	ssyncadd.s32 $0xFFFFC000  }
0x35: {  	[spmem:s9] =	stream.linear.scatter [tilespmem:s15], [sflag:$0x1], $0x700, $0x38;
	[tilespmem:$0x1CB00] =	vst v63  }
0x36: {  	_ =	swait.ge [sflag:s16], $0x700  }
0x37: {  	[sflag:s16] =	ssyncset.done $0x0  }
0x38: {  	[sflag:s16] =	ssyncadd.s32 $0xFFFFF900  }
0x39: {  	s10 =	sadd.s32 $0x0, s14;
	[bflag:$0x0] =	sbarrier.arrive $0xFFFF  }
0x3a: {  	[tilespmem:s3], [sflag:$0x1] =	stream.linear.gather [hbm4b:s10+s3], $0x400, $0x38;
	[tilespmem:$0x1CB00] =	vst v63  }
0x3b: {  	_ =	swait.ge [sflag:s16], $0x400  }
0x3c: {  	[sflag:s16] =	ssyncset.done $0x0  }
0x3d: {  	[sflag:s16] =	ssyncadd.s32 $0xFFFFFC00  }
0x3e: {  	[tilespmem:s15], [sflag:$0x1] =	stream.strided.gather [hbm4b:s13+s17], $0x4000, s18, s17, $0x38;
	[tilespmem:$0x1CB00] =	vst v63  }
0x3f: {  	_ =	swait.ge [sflag:s16], $0x4000  }
0x40: {  	[sflag:s16] =	ssyncset.done $0x0  }
0x41: {  	[sflag:s16] =	ssyncadd.s32 $0xFFFFC000  }
0x42: {  	[spmem:s2] =	stream.indirect.scatter.add.f32 [tilespmem:s15], [sflag:$0x1], $0x10, s3, s19, $0xb8;
	[tilespmem:$0x1CB00] =	vst v63  }
0x43: {  	_ =	swait.ge [sflag:s16], $0x800  }
0x44: {  	[sflag:s16] =	ssyncset.done $0x0  }
0x45: {  	[sflag:s16] =	ssyncadd.s32 $0xFFFFF800  }
0x46: {  	[spmem:s2] =	stream.indirect.scatter.add.f32 [tilespmem:s20], [sflag:$0x1], $0x10, s19, s19, $0xb8;
	[tilespmem:$0x1CB00] =	vst v63  }
0x47: {  	_ =	swait.ge [sflag:s16], $0x800  }
0x48: {  	[sflag:s16] =	ssyncset.done $0x0  }
0x49: {  	[sflag:s16] =	ssyncadd.s32 $0xFFFFF800  }
0x4a: {  	[spmem:s2] =	stream.indirect.scatter.add.f32 [tilespmem:s22], [sflag:$0x1], $0x10, s21, s19, $0xb8;
	[tilespmem:$0x1CB00] =	vst v63  }
0x4b: {  	_ =	swait.ge [sflag:s16], $0x800  }
0x4c: {  	[sflag:s16] =	ssyncset.done $0x0  }
0x4d: {  	[sflag:s16] =	ssyncadd.s32 $0xFFFFF800  }
0x4e: {  	[spmem:s2] =	stream.indirect.scatter.add.f32 [tilespmem:s24], [sflag:$0x1], $0x10, s23, s19, $0xb8;
	[tilespmem:$0x1CB00] =	vst v63  }
0x4f: {  	_ =	swait.ge [sflag:s16], $0x800  }
0x50: {  	[sflag:s16] =	ssyncset.done $0x0  }
0x51: {  	[sflag:s16] =	ssyncadd.s32 $0xFFFFF800  }
0x52: {  	[spmem:s2] =	stream.indirect.scatter.add.f32 [tilespmem:s26], [sflag:$0x1], $0x10, s25, s19, $0xb8;
	[tilespmem:$0x1CB00] =	vst v63  }
0x53: {  	_ =	swait.ge [sflag:s16], $0x800  }
0x54: {  	[sflag:s16] =	ssyncset.done $0x0  }
0x55: {  	[sflag:s16] =	ssyncadd.s32 $0xFFFFF800  }
0x56: {  	[spmem:s2] =	stream.indirect.scatter.add.f32 [tilespmem:s29], [sflag:$0x1], $0x10, s28, s19, $0xb8;
	[tilespmem:$0x1CB00] =	vst v63  }
0x57: {  	_ =	swait.ge [sflag:s16], $0x800  }
0x58: {  	[sflag:s16] =	ssyncset.done $0x0  }
0x59: {  	[sflag:s16] =	ssyncadd.s32 $0xFFFFF800  }
0x5a: {  	[spmem:s2] =	stream.indirect.scatter.add.f32 [tilespmem:s31], [sflag:$0x1], $0x10, s30, s19, $0xb8;
	[tilespmem:$0x1CB00] =	vst v63  }
0x5b: {  	_ =	swait.ge [sflag:s16], $0x800  }
0x5c: {  	[sflag:s16] =	ssyncset.done $0x0  }
0x5d: {  	[sflag:s16] =	ssyncadd.s32 $0xFFFFF800  }
0x5e: {  	[spmem:s2] =	stream.indirect.scatter.add.f32 [tilespmem:s1], [sflag:$0x1], $0x10, s0, s19, $0xb8;
	[tilespmem:$0x1CB00] =	vst v63  }
0x5f: {  	s6 =	sadd.s32 $0x1000, s13;
	_ =	swait.ge [sflag:s16], $0x800  }
0x60: {  	s7 =	simm.s32 $0x80;
	s8 =	simm.s32 $0x100;
	[sflag:s16] =	ssyncset.done $0x0  }
.LBB2_4:
0x61: {  	s10 =	sadd.s32 s7, s14  }
0x62: {  	[sflag:s16] =	ssyncadd.s32 $0xFFFFF800;
	s7 =	smov.u32 s8;
	s9 =	sadd.s32 $0x80, s8  }
0x63: {  	[tilespmem:s3], [sflag:$0x1] =	stream.linear.gather [hbm4b:s10+s3], $0x400, $0x38;
	[tilespmem:$0x1CB00] =	vst v63  }
0x64: {  	p0 =	sne.s32 s8, $0x3080;
	_ =	swait.ge [sflag:s16], $0x400  }
0x65: {  	[sflag:s16] =	ssyncset.done $0x0  }
0x66: {  	[sflag:s16] =	ssyncadd.s32 $0xFFFFFC00  }
0x67: {  	[tilespmem:s15], [sflag:$0x1] =	stream.strided.gather [hbm4b:s6+s17], $0x4000, s18, s17, $0x38;
	[tilespmem:$0x1CB00] =	vst v63  }
0x68: {  	_ =	swait.ge [sflag:s16], $0x4000  }
0x69: {  	[sflag:s16] =	ssyncset.done $0x0  }
0x6a: {  	[sflag:s16] =	ssyncadd.s32 $0xFFFFC000  }
0x6b: {  	[spmem:s2] =	stream.indirect.scatter.add.f32 [tilespmem:s15], [sflag:$0x1], $0x10, s3, s19, $0xb8;
	[tilespmem:$0x1CB00] =	vst v63  }
0x6c: {  	_ =	swait.ge [sflag:s16], $0x800  }
0x6d: {  	[sflag:s16] =	ssyncset.done $0x0  }
0x6e: {  	[sflag:s16] =	ssyncadd.s32 $0xFFFFF800  }
0x6f: {  	[spmem:s2] =	stream.indirect.scatter.add.f32 [tilespmem:s20], [sflag:$0x1], $0x10, s19, s19, $0xb8;
	[tilespmem:$0x1CB00] =	vst v63  }
0x70: {  	_ =	swait.ge [sflag:s16], $0x800  }
0x71: {  	[sflag:s16] =	ssyncset.done $0x0  }
0x72: {  	[sflag:s16] =	ssyncadd.s32 $0xFFFFF800  }
0x73: {  	[spmem:s2] =	stream.indirect.scatter.add.f32 [tilespmem:s22], [sflag:$0x1], $0x10, s21, s19, $0xb8;
	[tilespmem:$0x1CB00] =	vst v63  }
0x74: {  	_ =	swait.ge [sflag:s16], $0x800  }
0x75: {  	[sflag:s16] =	ssyncset.done $0x0  }
0x76: {  	[sflag:s16] =	ssyncadd.s32 $0xFFFFF800  }
0x77: {  	[spmem:s2] =	stream.indirect.scatter.add.f32 [tilespmem:s24], [sflag:$0x1], $0x10, s23, s19, $0xb8;
	[tilespmem:$0x1CB00] =	vst v63  }
0x78: {  	_ =	swait.ge [sflag:s16], $0x800  }
0x79: {  	[sflag:s16] =	ssyncset.done $0x0  }
0x7a: {  	[sflag:s16] =	ssyncadd.s32 $0xFFFFF800  }
0x7b: {  	[spmem:s2] =	stream.indirect.scatter.add.f32 [tilespmem:s26], [sflag:$0x1], $0x10, s25, s19, $0xb8;
	[tilespmem:$0x1CB00] =	vst v63  }
0x7c: {  	_ =	swait.ge [sflag:s16], $0x800  }
0x7d: {  	[sflag:s16] =	ssyncset.done $0x0  }
0x7e: {  	[sflag:s16] =	ssyncadd.s32 $0xFFFFF800  }
0x7f: {  	[spmem:s2] =	stream.indirect.scatter.add.f32 [tilespmem:s29], [sflag:$0x1], $0x10, s28, s19, $0xb8;
	[tilespmem:$0x1CB00] =	vst v63  }
0x80: {  	_ =	swait.ge [sflag:s16], $0x800  }
0x81: {  	[sflag:s16] =	ssyncset.done $0x0  }
0x82: {  	[sflag:s16] =	ssyncadd.s32 $0xFFFFF800  }
0x83: {  	[spmem:s2] =	stream.indirect.scatter.add.f32 [tilespmem:s31], [sflag:$0x1], $0x10, s30, s19, $0xb8;
	[tilespmem:$0x1CB00] =	vst v63  }
0x84: {  	_ =	swait.ge [sflag:s16], $0x800  }
.Ltmp1:
0x85: {  	[sflag:s16] =	ssyncset.done $0x0;
	(pc) =	sbr.rel @p0 .LBB2_4-.Ltmp1, $4  }
0x86: {  	[sflag:s16] =	ssyncadd.s32 $0xFFFFF800  }
0x87: {  	[spmem:s2] =	stream.indirect.scatter.add.f32 [tilespmem:s1], [sflag:$0x1], $0x10, s0, s19, $0xb8;
	[tilespmem:$0x1CB00] =	vst v63  }
0x88: {  	_ =	swait.ge [sflag:s16], $0x800  }
0x89: {  	s8 =	smov.u32 s9;
	s6 =	sadd.s32 $0x1000, s6;
	[sflag:s16] =	ssyncset.done $0x0  }
0x8a: {  	s7 =	sadd.s32 s7, s14;
	[sflag:s16] =	ssyncadd.s32 $0xFFFFF800  }
0x8b: {  	[tilespmem:s3], [sflag:$0x1] =	stream.linear.gather [hbm4b:s7+s3], $0x400, $0x38;
	[tilespmem:$0x1CB00] =	vst v63  }
0x8c: {  	_ =	swait.ge [sflag:s16], $0x400  }
0x8d: {  	[sflag:s16] =	ssyncset.done $0x0  }
0x8e: {  	[sflag:s16] =	ssyncadd.s32 $0xFFFFFC00  }
0x8f: {  	[tilespmem:s15], [sflag:$0x1] =	stream.strided.gather [hbm4b:s6+s17], $0x4000, s18, s17, $0x38;
	[tilespmem:$0x1CB00] =	vst v63  }
0x90: {  	_ =	swait.ge [sflag:s16], $0x4000  }
0x91: {  	[sflag:s16] =	ssyncset.done $0x0  }
0x92: {  	[sflag:s16] =	ssyncadd.s32 $0xFFFFC000  }
0x93: {  	[spmem:s2] =	stream.indirect.scatter.add.f32 [tilespmem:s15], [sflag:$0x1], $0x10, s3, s19, $0xb8;
	[tilespmem:$0x1CB00] =	vst v63  }
0x94: {  	_ =	swait.ge [sflag:s16], $0x800  }
0x95: {  	[sflag:s16] =	ssyncset.done $0x0  }
0x96: {  	[sflag:s16] =	ssyncadd.s32 $0xFFFFF800  }
0x97: {  	[spmem:s2] =	stream.indirect.scatter.add.f32 [tilespmem:s20], [sflag:$0x1], $0x10, s19, s19, $0xb8;
	[tilespmem:$0x1CB00] =	vst v63  }
0x98: {  	_ =	swait.ge [sflag:s16], $0x800  }
0x99: {  	[sflag:s16] =	ssyncset.done $0x0  }
0x9a: {  	[sflag:s16] =	ssyncadd.s32 $0xFFFFF800  }
0x9b: {  	[spmem:s2] =	stream.indirect.scatter.add.f32 [tilespmem:s22], [sflag:$0x1], $0x10, s21, s19, $0xb8;
	[tilespmem:$0x1CB00] =	vst v63  }
0x9c: {  	_ =	swait.ge [sflag:s16], $0x800  }
0x9d: {  	[sflag:s16] =	ssyncset.done $0x0  }
0x9e: {  	[sflag:s16] =	ssyncadd.s32 $0xFFFFF800  }
0x9f: {  	[spmem:s2] =	stream.indirect.scatter.add.f32 [tilespmem:s24], [sflag:$0x1], $0x10, s23, s19, $0xb8;
	[tilespmem:$0x1CB00] =	vst v63  }
0xa0: {  	_ =	swait.ge [sflag:s16], $0x800  }
0xa1: {  	[sflag:s16] =	ssyncset.done $0x0  }
0xa2: {  	[sflag:s16] =	ssyncadd.s32 $0xFFFFF800  }
0xa3: {  	[spmem:s2] =	stream.indirect.scatter.add.f32 [tilespmem:s26], [sflag:$0x1], $0x10, s25, s19, $0xb8;
	[tilespmem:$0x1CB00] =	vst v63  }
0xa4: {  	_ =	swait.ge [sflag:s16], $0x800  }
0xa5: {  	[sflag:s16] =	ssyncset.done $0x0  }
0xa6: {  	[sflag:s16] =	ssyncadd.s32 $0xFFFFF800  }
0xa7: {  	[spmem:s2] =	stream.indirect.scatter.add.f32 [tilespmem:s29], [sflag:$0x1], $0x10, s28, s19, $0xb8;
	[tilespmem:$0x1CB00] =	vst v63  }
0xa8: {  	_ =	swait.ge [sflag:s16], $0x800  }
0xa9: {  	[sflag:s16] =	ssyncset.done $0x0  }
0xaa: {  	[sflag:s16] =	ssyncadd.s32 $0xFFFFF800  }
0xab: {  	[spmem:s2] =	stream.indirect.scatter.add.f32 [tilespmem:s31], [sflag:$0x1], $0x10, s30, s19, $0xb8;
	[tilespmem:$0x1CB00] =	vst v63  }
0xac: {  	_ =	swait.ge [sflag:s16], $0x800  }
0xad: {  	[sflag:s16] =	ssyncset.done $0x0  }
0xae: {  	[sflag:s16] =	ssyncadd.s32 $0xFFFFF800  }
0xaf: {  	[spmem:s2] =	stream.indirect.scatter.add.f32 [tilespmem:s1], [sflag:$0x1], $0x10, s0, s19, $0xb8;
	[tilespmem:$0x1CB00] =	vst v63  }
0xb0: {  	s9 =	stileid.u32;
	_ =	swait.ge [sflag:s16], $0x800  }
0xb1: {  	s10 =	sshrl.u32 s4, $0x3;
	s5 =	sadd.s32 $0x1, s5;
	[sflag:s16] =	ssyncset.done $0x0  }
0xb2: {  	p0 =	sne.s32 s5, s12;
	s6 =	sshll.u32 s9, $0x6;
	[sflag:s16] =	ssyncadd.s32 $0xFFFFF800  }
.Ltmp2:
0xb3: {  	s6 =	sor.u32 $0x1C01, s6;
	[bflag:$0x0] =	sbarrier.arrive $0xFFFF;
	(pc) =	sbr.rel @p0 .LBB2_1-.Ltmp2, $4  }
0xb4: {  	[hbm:s11], [sflag:s6] =	dma.local [spmem:s10], $0x30E0  }
0xb5: {  	_ =	swait.ge [sflag:s16], $0x30E0  }
0xb6: {  	[sflag:s16] =	ssyncset.done $0x0  }
0xb7: {  	[sflag:s16] =	ssyncadd.s32 $0xFFFFCF20  }
0xb8: {  	_ =	sfence.sel $0x180000  }
0xb9: {  	[bflag:$0x0] =	sbarrier.arrive $0xFFFF  }
0xba: {  	_ =	strace $0x9000004D  }
0xbb: {  	s0 =	stileid.u32;
	[bflag:$0x2] =	sbarrier.arrive $0xFFFF  }
0xbc: {  	p0 =	sne.s32 s0, $0x0;
	s0 =	rddreg [dreg:$0x2]  }
0xbd: {  	s0 =	sadd.s32 @!p0 $0x100000, s0  }
0xbe: {  	[sflag:s0] =	ssyncadd.tile.s32 @!p0 $0x1;
	_ =	shalt  }
.Lfunc_end2:
_tile_overlayer_lowered:
.L_overlay_start_2:
0xbf: {  	(tag) =	ssettag $0x2  }
0xc0: {  	s0 =	rddreg [dreg:$0x0];
	s2 =	stileid.u32  }
0xc1: {  	s1 =	rddreg [dreg:$0x1];
	p0 =	sne.s32 s2, $0x0  }
0xc2: {  	s3 =	rddreg [dreg:$0x2];
	[bflag:$0x3] =	sbarrier.arrive $0xFFFF;
	s2 =	simm.s32 @!p0 $0x1C01  }
0xc3: {  	[timem:s3], [sflag:s2] =	dma.local @!p0 [hbm:s0], s1  }
0xc4: {  	s0 =	simm.s32 @!p0 $0x1  }
0xc5: {  	_ =	swait.ge @!p0 [sflag:s0], s1  }
0xc6: {  	s1 =	ssub.s32 @!p0 $0x0, s1;
	[sflag:s0] =	ssyncset.done @!p0 $0x0  }
0xc7: {  	[sflag:s0] =	ssyncadd.s32 @!p0 s1  }
0xc8: {  	[bflag:$0x3] =	sbarrier.arrive $0xFFFF  }
0xc9: {  	_ =	shalt  }

// kernel: kernel.9.cloned.1.call-start
scs
__scs_entry_jumppad:
0x0: {  	(pc) =	sbr.rel $0x88, $3  }
0x1: {  	(tag) =	ssettag $0x0;
	lr =	simm.s32 $0x1  }
0x2: {  	[smem:$0x3F88] =	sst lr;
	_ =	strace $0xD0000000  }
0x3: {  	_ = 	snop  }
0x4: {  	_ = 	snop  }
0x5: {  	_ = 	snop  }
0x6: {  	_ = 	snop  }
0x7: {  	_ = 	snop  }
__scs_overlays_trampoline_lowered:
0x8: {  	[smem:$0x3F97] =	sst s0  }
0x9: {  	[smem:$0x3F98] =	sst s1  }
0xa: {  	[smem:$0x3F99] =	sst s2  }
0xb: {  	[smem:$0x3F9A] =	sst s3  }
0xc: {  	[smem:$0x3F9B] =	sst s4  }
0xd: {  	[smem:$0x3F9C] =	sst s5  }
0xe: {  	[smem:$0x3F9D] =	sst s6  }
0xf: {  	[smem:$0x3F9E] =	sst s7  }
0x10: {  	[smem:$0x3F9F] =	sst s8  }
0x11: {  	[smem:$0x3FA0] =	sst s9;
	s0 =	simm.s32 @!p0 $0x0  }
0x12: {  	s1 =	sld [smem:$0x3F86];
	s0 =	simm.s32 @p0 $0x1  }
0x13: {  	[smem:$0x3FA1] =	sst s0;
	s0 =	simm.s32 @!p1 $0x0  }
0x14: {  	s2 =	sld [smem:$0x3F85];
	s0 =	simm.s32 @p1 $0x1  }
0x15: {  	[smem:$0x3FA2] =	sst s0;
	s0 =	simm.s32 @!p2 $0x0  }
0x16: {  	s3 =	sld [smem:$0x3FDB];
	s0 =	simm.s32 @p2 $0x1  }
0x17: {  	s4 =	simm.s32 $0x1BF5;
	[smem:$0x3FA4] =	sst s0  }
0x18: {  	s0 =	sld [smem:$0x3F87];
	_ =	swait.ge [sflag:s4], $0x0  }
0x19: {  	s7 =	sld [smem:$0x3F88]  }
0x1a: {  	s8 =	sadd.s32 $0xFFFFE003, lr  }
0x1b: {  	s9 =	sadd.s32 $0xFFFFFEF7, lr;
	s5 =	simm.s32 $0xFFFFFFFF;
	p2 =	slt.u32 s8, $0xFFFFF086  }
0x1c: {  	p1 =	slt.u32 s9, $0xF7A;
	s5 =	simm.s32 @!p2 $0x0  }
0x1d: {  	s5 =	simm.s32 @p1 $0x1;
	p0 =	seq.s32 s7, s2  }
0x1e: {  	s7 =	smul.u32 @!p0 $0xF7A, s2;
	p2 =	seq.s32 @!p0 s5, $0x0  }
0x1f: {  	s9 =	smul.u32 $0xF7A, s1;
	s8 =	simm.s32 @!p0 $0x1BF5;
	p2 =	por !p2, p0  }
0x20: {  	[sflag:s8] =	ssyncset.s32 @!p0 $0xFFFFF086;
	s6 =	sadd.s32 @!p0 s3, s7;
	s7 =	simm.s32 @!p0 $0x108  }
0x21: {  	s3 =	sadd.s32 s3, s9;
	s6 =	sadd.s32 @!p0 $0x88, s6;
	s7 =	simm.s32 @p2 $0x1082  }
0x22: {  	[simem:s7], [sflag:s8] =	dma.local @!p0 [hbm:s6], $0xF7A  }
0x23: {  	s9 =	sor.u32 $0xD0000000, s2;
	s6 =	simm.s32 $0x108;
	_ =	swait.ge @!p0 [sflag:s8], $0x0  }
0x24: {  	s3 =	sadd.s32 $0x88, s3;
	s6 =	simm.s32 @!p1 $0x1082;
	[sflag:s4] =	ssyncset.s32 $0xFFFFF086  }
0x25: {  	[simem:s6], [sflag:s4] =	dma.local [hbm:s3], $0xF7A  }
0x26: {  	[smem:$0x3F88] =	sst s1;
	(tag) =	ssettag s2;
	_ =	strace s9  }
0x27: {  	s1 =	sld [smem:$0x3F98]  }
0x28: {  	s2 =	sld [smem:$0x3F99]  }
0x29: {  	s4 =	sld [smem:$0x3F9B]  }
0x2a: {  	p0 =	seq.s32 s5, $0x0;
	s5 =	sld [smem:$0x3F9C]  }
0x2b: {  	s6 =	sld [smem:$0x3F9D]  }
0x2c: {  	s7 =	sld [smem:$0x3F9E]  }
0x2d: {  	s3 =	simm.s32 $0x108;
	s8 =	sld [smem:$0x3F9F]  }
0x2e: {  	s3 =	simm.s32 @!p0 $0x1082;
	s9 =	sld [smem:$0x3FA0]  }
0x2f: {  	lr =	sadd.s32 s0, s3;
	s0 =	sld [smem:$0x3F97]  }
0x30: {  	s3 =	sld [smem:$0x3F9A]  }
0x31: {  	[smem:$0x3FA3] =	sst s10  }
0x32: {  	s10 =	sld [smem:$0x3FA1];
	_ =	sdelay $0x3  }
0x33: {  	p0 =	seq.s32 s10, $0x1;
	s10 =	sld [smem:$0x3FA3];
	_ =	sdelay $0x3  }
0x34: {  	[smem:$0x3FA3] =	sst s10  }
0x35: {  	s10 =	sld [smem:$0x3FA2];
	_ =	sdelay $0x3  }
0x36: {  	p1 =	seq.s32 s10, $0x1;
	s10 =	sld [smem:$0x3FA3];
	_ =	sdelay $0x3  }
0x37: {  	[smem:$0x3FA3] =	sst s10  }
0x38: {  	s10 =	sld [smem:$0x3FA4]  }
0x39: {  	_ = 	snop;
	(pc) =	sbr.ind lr, $3  }
0x3a: {  	_ = 	snop  }
0x3b: {  	_ = 	snop  }
0x3c: {  	p2 =	seq.s32 s10, $0x1;
	s10 =	sld [smem:$0x3FA3]  }
0x3d: {  	_ =	shalt  }
0x3e: {  	_ =	shalt  }
0x3f: {  	_ =	shalt  }
0x40: {  	_ =	shalt  }
0x41: {  	_ =	shalt  }
0x42: {  	_ =	shalt  }
0x43: {  	_ =	shalt  }
0x44: {  	_ =	shalt  }
0x45: {  	_ =	shalt  }
0x46: {  	_ =	shalt  }
0x47: {  	_ =	shalt  }
0x48: {  	_ =	shalt  }
0x49: {  	_ =	shalt  }
0x4a: {  	_ =	shalt  }
0x4b: {  	_ =	shalt  }
0x4c: {  	_ =	shalt  }
0x4d: {  	_ =	shalt  }
0x4e: {  	_ =	shalt  }
0x4f: {  	_ =	shalt  }
0x50: {  	_ =	shalt  }
0x51: {  	_ =	shalt  }
0x52: {  	_ =	shalt  }
0x53: {  	_ =	shalt  }
0x54: {  	_ =	shalt  }
0x55: {  	_ =	shalt  }
0x56: {  	_ =	shalt  }
0x57: {  	_ =	shalt  }
0x58: {  	_ =	shalt  }
0x59: {  	_ =	shalt  }
0x5a: {  	_ =	shalt  }
0x5b: {  	_ =	shalt  }
0x5c: {  	_ =	shalt  }
0x5d: {  	_ =	shalt  }
0x5e: {  	_ =	shalt  }
0x5f: {  	_ =	shalt  }
0x60: {  	_ =	shalt  }
0x61: {  	_ =	shalt  }
0x62: {  	_ =	shalt  }
0x63: {  	_ =	shalt  }
0x64: {  	_ =	shalt  }
0x65: {  	_ =	shalt  }
0x66: {  	_ =	shalt  }
0x67: {  	_ =	shalt  }
0x68: {  	_ =	shalt  }
0x69: {  	_ =	shalt  }
0x6a: {  	_ =	shalt  }
0x6b: {  	_ =	shalt  }
0x6c: {  	_ =	shalt  }
0x6d: {  	_ =	shalt  }
0x6e: {  	_ =	shalt  }
0x6f: {  	_ =	shalt  }
0x70: {  	_ =	shalt  }
0x71: {  	_ =	shalt  }
0x72: {  	_ =	shalt  }
0x73: {  	_ =	shalt  }
0x74: {  	_ =	shalt  }
0x75: {  	_ =	shalt  }
0x76: {  	_ =	shalt  }
0x77: {  	_ =	shalt  }
0x78: {  	_ =	shalt  }
0x79: {  	_ =	shalt  }
0x7a: {  	_ =	shalt  }
0x7b: {  	_ =	shalt  }
0x7c: {  	_ =	shalt  }
0x7d: {  	_ =	shalt  }
0x7e: {  	_ =	shalt  }
0x7f: {  	_ =	shalt  }
0x80: {  	_ =	shalt  }
0x81: {  	_ =	shalt  }
0x82: {  	_ =	shalt  }
0x83: {  	_ =	shalt  }
0x84: {  	_ =	shalt  }
0x85: {  	_ =	shalt  }
0x86: {  	_ =	shalt  }
0x87: {  	_ =	shalt  }
.Lfunc_end0:
.L_simem_size_0:
called_computation_lowered:
.L_overlay_start_0:
0x88: {  	s2 =	sld [smem:$0x3FD9]  }
0x89: {  	s3 =	sld [smem:$0x3FFE];
	_ =	sdelay $0x1  }
0x8a: {  	s1 =	srdreg.scid  }
0x8b: {  	s0 =	sand.u32 $0x1, s1  }
0x8c: {  	s16 =	sshll.u32 s0, $0xA;
	s2 =	sadd.s32 s3, s2  }
0x8d: {  	s2 =	sadd.s32 s2, s16  }
0x8e: {  	[smem:$0x3FAF] =	sst s2  }
0x8f: {  	_ = 	snop  }
0x90: {  	(tm) =	ssettm $0x1  }
0x91: {  	s17 =	sld [smem:$0x3FFB];
	_ =	sdelay $0x3  }
0x92: {  	_ =	strace s17  }
0x93: {  	s2 =	sld [smem:$0x3FFC];
	_ =	sdelay $0x3  }
0x94: {  	_ =	strace s2  }
0x95: {  	s2 =	sld [smem:$0x3FFD];
	_ =	sdelay $0x3  }
0x96: {  	_ =	strace s2  }
0x97: {  	_ =	strace $0x8FFFFFFF  }
0x98: {  	s18 =	sld [smem:$0x3FDB];
	_ =	sdelay $0x1  }
0x99: {  	s19 =	simm.s32 $_scs_section_size  }
0x9a: {  	s4 =	simm.s32 $_size__tile_overlayer_lowered;
	s5 =	simm.s32 $_tile_overlayer_lowered  }
0x9b: {  	s22 =	simm.s32 $0x1BFF;
	s21 =	sshll.u32 s5, $0x1;
	s2 =	sadd.s32 s19, s18  }
0x9c: {  	s6 =	simm.s32 $0x0;
	s20 =	sshll.u32 s4, $0x1;
	s4 =	sadd.s32 s21, s2  }
0x9d: {  	[timem:s6], [sflag:s22] =	dma.local [hbm:s4], s20  }
0x9e: {  	_ =	swait.ge [sflag:s22], s20  }
0x9f: {  	s3 =	ssub.s32 $0x0, s20;
	[sflag:s22] =	ssyncset.done $0x0  }
0xa0: {  	[sflag:s22] =	ssyncadd.s32 s3;
	_ =	sdelay $0x1  }
0xa1: {  	s23 =	simm.s32 $0x1B8B  }
0xa2: {  	_ =	swait.ge [sflag:s23], $0x1  }
0xa3: {  	[sflag:s23] =	ssyncset.done $0x0  }
0xa4: {  	s25 =	simm.s32 $0x1B8E;
	s24 =	sld [smem:$0x3FFE];
	[sflag:s23] =	ssyncadd.s32 $0xFFFFFFFF  }
0xa5: {  	s26 =	simm.s32 $execute0_lowered;
	[smem:$0x3FD2] =	sst s25  }
0xa6: {  	s4 =	sshll.u32 s26, $0x1;
	_ =	strace $0x80000046;
	[dreg:$0x1] =	wrdreg $0xFFFFFFFF  }
0xa7: {  	s28 =	simm.s32 $_size_execute0_lowered;
	s2 =	sadd.s32 s2, s4;
	[dreg:$0x0] =	wrdreg $0x0  }
0xa8: {  	s4 =	sshll.u32 s28, $0x1;
	[dreg:$0x2] =	wrdreg s2  }
0xa9: {  	[dreg:$0x3] =	wrdreg s4  }
0xaa: {  	[dreg:$0x4] =	wrdreg $0xC0  }
0xab: {  	_ =	task [dreg:s6], $0x5FFFF  }
0xac: {  	[dreg:$0x1] =	wrdreg $0xFFFFFFFF  }
0xad: {  	[dreg:$0x0] =	wrdreg $0x60  }
0xae: {  	[dreg:$0x2] =	wrdreg s24  }
0xaf: {  	[dreg:$0x3] =	wrdreg $0x44000  }
0xb0: {  	[dreg:$0x4] =	wrdreg $0x9  }
0xb1: {  	_ =	task.clear_ibuf [dreg:s6], $0x5FFFF;
	_ =	strace $0x90000046  }
0xb2: {  	s29 =	simm.s32 $0x9;
	_ =	strace $0x80000048  }
0xb3: {  	_ =	swait.ge [sflag:s29], $0x1  }
0xb4: {  	[sflag:s29] =	ssyncadd.s32 $0xFFFFFFFF  }
0xb5: {  	_ =	strace $0x90000048  }
0xb6: {  	_ =	sfence  }
0xb7: {  	s30 =	sld [smem:$0x0];
	_ =	sdelay $0x2  }
0xb8: {  	s31 =	sshll.u32 s1, $0xD;
	s1 =	sshrl.u32 s1, $0x2  }
0xb9: {  	s3 =	sand.u32 $0x4000, s31;
	s1 =	sadd.s32 s1, s30  }
0xba: {  	s0 =	sor.u32 s3, s0;
	s1 =	sshll.u32 s1, $0x11  }
0xbb: {  	s0 =	sor.u32 s1, s0  }
0xbc: {  	s0 =	sadd.s32 $0x8F2B, s0  }
0xbd: {  	[sflag:s0] =	ssyncadd.remote.s32 $0x1  }
0xbe: {  	_ =	sfence.sel $0xFFFF  }
0xbf: {  	[dreg:$0x0] =	wrdreg $0xFFFFFFFF;
	(pc) =	sbr.abs _section_cstart, $3  }
0xc0: {  	[dreg:$0x1] =	wrdreg $0xFFFFFFFF  }
0xc1: {  	_ =	task.clear_ibuf [dreg:s6], $0x2FFFF;
	_ =	strace $0x9FFFFFFF  }
0xc2: {  	(tm) =	ssettm $0x7FFFFFFF  }
0xc3: {  	_ =	shalt  }
tec
execute0_lowered:
.L_overlay_start_1:
0x0: {  	(tag) =	ssettag $0x1  }
0x1: {  	s9 =	stileid.u32  }
0x2: {  	s0 =	srdreg.scid;
	s6 =	smul.u32 $0x188, s9  }
0x3: {  	s1 =	rddreg [dreg:$0x0];
	s7 =	smul.u32 $0x18700, s9  }
0x4: {  	s2 =	rddreg [dreg:$0x1];
	s3 =	simm.s32 $0x0;
	s15 =	smul.u32 $0x61C00, s9  }
0x5: {  	s28 =	simm.s32 $0x2C00;
	s0 =	sand.u32 $0x1, s0;
	s22 =	smul.u32 $0xC4000, s9  }
0x6: {  	s29 =	simm.s32 $0x300;
	s30 =	simm.s32 $0x3400;
	s4 =	smul.u32 $0xC40000, s0  }
0x7: {  	s31 =	simm.s32 $0x380;
	[smem:$0x7FF] =	sst s3;
	s5 =	smul.u32 $0x1880, s0  }
0x8: {  	s8 =	smul.u32 $0x187000, s0;
	_ =	strace $0x80000047;
	s0 =	ssub.s32 $0x2, s0  }
0x9: {  	s18 =	sshrl.u32 s0, $0x1;
	s19 =	sshrl.u32 s15, $0x2;
	s15 =	simm.s32 $0x400  }
0xa: {  	s12 =	sadd.s32 s4, s1;
	s13 =	sadd.s32 s6, s5;
	s14 =	sadd.s32 s7, s8  }
0xb: {  	s0 =	ssub.s32 s0, s18;
	s5 =	sadd.s32 s19, s2;
	s18 =	simm.s32 $0x80  }
0xc: {  	s19 =	simm.s32 $0xC00;
	s4 =	sshll.u32 s13, $0x4;
	s17 =	sshrl.u32 s14, $0x3  }
0xd: {  	s20 =	sadd.s32 $0x4000, s5;
	s21 =	sadd.s32 $0x8000, s5;
	s23 =	sadd.s32 $0xC000, s5  }
0xe: {  	s24 =	sadd.s32 $0x10000, s5;
	s25 =	sadd.s32 $0x14000, s5;
	[dreg:$0x3] =	wrdreg s20  }
0xf: {  	s10 =	sadd.s32 $0x18000, s5;
	s26 =	sadd.s32 s22, s12;
	[dreg:$0x4] =	wrdreg s21  }
0x10: {  	s12 =	smax.u32 s0, $0x1;
	s22 =	simm.s32 $0x180;
	[dreg:$0x5] =	wrdreg s23  }
0x11: {  	s0 =	simm.s32 $0x0;
	s16 =	sadd.s32 s4, s1;
	[dreg:$0x6] =	wrdreg s24  }
0x12: {  	s1 =	sadd.s32 s17, s1;
	s4 =	sadd.s32 s7, s2;
	[dreg:$0x7] =	wrdreg s25  }
0x13: {  	s13 =	sadd.s32 $0x38E00, s26;
	s17 =	simm.s32 $0x10;
	s20 =	simm.s32 $0x100  }
0x14: {  	s21 =	simm.s32 $0x1400;
	s23 =	simm.s32 $0x1C00;
	s24 =	simm.s32 $0x200  }
0x15: {  	s25 =	simm.s32 $0x2400;
	s26 =	simm.s32 $0x280;
	s11 =	sadd.s32 $0x18B8E00, s1  }
0x16: {  	v0 =	vimm.f32 $0.0e+00;
	s14 =	sadd.s32 $0x7E00, s16;
	s16 =	simm.s32 $0x1;
	s1 =	simm.s32 $0x3C00  }
.LBB2_1:
0x17: {  	s5 =	simm.s32 $0x40;
	s6 =	simm.s32 $0x0  }
.LBB2_2:
0x18: {  	p0 =	sne.s32 s5, $0xFFC0;
	[tilespmem:s6+$0x400] =	vst v0;
	s6 =	smov.u32 s5;
	s5 =	sadd.s32 $0x40, s5  }
.Ltmp0:
0x19: {  	(pc) =	sbr.rel @p0 .LBB2_2-.Ltmp0, $2  }
0x1a: {  	_ =	sdelay $0x2  }
0x1b: {  	s6 =	sshra.s32 s6, $0x2  }
0x1c: {  	[tilespmem:s6+$0x400] =	vst v0  }
0x1d: {  	[spmem:s4] =	stream.linear.scatter [tilespmem:s15], [sflag:$0x1], $0x4000, $0x38;
	[tilespmem:$0x1CB00] =	vst v63  }
0x1e: {  	_ =	swait.ge [sflag:s16], $0x4000  }
0x1f: {  	[sflag:s16] =	ssyncset.done $0x0  }
0x20: {  	s5 =	rddreg [dreg:$0x3];
	[sflag:s16] =	ssyncadd.s32 $0xFFFFC000  }
0x21: {  	[spmem:s5] =	stream.linear.scatter [tilespmem:s15], [sflag:$0x1], $0x4000, $0x38;
	[tilespmem:$0x1CB00] =	vst v63  }
0x22: {  	_ =	swait.ge [sflag:s16], $0x4000  }
0x23: {  	[sflag:s16] =	ssyncset.done $0x0  }
0x24: {  	s9 =	rddreg [dreg:$0x4];
	[sflag:s16] =	ssyncadd.s32 $0xFFFFC000  }
0x25: {  	[spmem:s9] =	stream.linear.scatter [tilespmem:s15], [sflag:$0x1], $0x4000, $0x38;
	[tilespmem:$0x1CB00] =	vst v63  }
0x26: {  	_ =	swait.ge [sflag:s16], $0x4000  }
0x27: {  	[sflag:s16] =	ssyncset.done $0x0  }
0x28: {  	s6 =	rddreg [dreg:$0x5];
	[sflag:s16] =	ssyncadd.s32 $0xFFFFC000  }
0x29: {  	[spmem:s6] =	stream.linear.scatter [tilespmem:s15], [sflag:$0x1], $0x4000, $0x38;
	[tilespmem:$0x1CB00] =	vst v63  }
0x2a: {  	_ =	swait.ge [sflag:s16], $0x4000  }
0x2b: {  	[sflag:s16] =	ssyncset.done $0x0  }
0x2c: {  	s7 =	rddreg [dreg:$0x6];
	[sflag:s16] =	ssyncadd.s32 $0xFFFFC000  }
0x2d: {  	[spmem:s7] =	stream.linear.scatter [tilespmem:s15], [sflag:$0x1], $0x4000, $0x38;
	[tilespmem:$0x1CB00] =	vst v63  }
0x2e: {  	_ =	swait.ge [sflag:s16], $0x4000  }
0x2f: {  	[sflag:s16] =	ssyncset.done $0x0  }
0x30: {  	s8 =	rddreg [dreg:$0x7];
	[sflag:s16] =	ssyncadd.s32 $0xFFFFC000  }
0x31: {  	[spmem:s8] =	stream.linear.scatter [tilespmem:s15], [sflag:$0x1], $0x4000, $0x38;
	[tilespmem:$0x1CB00] =	vst v63  }
0x32: {  	_ =	swait.ge [sflag:s16], $0x4000  }
0x33: {  	[sflag:s16] =	ssyncset.done $0x0  }
0x34: {  	[sflag:s16] =	ssyncadd.s32 $0xFFFFC000  }
0x35: {  	[spmem:s10] =	stream.linear.scatter [tilespmem:s15], [sflag:$0x1], $0x700, $0x38;
	[tilespmem:$0x1CB00] =	vst v63  }
0x36: {  	_ =	swait.ge [sflag:s16], $0x700  }
0x37: {  	[sflag:s16] =	ssyncset.done $0x0  }
0x38: {  	[sflag:s16] =	ssyncadd.s32 $0xFFFFF900  }
0x39: {  	s9 =	sadd.s32 $0x0, s14;
	[bflag:$0x0] =	sbarrier.arrive $0xFFFF  }
0x3a: {  	[tilespmem:s3], [sflag:$0x1] =	stream.linear.gather [hbm4b:s9+s3], $0x400, $0x38;
	[tilespmem:$0x1CB00] =	vst v63  }
0x3b: {  	_ =	swait.ge [sflag:s16], $0x400  }
0x3c: {  	[sflag:s16] =	ssyncset.done $0x0  }
0x3d: {  	[sflag:s16] =	ssyncadd.s32 $0xFFFFFC00  }
0x3e: {  	[tilespmem:s15], [sflag:$0x1] =	stream.strided.gather [hbm4b:s13+s17], $0x4000, s18, s17, $0x38;
	[tilespmem:$0x1CB00] =	vst v63  }
0x3f: {  	_ =	swait.ge [sflag:s16], $0x4000  }
0x40: {  	[sflag:s16] =	ssyncset.done $0x0  }
0x41: {  	[sflag:s16] =	ssyncadd.s32 $0xFFFFC000  }
0x42: {  	[spmem:s2] =	stream.indirect.scatter.add.f32 [tilespmem:s15], [sflag:$0x1], $0x10, s3, s18, $0xb8;
	[tilespmem:$0x1CB00] =	vst v63  }
0x43: {  	_ =	swait.ge [sflag:s16], $0x800  }
0x44: {  	[sflag:s16] =	ssyncset.done $0x0  }
0x45: {  	[sflag:s16] =	ssyncadd.s32 $0xFFFFF800  }
0x46: {  	[spmem:s2] =	stream.indirect.scatter.add.f32 [tilespmem:s19], [sflag:$0x1], $0x10, s18, s18, $0xb8;
	[tilespmem:$0x1CB00] =	vst v63  }
0x47: {  	_ =	swait.ge [sflag:s16], $0x800  }
0x48: {  	[sflag:s16] =	ssyncset.done $0x0  }
0x49: {  	[sflag:s16] =	ssyncadd.s32 $0xFFFFF800  }
0x4a: {  	[spmem:s2] =	stream.indirect.scatter.add.f32 [tilespmem:s21], [sflag:$0x1], $0x10, s20, s18, $0xb8;
	[tilespmem:$0x1CB00] =	vst v63  }
0x4b: {  	_ =	swait.ge [sflag:s16], $0x800  }
0x4c: {  	[sflag:s16] =	ssyncset.done $0x0  }
0x4d: {  	[sflag:s16] =	ssyncadd.s32 $0xFFFFF800  }
0x4e: {  	[spmem:s2] =	stream.indirect.scatter.add.f32 [tilespmem:s23], [sflag:$0x1], $0x10, s22, s18, $0xb8;
	[tilespmem:$0x1CB00] =	vst v63  }
0x4f: {  	_ =	swait.ge [sflag:s16], $0x800  }
0x50: {  	[sflag:s16] =	ssyncset.done $0x0  }
0x51: {  	[sflag:s16] =	ssyncadd.s32 $0xFFFFF800  }
0x52: {  	[spmem:s2] =	stream.indirect.scatter.add.f32 [tilespmem:s25], [sflag:$0x1], $0x10, s24, s18, $0xb8;
	[tilespmem:$0x1CB00] =	vst v63  }
0x53: {  	_ =	swait.ge [sflag:s16], $0x800  }
0x54: {  	[sflag:s16] =	ssyncset.done $0x0  }
0x55: {  	[sflag:s16] =	ssyncadd.s32 $0xFFFFF800  }
0x56: {  	[spmem:s2] =	stream.indirect.scatter.add.f32 [tilespmem:s28], [sflag:$0x1], $0x10, s26, s18, $0xb8;
	[tilespmem:$0x1CB00] =	vst v63  }
0x57: {  	_ =	swait.ge [sflag:s16], $0x800  }
0x58: {  	[sflag:s16] =	ssyncset.done $0x0  }
0x59: {  	[sflag:s16] =	ssyncadd.s32 $0xFFFFF800  }
0x5a: {  	[spmem:s2] =	stream.indirect.scatter.add.f32 [tilespmem:s30], [sflag:$0x1], $0x10, s29, s18, $0xb8;
	[tilespmem:$0x1CB00] =	vst v63  }
0x5b: {  	_ =	swait.ge [sflag:s16], $0x800  }
0x5c: {  	[sflag:s16] =	ssyncset.done $0x0  }
0x5d: {  	[sflag:s16] =	ssyncadd.s32 $0xFFFFF800  }
0x5e: {  	[spmem:s2] =	stream.indirect.scatter.add.f32 [tilespmem:s1], [sflag:$0x1], $0x10, s31, s18, $0xb8;
	[tilespmem:$0x1CB00] =	vst v63  }
0x5f: {  	s5 =	sadd.s32 $0x4000, s13;
	_ =	swait.ge [sflag:s16], $0x800  }
0x60: {  	s6 =	simm.s32 $0x80;
	s7 =	simm.s32 $0x100;
	[sflag:s16] =	ssyncset.done $0x0  }
.LBB2_4:
0x61: {  	s9 =	sadd.s32 s6, s14  }
0x62: {  	[sflag:s16] =	ssyncadd.s32 $0xFFFFF800;
	s6 =	smov.u32 s7;
	s8 =	sadd.s32 $0x80, s7  }
0x63: {  	[tilespmem:s3], [sflag:$0x1] =	stream.linear.gather [hbm4b:s9+s3], $0x400, $0x38;
	[tilespmem:$0x1CB00] =	vst v63  }
0x64: {  	p0 =	sne.s32 s7, $0x1800;
	_ =	swait.ge [sflag:s16], $0x400  }
0x65: {  	[sflag:s16] =	ssyncset.done $0x0  }
0x66: {  	[sflag:s16] =	ssyncadd.s32 $0xFFFFFC00  }
0x67: {  	[tilespmem:s15], [sflag:$0x1] =	stream.strided.gather [hbm4b:s5+s17], $0x4000, s18, s17, $0x38;
	[tilespmem:$0x1CB00] =	vst v63  }
0x68: {  	_ =	swait.ge [sflag:s16], $0x4000  }
0x69: {  	[sflag:s16] =	ssyncset.done $0x0  }
0x6a: {  	[sflag:s16] =	ssyncadd.s32 $0xFFFFC000  }
0x6b: {  	[spmem:s2] =	stream.indirect.scatter.add.f32 [tilespmem:s15], [sflag:$0x1], $0x10, s3, s18, $0xb8;
	[tilespmem:$0x1CB00] =	vst v63  }
0x6c: {  	_ =	swait.ge [sflag:s16], $0x800  }
0x6d: {  	[sflag:s16] =	ssyncset.done $0x0  }
0x6e: {  	[sflag:s16] =	ssyncadd.s32 $0xFFFFF800  }
0x6f: {  	[spmem:s2] =	stream.indirect.scatter.add.f32 [tilespmem:s19], [sflag:$0x1], $0x10, s18, s18, $0xb8;
	[tilespmem:$0x1CB00] =	vst v63  }
0x70: {  	_ =	swait.ge [sflag:s16], $0x800  }
0x71: {  	[sflag:s16] =	ssyncset.done $0x0  }
0x72: {  	[sflag:s16] =	ssyncadd.s32 $0xFFFFF800  }
0x73: {  	[spmem:s2] =	stream.indirect.scatter.add.f32 [tilespmem:s21], [sflag:$0x1], $0x10, s20, s18, $0xb8;
	[tilespmem:$0x1CB00] =	vst v63  }
0x74: {  	_ =	swait.ge [sflag:s16], $0x800  }
0x75: {  	[sflag:s16] =	ssyncset.done $0x0  }
0x76: {  	[sflag:s16] =	ssyncadd.s32 $0xFFFFF800  }
0x77: {  	[spmem:s2] =	stream.indirect.scatter.add.f32 [tilespmem:s23], [sflag:$0x1], $0x10, s22, s18, $0xb8;
	[tilespmem:$0x1CB00] =	vst v63  }
0x78: {  	_ =	swait.ge [sflag:s16], $0x800  }
0x79: {  	[sflag:s16] =	ssyncset.done $0x0  }
0x7a: {  	[sflag:s16] =	ssyncadd.s32 $0xFFFFF800  }
0x7b: {  	[spmem:s2] =	stream.indirect.scatter.add.f32 [tilespmem:s25], [sflag:$0x1], $0x10, s24, s18, $0xb8;
	[tilespmem:$0x1CB00] =	vst v63  }
0x7c: {  	_ =	swait.ge [sflag:s16], $0x800  }
0x7d: {  	[sflag:s16] =	ssyncset.done $0x0  }
0x7e: {  	[sflag:s16] =	ssyncadd.s32 $0xFFFFF800  }
0x7f: {  	[spmem:s2] =	stream.indirect.scatter.add.f32 [tilespmem:s28], [sflag:$0x1], $0x10, s26, s18, $0xb8;
	[tilespmem:$0x1CB00] =	vst v63  }
0x80: {  	_ =	swait.ge [sflag:s16], $0x800  }
0x81: {  	[sflag:s16] =	ssyncset.done $0x0  }
0x82: {  	[sflag:s16] =	ssyncadd.s32 $0xFFFFF800  }
0x83: {  	[spmem:s2] =	stream.indirect.scatter.add.f32 [tilespmem:s30], [sflag:$0x1], $0x10, s29, s18, $0xb8;
	[tilespmem:$0x1CB00] =	vst v63  }
0x84: {  	_ =	swait.ge [sflag:s16], $0x800  }
.Ltmp1:
0x85: {  	[sflag:s16] =	ssyncset.done $0x0;
	(pc) =	sbr.rel @p0 .LBB2_4-.Ltmp1, $4  }
0x86: {  	[sflag:s16] =	ssyncadd.s32 $0xFFFFF800  }
0x87: {  	[spmem:s2] =	stream.indirect.scatter.add.f32 [tilespmem:s1], [sflag:$0x1], $0x10, s31, s18, $0xb8;
	[tilespmem:$0x1CB00] =	vst v63  }
0x88: {  	_ =	swait.ge [sflag:s16], $0x800  }
0x89: {  	s7 =	smov.u32 s8;
	s5 =	sadd.s32 $0x4000, s5;
	[sflag:s16] =	ssyncset.done $0x0  }
0x8a: {  	s6 =	sadd.s32 s6, s14;
	[sflag:s16] =	ssyncadd.s32 $0xFFFFF800  }
0x8b: {  	[tilespmem:s3], [sflag:$0x1] =	stream.linear.gather [hbm4b:s6+s3], $0x400, $0x38;
	[tilespmem:$0x1CB00] =	vst v63  }
0x8c: {  	_ =	swait.ge [sflag:s16], $0x400  }
0x8d: {  	[sflag:s16] =	ssyncset.done $0x0  }
0x8e: {  	[sflag:s16] =	ssyncadd.s32 $0xFFFFFC00  }
0x8f: {  	[tilespmem:s15], [sflag:$0x1] =	stream.strided.gather [hbm4b:s5+s17], $0x4000, s18, s17, $0x38;
	[tilespmem:$0x1CB00] =	vst v63  }
0x90: {  	_ =	swait.ge [sflag:s16], $0x4000  }
0x91: {  	[sflag:s16] =	ssyncset.done $0x0  }
0x92: {  	[sflag:s16] =	ssyncadd.s32 $0xFFFFC000  }
0x93: {  	[spmem:s2] =	stream.indirect.scatter.add.f32 [tilespmem:s15], [sflag:$0x1], $0x10, s3, s18, $0xb8;
	[tilespmem:$0x1CB00] =	vst v63  }
0x94: {  	_ =	swait.ge [sflag:s16], $0x800  }
0x95: {  	[sflag:s16] =	ssyncset.done $0x0  }
0x96: {  	[sflag:s16] =	ssyncadd.s32 $0xFFFFF800  }
0x97: {  	[spmem:s2] =	stream.indirect.scatter.add.f32 [tilespmem:s19], [sflag:$0x1], $0x10, s18, s18, $0xb8;
	[tilespmem:$0x1CB00] =	vst v63  }
0x98: {  	_ =	swait.ge [sflag:s16], $0x800  }
0x99: {  	[sflag:s16] =	ssyncset.done $0x0  }
0x9a: {  	[sflag:s16] =	ssyncadd.s32 $0xFFFFF800  }
0x9b: {  	[spmem:s2] =	stream.indirect.scatter.add.f32 [tilespmem:s21], [sflag:$0x1], $0x10, s20, s18, $0xb8;
	[tilespmem:$0x1CB00] =	vst v63  }
0x9c: {  	_ =	swait.ge [sflag:s16], $0x800  }
0x9d: {  	[sflag:s16] =	ssyncset.done $0x0  }
0x9e: {  	[sflag:s16] =	ssyncadd.s32 $0xFFFFF800  }
0x9f: {  	[spmem:s2] =	stream.indirect.scatter.add.f32 [tilespmem:s23], [sflag:$0x1], $0x10, s22, s18, $0xb8;
	[tilespmem:$0x1CB00] =	vst v63  }
0xa0: {  	_ =	swait.ge [sflag:s16], $0x800  }
0xa1: {  	[sflag:s16] =	ssyncset.done $0x0  }
0xa2: {  	[sflag:s16] =	ssyncadd.s32 $0xFFFFF800  }
0xa3: {  	[spmem:s2] =	stream.indirect.scatter.add.f32 [tilespmem:s25], [sflag:$0x1], $0x10, s24, s18, $0xb8;
	[tilespmem:$0x1CB00] =	vst v63  }
0xa4: {  	_ =	swait.ge [sflag:s16], $0x800  }
0xa5: {  	[sflag:s16] =	ssyncset.done $0x0  }
0xa6: {  	[sflag:s16] =	ssyncadd.s32 $0xFFFFF800  }
0xa7: {  	[spmem:s2] =	stream.indirect.scatter.add.f32 [tilespmem:s28], [sflag:$0x1], $0x10, s26, s18, $0xb8;
	[tilespmem:$0x1CB00] =	vst v63  }
0xa8: {  	_ =	swait.ge [sflag:s16], $0x800  }
0xa9: {  	[sflag:s16] =	ssyncset.done $0x0  }
0xaa: {  	[sflag:s16] =	ssyncadd.s32 $0xFFFFF800  }
0xab: {  	[spmem:s2] =	stream.indirect.scatter.add.f32 [tilespmem:s30], [sflag:$0x1], $0x10, s29, s18, $0xb8;
	[tilespmem:$0x1CB00] =	vst v63  }
0xac: {  	_ =	swait.ge [sflag:s16], $0x800  }
0xad: {  	[sflag:s16] =	ssyncset.done $0x0  }
0xae: {  	[sflag:s16] =	ssyncadd.s32 $0xFFFFF800  }
0xaf: {  	[spmem:s2] =	stream.indirect.scatter.add.f32 [tilespmem:s1], [sflag:$0x1], $0x10, s31, s18, $0xb8;
	[tilespmem:$0x1CB00] =	vst v63  }
0xb0: {  	s8 =	stileid.u32;
	_ =	swait.ge [sflag:s16], $0x800  }
0xb1: {  	s9 =	sshrl.u32 s4, $0x3;
	s0 =	sadd.s32 $0x1, s0;
	[sflag:s16] =	ssyncset.done $0x0  }
0xb2: {  	p0 =	sne.s32 s0, s12;
	s5 =	sshll.u32 s8, $0x6;
	[sflag:s16] =	ssyncadd.s32 $0xFFFFF800  }
.Ltmp2:
0xb3: {  	s5 =	sor.u32 $0x1C01, s5;
	[bflag:$0x0] =	sbarrier.arrive $0xFFFF;
	(pc) =	sbr.rel @p0 .LBB2_1-.Ltmp2, $4  }
0xb4: {  	[hbm:s11], [sflag:s5] =	dma.local [spmem:s9], $0x30E0  }
0xb5: {  	_ =	swait.ge [sflag:s16], $0x30E0  }
0xb6: {  	[sflag:s16] =	ssyncset.done $0x0  }
0xb7: {  	[sflag:s16] =	ssyncadd.s32 $0xFFFFCF20  }
0xb8: {  	_ =	sfence.sel $0x180000  }
0xb9: {  	[bflag:$0x0] =	sbarrier.arrive $0xFFFF  }
0xba: {  	_ =	strace $0x90000047  }
0xbb: {  	s0 =	stileid.u32;
	[bflag:$0x2] =	sbarrier.arrive $0xFFFF  }
0xbc: {  	p0 =	sne.s32 s0, $0x0;
	s0 =	rddreg [dreg:$0x2]  }
0xbd: {  	s0 =	sadd.s32 @!p0 $0x100000, s0  }
0xbe: {  	[sflag:s0] =	ssyncadd.tile.s32 @!p0 $0x1;
	_ =	shalt  }
.Lfunc_end2:
_tile_overlayer_lowered:
.L_overlay_start_2:
0xbf: {  	(tag) =	ssettag $0x2  }
0xc0: {  	s0 =	rddreg [dreg:$0x0];
	s2 =	stileid.u32  }
0xc1: {  	s1 =	rddreg [dreg:$0x1];
	p0 =	sne.s32 s2, $0x0  }
0xc2: {  	s3 =	rddreg [dreg:$0x2];
	[bflag:$0x3] =	sbarrier.arrive $0xFFFF;
	s2 =	simm.s32 @!p0 $0x1C01  }
0xc3: {  	[timem:s3], [sflag:s2] =	dma.local @!p0 [hbm:s0], s1  }
0xc4: {  	s0 =	simm.s32 @!p0 $0x1  }
0xc5: {  	_ =	swait.ge @!p0 [sflag:s0], s1  }
0xc6: {  	s1 =	ssub.s32 @!p0 $0x0, s1;
	[sflag:s0] =	ssyncset.done @!p0 $0x0  }
0xc7: {  	[sflag:s0] =	ssyncadd.s32 @!p0 s1  }
0xc8: {  	[bflag:$0x3] =	sbarrier.arrive $0xFFFF  }
0xc9: {  	_ =	shalt  }

</sc_bundles>
